<compile_context>
chip_gen: v7x
topology: tpu7x:2x2x1
jax: 0.10.2.dev20260603
libtpu: 0.0.44.dev20260713+nightly
codegen_flags: <defaults>
</compile_context>

<pallas_src>
import functools

import jax
import jax.numpy as jnp
from jax import lax
from jax.experimental import pallas as pl
from jax.experimental.pallas import tpu as pltpu
from jax.experimental.pallas import tpu_sc as plsc

N_FIELDS = 26
VOCAB = 100000
EMBED = 32
BATCH = 16384

NC, NS, L = 2, 16, 16
NW = NC * NS
TOTAL = BATCH * N_FIELDS
PER_W = TOTAL // NW
TCH = 512
ECH = TCH * EMBED
N_CH = PER_W // TCH
NBUF = 2

_mesh = plsc.VectorSubcoreMesh(
    core_axis_name="c", subcore_axis_name="s", num_cores=NC, num_subcores=NS
)


@functools.partial(
    pl.kernel,
    out_type=jax.ShapeDtypeStruct((TOTAL * EMBED,), jnp.float32),
    mesh=_mesh,
    compiler_params=pltpu.CompilerParams(
        use_tc_tiling_on_sc=False, needs_layout_passes=False
    ),
    scratch_types=[
        pltpu.VMEM((PER_W,), jnp.int32),
        [pltpu.VMEM((ECH,), jnp.int32)] * NBUF,
        [pltpu.VMEM((ECH,), jnp.float32)] * NBUF,
        [pltpu.SemaphoreType.DMA] * NBUF,
        [pltpu.SemaphoreType.DMA] * NBUF,
    ],
)
def _sc_gather(tt_hbm, tokens_hbm, out_hbm, tok_v, idx_vs, rows_vs, g_sems, o_sems):
    wid = lax.axis_index("s") * NC + lax.axis_index("c")
    base = wid * PER_W

    pltpu.sync_copy(tokens_hbm.at[pl.ds(base, PER_W)], tok_v)

    def build_idx(cc, k):
        def body(t, carry):
            iota = lax.iota(jnp.int32, L)
            e_lo = iota * VOCAB
            e_hi = e_lo + L * VOCAB
            p = cc * TCH + t
            tok = plsc.load_gather(tok_v, [jnp.broadcast_to(p, (L,))])
            f = lax.rem(base + p, N_FIELDS)
            s0 = tok + f * (EMBED * VOCAB)
            idx_vs[k][pl.ds(t * EMBED, L)] = s0 + e_lo
            idx_vs[k][pl.ds(t * EMBED + L, L)] = s0 + e_hi
            return carry

        lax.fori_loop(0, TCH, body, 0)

    def gather(cc, k):
        return pltpu.async_copy(
            tt_hbm.at[idx_vs[k]], rows_vs[k], g_sems[k]
        )

    def write_out(cc, k):
        return pltpu.async_copy(
            rows_vs[k],
            out_hbm.at[pl.ds((base + cc * TCH) * EMBED, ECH)],
            o_sems[k],
        )

    g_h = [None] * N_CH
    o_h = [None] * N_CH
    build_idx(0, 0)
    g_h[0] = gather(0, 0)
    for cc in range(N_CH):
        k = cc % NBUF
        nk = (cc + 1) % NBUF
        if cc + 1 < N_CH:
            if cc + 1 >= NBUF:
                o_h[cc + 1 - NBUF].wait()
            build_idx(cc + 1, nk)
            g_h[cc + 1] = gather(cc + 1, nk)
        g_h[cc].wait()
        o_h[cc] = write_out(cc, k)
    o_h[N_CH - 2].wait()
    o_h[N_CH - 1].wait()


def kernel(tokens, tables):
    f = tables.shape[0]
    d = tables.shape[-1]
    tt1d = tables.transpose(0, 2, 1).reshape(-1)
    tok_flat = tokens.reshape(-1).astype(jnp.int32)
    out = _sc_gather(tt1d, tok_flat)
    return out.reshape(tokens.shape[0], f, d)

# --- scband reference (transcript-rebuilt; emitter-appended) ---
"""Pipeline reference for scband-multi-discrete-embedding-3642132267053 (READ-ONLY COPY).

The authoritative reference and input builder live on the scoring server;
editing this copy changes nothing except your own understanding.
"""

import jax, jax.numpy as jnp
import numpy as np

N_FIELDS = 26
VOCAB = 100000
EMBED = 32
BATCH = 16384


def setup_inputs(seed: int = 0) -> dict:
    key = jax.random.key(seed)
    k_tok, k_tab = jax.random.split(key)
    tokens = jax.random.randint(k_tok, (BATCH, N_FIELDS), 0, VOCAB)
    # One embedding table per field; vocab sizes are all equal so we stack
    # them into a single [n_fields, vocab, embed_dim] parameter tensor.
    tables = jax.random.normal(k_tab, (N_FIELDS, VOCAB, EMBED), dtype=jnp.float32) * 0.02
    return {"tokens": tokens, "tables": tables}


def reference(tokens, tables):
    # Faithful translation of MultiDiscreteEmbedding.forward:
    # per-field embedding lookup, then stack along a new axis at dim=-2.
    assert tokens.ndim >= 2
    assert tokens.shape[-1] == tables.shape[0]
    embeddings = [jnp.take(tables[i], tokens[..., i], axis=0) for i in range(tables.shape[0])]
    return jnp.stack(embeddings, axis=-2)

if __name__ == "__main__":
    import jax
    _d = setup_inputs()
    print(jax.jit(kernel)(*tuple(_d.values())))

</pallas_src>

<mosaic_0001>
#map = affine_map<(d0, d1) -> (0)>
module attributes {stable_mosaic.version = 14 : i64} {
  func.func @_sc_gather(%arg0: i32, %arg1: i32, %arg2: memref<83200000xf32, #tpu.memory_space<hbm>>, %arg3: memref<425984xi32, #tpu.memory_space<hbm>>, %arg4: memref<13631488xf32, #tpu.memory_space<hbm>>, %arg5: memref<13312xi32, #tpu.memory_space<vmem>>, %arg6: memref<16384xi32, #tpu.memory_space<vmem>>, %arg7: memref<16384xi32, #tpu.memory_space<vmem>>, %arg8: memref<16384xf32, #tpu.memory_space<vmem>>, %arg9: memref<16384xf32, #tpu.memory_space<vmem>>, %arg10: memref<!tpu.dma_semaphore, #tpu.memory_space<semaphore_mem>>, %arg11: memref<!tpu.dma_semaphore, #tpu.memory_space<semaphore_mem>>, %arg12: memref<!tpu.dma_semaphore, #tpu.memory_space<semaphore_mem>>, %arg13: memref<!tpu.dma_semaphore, #tpu.memory_space<semaphore_mem>>) attributes {dimension_semantics = [#tpu.dimension_semantics<core_parallel>, #tpu.dimension_semantics<subcore_parallel>], iteration_bounds = array<i64: 2, 16>, scalar_prefetch = 0 : i64, scratch_operands = 9 : i64, tpu.core_type = #tpu.core_type<sc_vector_subcore>, window_params = [{transform_indices = #map}, {transform_indices = #map}, {transform_indices = #map}]} {
    %mul3A = arith.constant 2 : i32
    %mul3A_0 = arith.muli %arg1, %mul3A : i32
    %add3A = arith.addi %mul3A_0, %arg0 : i32
    %mul3A_1 = arith.constant 13312 : i32
    %mul3A_2 = arith.muli %add3A, %mul3A_1 : i32
    "tpu.region"() ({
      %run_scoped3A = tpu.sem_alloc : memref<!tpu.dma_semaphore, #tpu.memory_space<semaphore_mem>>
      %dma_start3A_468 = tpu.memref_slice %arg3[%mul3A_2] : memref<425984xi32, #tpu.memory_space<hbm>> -> memref<13312xi32, #tpu.memory_space<hbm>>
      %dma_start3A_469 = tpu.memref_slice %arg3[%mul3A_2] : memref<425984xi32, #tpu.memory_space<hbm>> -> memref<13312xi32, #tpu.memory_space<hbm>>
      tpu.enqueue_dma source(%dma_start3A_469 : memref<13312xi32, #tpu.memory_space<hbm>>) target(%arg5 : memref<13312xi32, #tpu.memory_space<vmem>>) target_semaphore(%run_scoped3A : memref<!tpu.dma_semaphore, #tpu.memory_space<semaphore_mem>>)
      %dma_wait3A_470 = tpu.memref_slice %arg3[%mul3A_2] : memref<425984xi32, #tpu.memory_space<hbm>> -> memref<13312xi32, #tpu.memory_space<hbm>>
      %dma_wait3A_471 = tpu.memref_slice %arg3[%mul3A_2] : memref<425984xi32, #tpu.memory_space<hbm>> -> memref<13312xi32, #tpu.memory_space<hbm>>
      tpu.wait_dma2 semaphore(%run_scoped3A : memref<!tpu.dma_semaphore, #tpu.memory_space<semaphore_mem>>) src(%dma_wait3A_471 : memref<13312xi32, #tpu.memory_space<hbm>>) dst(%arg5 : memref<13312xi32, #tpu.memory_space<vmem>>)
      tpu.yield
    }) : () -> ()
    %scan3A = arith.constant 0 : i32
    %scan3A_3 = arith.constant 0 : i32
    %scan3A_4 = arith.constant 512 : i32
    %scan3A_5 = arith.addi %scan3A_3, %scan3A_4 : i32
    %scan3A_6 = arith.constant 1 : i32
    scf.for %scan3A_468 = %scan3A_3 to %scan3A_5 step %scan3A_6  : i32 {
      %iota3A = tpu.iota {dimensions = array<i32: 0>} : vector<16xi32>
      %mul3A_469 = arith.constant 100000 : i32
      %mul3A_470 = vector.broadcast %mul3A_469 : i32 to vector<16xi32>
      %mul3A_471 = arith.muli %iota3A, %mul3A_470 : vector<16xi32>
      %add3A_472 = arith.constant 1600000 : i32
      %add3A_473 = vector.broadcast %add3A_472 : i32 to vector<16xi32>
      %add3A_474 = arith.addi %mul3A_471, %add3A_473 : vector<16xi32>
      %add3A_475 = arith.constant 0 : i32
      %add3A_476 = arith.addi %add3A_475, %scan3A_468 : i32
      %broadcast_in_dim3A = vector.broadcast %add3A_476 : i32 to vector<16xi32>
      %gather3A = tpu.vector_load_idx %arg5[%broadcast_in_dim3A] : memref<13312xi32, #tpu.memory_space<vmem>>[vector<16xi32>], vector<16xi32>,
      %add3A_477 = arith.addi %mul3A_2, %add3A_476 : i32
      %rem3A = arith.constant 26 : i32
      %rem3A_478 = arith.remsi %add3A_477, %rem3A : i32
      %mul3A_479 = arith.constant 3200000 : i32
      %mul3A_480 = arith.muli %rem3A_478, %mul3A_479 : i32
      %add3A_481 = vector.broadcast %mul3A_480 : i32 to vector<16xi32>
      %add3A_482 = arith.addi %gather3A, %add3A_481 : vector<16xi32>
      %add3A_483 = arith.addi %add3A_482, %mul3A_471 : vector<16xi32>
      %mul3A_484 = arith.constant 32 : i32
      %mul3A_485 = arith.muli %scan3A_468, %mul3A_484 : i32
      %swap3A = arith.index_cast %mul3A_485 : i32 to index
      %swap3A_486 = tpu.vector_load %arg6[%swap3A] {strides = array<i32>} : memref<16384xi32, #tpu.memory_space<vmem>>, vector<16xi32>,
      tpu.vector_store %arg6[%swap3A], %add3A_483 {strides = array<i32>} : memref<16384xi32, #tpu.memory_space<vmem>>, vector<16xi32>,
      %add3A_487 = arith.addi %add3A_482, %add3A_474 : vector<16xi32>
      %mul3A_488 = arith.constant 32 : i32
      %mul3A_489 = arith.muli %scan3A_468, %mul3A_488 : i32
      %add3A_490 = arith.constant 16 : i32
      %add3A_491 = arith.addi %mul3A_489, %add3A_490 : i32
      %swap3A_492 = arith.index_cast %add3A_491 : i32 to index
      %swap3A_493 = tpu.vector_load %arg6[%swap3A_492] {strides = array<i32>} : memref<16384xi32, #tpu.memory_space<vmem>>, vector<16xi32>,
      tpu.vector_store %arg6[%swap3A_492], %add3A_487 {strides = array<i32>} : memref<16384xi32, #tpu.memory_space<vmem>>, vector<16xi32>,
    }
    %scan3A_7 = arith.constant 512 : i32
    %dma_start3A = arith.constant 0 : i32
    %dma_start3A_8 = tpu.memref_slice %arg2[%dma_start3A] : memref<83200000xf32, #tpu.memory_space<hbm>> -> memref<83200000xf32, #tpu.memory_space<hbm>>
    tpu.enqueue_indirect_dma source(%dma_start3A_8 : memref<83200000xf32, #tpu.memory_space<hbm>>) target(%arg8 : memref<16384xf32, #tpu.memory_space<vmem>>) offsets(%arg6 : memref<16384xi32, #tpu.memory_space<vmem>>) semaphore(%arg10 : memref<!tpu.dma_semaphore, #tpu.memory_space<semaphore_mem>>)
    %scan3A_9 = arith.constant 0 : i32
    %scan3A_10 = arith.constant 0 : i32
    %scan3A_11 = arith.constant 512 : i32
    %scan3A_12 = arith.addi %scan3A_10, %scan3A_11 : i32
    %scan3A_13 = arith.constant 1 : i32
    scf.for %scan3A_468 = %scan3A_10 to %scan3A_12 step %scan3A_13  : i32 {
      %iota3A = tpu.iota {dimensions = array<i32: 0>} : vector<16xi32>
      %mul3A_469 = arith.constant 100000 : i32
      %mul3A_470 = vector.broadcast %mul3A_469 : i32 to vector<16xi32>
      %mul3A_471 = arith.muli %iota3A, %mul3A_470 : vector<16xi32>
      %add3A_472 = arith.constant 1600000 : i32
      %add3A_473 = vector.broadcast %add3A_472 : i32 to vector<16xi32>
      %add3A_474 = arith.addi %mul3A_471, %add3A_473 : vector<16xi32>
      %add3A_475 = arith.constant 512 : i32
      %add3A_476 = arith.addi %add3A_475, %scan3A_468 : i32
      %broadcast_in_dim3A = vector.broadcast %add3A_476 : i32 to vector<16xi32>
      %gather3A = tpu.vector_load_idx %arg5[%broadcast_in_dim3A] : memref<13312xi32, #tpu.memory_space<vmem>>[vector<16xi32>], vector<16xi32>,
      %add3A_477 = arith.addi %mul3A_2, %add3A_476 : i32
      %rem3A = arith.constant 26 : i32
      %rem3A_478 = arith.remsi %add3A_477, %rem3A : i32
      %mul3A_479 = arith.constant 3200000 : i32
      %mul3A_480 = arith.muli %rem3A_478, %mul3A_479 : i32
      %add3A_481 = vector.broadcast %mul3A_480 : i32 to vector<16xi32>
      %add3A_482 = arith.addi %gather3A, %add3A_481 : vector<16xi32>
      %add3A_483 = arith.addi %add3A_482, %mul3A_471 : vector<16xi32>
      %mul3A_484 = arith.constant 32 : i32
      %mul3A_485 = arith.muli %scan3A_468, %mul3A_484 : i32
      %swap3A = arith.index_cast %mul3A_485 : i32 to index
      %swap3A_486 = tpu.vector_load %arg7[%swap3A] {strides = array<i32>} : memref<16384xi32, #tpu.memory_space<vmem>>, vector<16xi32>,
      tpu.vector_store %arg7[%swap3A], %add3A_483 {strides = array<i32>} : memref<16384xi32, #tpu.memory_space<vmem>>, vector<16xi32>,
      %add3A_487 = arith.addi %add3A_482, %add3A_474 : vector<16xi32>
      %mul3A_488 = arith.constant 32 : i32
      %mul3A_489 = arith.muli %scan3A_468, %mul3A_488 : i32
      %add3A_490 = arith.constant 16 : i32
      %add3A_491 = arith.addi %mul3A_489, %add3A_490 : i32
      %swap3A_492 = arith.index_cast %add3A_491 : i32 to index
      %swap3A_493 = tpu.vector_load %arg7[%swap3A_492] {strides = array<i32>} : memref<16384xi32, #tpu.memory_space<vmem>>, vector<16xi32>,
      tpu.vector_store %arg7[%swap3A_492], %add3A_487 {strides = array<i32>} : memref<16384xi32, #tpu.memory_space<vmem>>, vector<16xi32>,
    }
    %scan3A_14 = arith.constant 512 : i32
    %dma_start3A_15 = arith.constant 0 : i32
    %dma_start3A_16 = tpu.memref_slice %arg2[%dma_start3A_15] : memref<83200000xf32, #tpu.memory_space<hbm>> -> memref<83200000xf32, #tpu.memory_space<hbm>>
    tpu.enqueue_indirect_dma source(%dma_start3A_16 : memref<83200000xf32, #tpu.memory_space<hbm>>) target(%arg9 : memref<16384xf32, #tpu.memory_space<vmem>>) offsets(%arg7 : memref<16384xi32, #tpu.memory_space<vmem>>) semaphore(%arg11 : memref<!tpu.dma_semaphore, #tpu.memory_space<semaphore_mem>>)
    %dma_wait3A = arith.constant 0 : i32
    %dma_wait3A_17 = tpu.memref_slice %arg2[%dma_wait3A] : memref<83200000xf32, #tpu.memory_space<hbm>> -> memref<83200000xf32, #tpu.memory_space<hbm>>
    tpu.wait_indirect_dma semaphore(%arg10 : memref<!tpu.dma_semaphore, #tpu.memory_space<semaphore_mem>>) src(%dma_wait3A_17 : memref<83200000xf32, #tpu.memory_space<hbm>>) dst(%arg8 : memref<16384xf32, #tpu.memory_space<vmem>>)
    %add3A_18 = arith.constant 0 : i32
    %add3A_19 = arith.addi %mul3A_2, %add3A_18 : i32
    %mul3A_20 = arith.constant 32 : i32
    %mul3A_21 = arith.muli %add3A_19, %mul3A_20 : i32
    %dma_start3A_22 = tpu.memref_slice %arg4[%mul3A_21] : memref<13631488xf32, #tpu.memory_space<hbm>> -> memref<16384xf32, #tpu.memory_space<hbm>>
    %dma_start3A_23 = tpu.memref_slice %arg4[%mul3A_21] : memref<13631488xf32, #tpu.memory_space<hbm>> -> memref<16384xf32, #tpu.memory_space<hbm>>
    tpu.enqueue_dma source(%arg8 : memref<16384xf32, #tpu.memory_space<vmem>>) target(%dma_start3A_23 : memref<16384xf32, #tpu.memory_space<hbm>>) target_semaphore(%arg12 : memref<!tpu.dma_semaphore, #tpu.memory_space<semaphore_mem>>)
    %dma_wait3A_24 = tpu.memref_slice %arg4[%mul3A_21] : memref<13631488xf32, #tpu.memory_space<hbm>> -> memref<16384xf32, #tpu.memory_space<hbm>>
    %dma_wait3A_25 = tpu.memref_slice %arg4[%mul3A_21] : memref<13631488xf32, #tpu.memory_space<hbm>> -> memref<16384xf32, #tpu.memory_space<hbm>>
    tpu.wait_dma2 semaphore(%arg12 : memref<!tpu.dma_semaphore, #tpu.memory_space<semaphore_mem>>) src(%arg8 : memref<16384xf32, #tpu.memory_space<vmem>>) dst(%dma_wait3A_25 : memref<16384xf32, #tpu.memory_space<hbm>>)
    %scan3A_26 = arith.constant 0 : i32
    %scan3A_27 = arith.constant 0 : i32
    %scan3A_28 = arith.constant 512 : i32
    %scan3A_29 = arith.addi %scan3A_27, %scan3A_28 : i32
    %scan3A_30 = arith.constant 1 : i32
    scf.for %scan3A_468 = %scan3A_27 to %scan3A_29 step %scan3A_30  : i32 {
      %iota3A = tpu.iota {dimensions = array<i32: 0>} : vector<16xi32>
      %mul3A_469 = arith.constant 100000 : i32
      %mul3A_470 = vector.broadcast %mul3A_469 : i32 to vector<16xi32>
      %mul3A_471 = arith.muli %iota3A, %mul3A_470 : vector<16xi32>
      %add3A_472 = arith.constant 1600000 : i32
      %add3A_473 = vector.broadcast %add3A_472 : i32 to vector<16xi32>
      %add3A_474 = arith.addi %mul3A_471, %add3A_473 : vector<16xi32>
      %add3A_475 = arith.constant 1024 : i32
      %add3A_476 = arith.addi %add3A_475, %scan3A_468 : i32
      %broadcast_in_dim3A = vector.broadcast %add3A_476 : i32 to vector<16xi32>
      %gather3A = tpu.vector_load_idx %arg5[%broadcast_in_dim3A] : memref<13312xi32, #tpu.memory_space<vmem>>[vector<16xi32>], vector<16xi32>,
      %add3A_477 = arith.addi %mul3A_2, %add3A_476 : i32
      %rem3A = arith.constant 26 : i32
      %rem3A_478 = arith.remsi %add3A_477, %rem3A : i32
      %mul3A_479 = arith.constant 3200000 : i32
      %mul3A_480 = arith.muli %rem3A_478, %mul3A_479 : i32
      %add3A_481 = vector.broadcast %mul3A_480 : i32 to vector<16xi32>
      %add3A_482 = arith.addi %gather3A, %add3A_481 : vector<16xi32>
      %add3A_483 = arith.addi %add3A_482, %mul3A_471 : vector<16xi32>
      %mul3A_484 = arith.constant 32 : i32
      %mul3A_485 = arith.muli %scan3A_468, %mul3A_484 : i32
      %swap3A = arith.index_cast %mul3A_485 : i32 to index
      %swap3A_486 = tpu.vector_load %arg6[%swap3A] {strides = array<i32>} : memref<16384xi32, #tpu.memory_space<vmem>>, vector<16xi32>,
      tpu.vector_store %arg6[%swap3A], %add3A_483 {strides = array<i32>} : memref<16384xi32, #tpu.memory_space<vmem>>, vector<16xi32>,
      %add3A_487 = arith.addi %add3A_482, %add3A_474 : vector<16xi32>
      %mul3A_488 = arith.constant 32 : i32
      %mul3A_489 = arith.muli %scan3A_468, %mul3A_488 : i32
      %add3A_490 = arith.constant 16 : i32
      %add3A_491 = arith.addi %mul3A_489, %add3A_490 : i32
      %swap3A_492 = arith.index_cast %add3A_491 : i32 to index
      %swap3A_493 = tpu.vector_load %arg6[%swap3A_492] {strides = array<i32>} : memref<16384xi32, #tpu.memory_space<vmem>>, vector<16xi32>,
      tpu.vector_store %arg6[%swap3A_492], %add3A_487 {strides = array<i32>} : memref<16384xi32, #tpu.memory_space<vmem>>, vector<16xi32>,
    }
    %scan3A_31 = arith.constant 512 : i32
    %dma_start3A_32 = arith.constant 0 : i32
    %dma_start3A_33 = tpu.memref_slice %arg2[%dma_start3A_32] : memref<83200000xf32, #tpu.memory_space<hbm>> -> memref<83200000xf32, #tpu.memory_space<hbm>>
    tpu.enqueue_indirect_dma source(%dma_start3A_33 : memref<83200000xf32, #tpu.memory_space<hbm>>) target(%arg8 : memref<16384xf32, #tpu.memory_space<vmem>>) offsets(%arg6 : memref<16384xi32, #tpu.memory_space<vmem>>) semaphore(%arg10 : memref<!tpu.dma_semaphore, #tpu.memory_space<semaphore_mem>>)
    %dma_wait3A_34 = arith.constant 0 : i32
    %dma_wait3A_35 = tpu.memref_slice %arg2[%dma_wait3A_34] : memref<83200000xf32, #tpu.memory_space<hbm>> -> memref<83200000xf32, #tpu.memory_space<hbm>>
    tpu.wait_indirect_dma semaphore(%arg11 : memref<!tpu.dma_semaphore, #tpu.memory_space<semaphore_mem>>) src(%dma_wait3A_35 : memref<83200000xf32, #tpu.memory_space<hbm>>) dst(%arg9 : memref<16384xf32, #tpu.memory_space<vmem>>)
    %add3A_36 = arith.constant 512 : i32
    %add3A_37 = arith.addi %mul3A_2, %add3A_36 : i32
    %mul3A_38 = arith.constant 32 : i32
    %mul3A_39 = arith.muli %add3A_37, %mul3A_38 : i32
    %dma_start3A_40 = tpu.memref_slice %arg4[%mul3A_39] : memref<13631488xf32, #tpu.memory_space<hbm>> -> memref<16384xf32, #tpu.memory_space<hbm>>
    %dma_start3A_41 = tpu.memref_slice %arg4[%mul3A_39] : memref<13631488xf32, #tpu.memory_space<hbm>> -> memref<16384xf32, #tpu.memory_space<hbm>>
    tpu.enqueue_dma source(%arg9 : memref<16384xf32, #tpu.memory_space<vmem>>) target(%dma_start3A_41 : memref<16384xf32, #tpu.memory_space<hbm>>) target_semaphore(%arg13 : memref<!tpu.dma_semaphore, #tpu.memory_space<semaphore_mem>>)
    %dma_wait3A_42 = tpu.memref_slice %arg4[%mul3A_39] : memref<13631488xf32, #tpu.memory_space<hbm>> -> memref<16384xf32, #tpu.memory_space<hbm>>
    %dma_wait3A_43 = tpu.memref_slice %arg4[%mul3A_39] : memref<13631488xf32, #tpu.memory_space<hbm>> -> memref<16384xf32, #tpu.memory_space<hbm>>
    tpu.wait_dma2 semaphore(%arg13 : memref<!tpu.dma_semaphore, #tpu.memory_space<semaphore_mem>>) src(%arg9 : memref<16384xf32, #tpu.memory_space<vmem>>) dst(%dma_wait3A_43 : memref<16384xf32, #tpu.memory_space<hbm>>)
    %scan3A_44 = arith.constant 0 : i32
    %scan3A_45 = arith.constant 0 : i32
    %scan3A_46 = arith.constant 512 : i32
    %scan3A_47 = arith.addi %scan3A_45, %scan3A_46 : i32
    %scan3A_48 = arith.constant 1 : i32
    scf.for %scan3A_468 = %scan3A_45 to %scan3A_47 step %scan3A_48  : i32 {
      %iota3A = tpu.iota {dimensions = array<i32: 0>} : vector<16xi32>
      %mul3A_469 = arith.constant 100000 : i32
      %mul3A_470 = vector.broadcast %mul3A_469 : i32 to vector<16xi32>
      %mul3A_471 = arith.muli %iota3A, %mul3A_470 : vector<16xi32>
      %add3A_472 = arith.constant 1600000 : i32
      %add3A_473 = vector.broadcast %add3A_472 : i32 to vector<16xi32>
      %add3A_474 = arith.addi %mul3A_471, %add3A_473 : vector<16xi32>
      %add3A_475 = arith.constant 1536 : i32
      %add3A_476 = arith.addi %add3A_475, %scan3A_468 : i32
      %broadcast_in_dim3A = vector.broadcast %add3A_476 : i32 to vector<16xi32>
      %gather3A = tpu.vector_load_idx %arg5[%broadcast_in_dim3A] : memref<13312xi32, #tpu.memory_space<vmem>>[vector<16xi32>], vector<16xi32>,
      %add3A_477 = arith.addi %mul3A_2, %add3A_476 : i32
      %rem3A = arith.constant 26 : i32
      %rem3A_478 = arith.remsi %add3A_477, %rem3A : i32
      %mul3A_479 = arith.constant 3200000 : i32
      %mul3A_480 = arith.muli %rem3A_478, %mul3A_479 : i32
      %add3A_481 = vector.broadcast %mul3A_480 : i32 to vector<16xi32>
      %add3A_482 = arith.addi %gather3A, %add3A_481 : vector<16xi32>
      %add3A_483 = arith.addi %add3A_482, %mul3A_471 : vector<16xi32>
      %mul3A_484 = arith.constant 32 : i32
      %mul3A_485 = arith.muli %scan3A_468, %mul3A_484 : i32
      %swap3A = arith.index_cast %mul3A_485 : i32 to index
      %swap3A_486 = tpu.vector_load %arg7[%swap3A] {strides = array<i32>} : memref<16384xi32, #tpu.memory_space<vmem>>, vector<16xi32>,
      tpu.vector_store %arg7[%swap3A], %add3A_483 {strides = array<i32>} : memref<16384xi32, #tpu.memory_space<vmem>>, vector<16xi32>,
      %add3A_487 = arith.addi %add3A_482, %add3A_474 : vector<16xi32>
      %mul3A_488 = arith.constant 32 : i32
      %mul3A_489 = arith.muli %scan3A_468, %mul3A_488 : i32
      %add3A_490 = arith.constant 16 : i32
      %add3A_491 = arith.addi %mul3A_489, %add3A_490 : i32
      %swap3A_492 = arith.index_cast %add3A_491 : i32 to index
      %swap3A_493 = tpu.vector_load %arg7[%swap3A_492] {strides = array<i32>} : memref<16384xi32, #tpu.memory_space<vmem>>, vector<16xi32>,
      tpu.vector_store %arg7[%swap3A_492], %add3A_487 {strides = array<i32>} : memref<16384xi32, #tpu.memory_space<vmem>>, vector<16xi32>,
    }
    %scan3A_49 = arith.constant 512 : i32
    %dma_start3A_50 = arith.constant 0 : i32
    %dma_start3A_51 = tpu.memref_slice %arg2[%dma_start3A_50] : memref<83200000xf32, #tpu.memory_space<hbm>> -> memref<83200000xf32, #tpu.memory_space<hbm>>
    tpu.enqueue_indirect_dma source(%dma_start3A_51 : memref<83200000xf32, #tpu.memory_space<hbm>>) target(%arg9 : memref<16384xf32, #tpu.memory_space<vmem>>) offsets(%arg7 : memref<16384xi32, #tpu.memory_space<vmem>>) semaphore(%arg11 : memref<!tpu.dma_semaphore, #tpu.memory_space<semaphore_mem>>)
    %dma_wait3A_52 = arith.constant 0 : i32
    %dma_wait3A_53 = tpu.memref_slice %arg2[%dma_wait3A_52] : memref<83200000xf32, #tpu.memory_space<hbm>> -> memref<83200000xf32, #tpu.memory_space<hbm>>
    tpu.wait_indirect_dma semaphore(%arg10 : memref<!tpu.dma_semaphore, #tpu.memory_space<semaphore_mem>>) src(%dma_wait3A_53 : memref<83200000xf32, #tpu.memory_space<hbm>>) dst(%arg8 : memref<16384xf32, #tpu.memory_space<vmem>>)
    %add3A_54 = arith.constant 1024 : i32
    %add3A_55 = arith.addi %mul3A_2, %add3A_54 : i32
    %mul3A_56 = arith.constant 32 : i32
    %mul3A_57 = arith.muli %add3A_55, %mul3A_56 : i32
    %dma_start3A_58 = tpu.memref_slice %arg4[%mul3A_57] : memref<13631488xf32, #tpu.memory_space<hbm>> -> memref<16384xf32, #tpu.memory_space<hbm>>
    %dma_start3A_59 = tpu.memref_slice %arg4[%mul3A_57] : memref<13631488xf32, #tpu.memory_space<hbm>> -> memref<16384xf32, #tpu.memory_space<hbm>>
    tpu.enqueue_dma source(%arg8 : memref<16384xf32, #tpu.memory_space<vmem>>) target(%dma_start3A_59 : memref<16384xf32, #tpu.memory_space<hbm>>) target_semaphore(%arg12 : memref<!tpu.dma_semaphore, #tpu.memory_space<semaphore_mem>>)
    %dma_wait3A_60 = tpu.memref_slice %arg4[%mul3A_57] : memref<13631488xf32, #tpu.memory_space<hbm>> -> memref<16384xf32, #tpu.memory_space<hbm>>
    %dma_wait3A_61 = tpu.memref_slice %arg4[%mul3A_57] : memref<13631488xf32, #tpu.memory_space<hbm>> -> memref<16384xf32, #tpu.memory_space<hbm>>
    tpu.wait_dma2 semaphore(%arg12 : memref<!tpu.dma_semaphore, #tpu.memory_space<semaphore_mem>>) src(%arg8 : memref<16384xf32, #tpu.memory_space<vmem>>) dst(%dma_wait3A_61 : memref<16384xf32, #tpu.memory_space<hbm>>)
    %scan3A_62 = arith.constant 0 : i32
    %scan3A_63 = arith.constant 0 : i32
    %scan3A_64 = arith.constant 512 : i32
    %scan3A_65 = arith.addi %scan3A_63, %scan3A_64 : i32
    %scan3A_66 = arith.constant 1 : i32
    scf.for %scan3A_468 = %scan3A_63 to %scan3A_65 step %scan3A_66  : i32 {
      %iota3A = tpu.iota {dimensions = array<i32: 0>} : vector<16xi32>
      %mul3A_469 = arith.constant 100000 : i32
      %mul3A_470 = vector.broadcast %mul3A_469 : i32 to vector<16xi32>
      %mul3A_471 = arith.muli %iota3A, %mul3A_470 : vector<16xi32>
      %add3A_472 = arith.constant 1600000 : i32
      %add3A_473 = vector.broadcast %add3A_472 : i32 to vector<16xi32>
      %add3A_474 = arith.addi %mul3A_471, %add3A_473 : vector<16xi32>
      %add3A_475 = arith.constant 2048 : i32
      %add3A_476 = arith.addi %add3A_475, %scan3A_468 : i32
      %broadcast_in_dim3A = vector.broadcast %add3A_476 : i32 to vector<16xi32>
      %gather3A = tpu.vector_load_idx %arg5[%broadcast_in_dim3A] : memref<13312xi32, #tpu.memory_space<vmem>>[vector<16xi32>], vector<16xi32>,
      %add3A_477 = arith.addi %mul3A_2, %add3A_476 : i32
      %rem3A = arith.constant 26 : i32
      %rem3A_478 = arith.remsi %add3A_477, %rem3A : i32
      %mul3A_479 = arith.constant 3200000 : i32
      %mul3A_480 = arith.muli %rem3A_478, %mul3A_479 : i32
      %add3A_481 = vector.broadcast %mul3A_480 : i32 to vector<16xi32>
      %add3A_482 = arith.addi %gather3A, %add3A_481 : vector<16xi32>
      %add3A_483 = arith.addi %add3A_482, %mul3A_471 : vector<16xi32>
      %mul3A_484 = arith.constant 32 : i32
      %mul3A_485 = arith.muli %scan3A_468, %mul3A_484 : i32
      %swap3A = arith.index_cast %mul3A_485 : i32 to index
      %swap3A_486 = tpu.vector_load %arg6[%swap3A] {strides = array<i32>} : memref<16384xi32, #tpu.memory_space<vmem>>, vector<16xi32>,
      tpu.vector_store %arg6[%swap3A], %add3A_483 {strides = array<i32>} : memref<16384xi32, #tpu.memory_space<vmem>>, vector<16xi32>,
      %add3A_487 = arith.addi %add3A_482, %add3A_474 : vector<16xi32>
      %mul3A_488 = arith.constant 32 : i32
      %mul3A_489 = arith.muli %scan3A_468, %mul3A_488 : i32
      %add3A_490 = arith.constant 16 : i32
      %add3A_491 = arith.addi %mul3A_489, %add3A_490 : i32
      %swap3A_492 = arith.index_cast %add3A_491 : i32 to index
      %swap3A_493 = tpu.vector_load %arg6[%swap3A_492] {strides = array<i32>} : memref<16384xi32, #tpu.memory_space<vmem>>, vector<16xi32>,
      tpu.vector_store %arg6[%swap3A_492], %add3A_487 {strides = array<i32>} : memref<16384xi32, #tpu.memory_space<vmem>>, vector<16xi32>,
    }
    %scan3A_67 = arith.constant 512 : i32
    %dma_start3A_68 = arith.constant 0 : i32
    %dma_start3A_69 = tpu.memref_slice %arg2[%dma_start3A_68] : memref<83200000xf32, #tpu.memory_space<hbm>> -> memref<83200000xf32, #tpu.memory_space<hbm>>
    tpu.enqueue_indirect_dma source(%dma_start3A_69 : memref<83200000xf32, #tpu.memory_space<hbm>>) target(%arg8 : memref<16384xf32, #tpu.memory_space<vmem>>) offsets(%arg6 : memref<16384xi32, #tpu.memory_space<vmem>>) semaphore(%arg10 : memref<!tpu.dma_semaphore, #tpu.memory_space<semaphore_mem>>)
    %dma_wait3A_70 = arith.constant 0 : i32
    %dma_wait3A_71 = tpu.memref_slice %arg2[%dma_wait3A_70] : memref<83200000xf32, #tpu.memory_space<hbm>> -> memref<83200000xf32, #tpu.memory_space<hbm>>
    tpu.wait_indirect_dma semaphore(%arg11 : memref<!tpu.dma_semaphore, #tpu.memory_space<semaphore_mem>>) src(%dma_wait3A_71 : memref<83200000xf32, #tpu.memory_space<hbm>>) dst(%arg9 : memref<16384xf32, #tpu.memory_space<vmem>>)
    %add3A_72 = arith.constant 1536 : i32
    %add3A_73 = arith.addi %mul3A_2, %add3A_72 : i32
    %mul3A_74 = arith.constant 32 : i32
    %mul3A_75 = arith.muli %add3A_73, %mul3A_74 : i32
    %dma_start3A_76 = tpu.memref_slice %arg4[%mul3A_75] : memref<13631488xf32, #tpu.memory_space<hbm>> -> memref<16384xf32, #tpu.memory_space<hbm>>
    %dma_start3A_77 = tpu.memref_slice %arg4[%mul3A_75] : memref<13631488xf32, #tpu.memory_space<hbm>> -> memref<16384xf32, #tpu.memory_space<hbm>>
    tpu.enqueue_dma source(%arg9 : memref<16384xf32, #tpu.memory_space<vmem>>) target(%dma_start3A_77 : memref<16384xf32, #tpu.memory_space<hbm>>) target_semaphore(%arg13 : memref<!tpu.dma_semaphore, #tpu.memory_space<semaphore_mem>>)
    %dma_wait3A_78 = tpu.memref_slice %arg4[%mul3A_75] : memref<13631488xf32, #tpu.memory_space<hbm>> -> memref<16384xf32, #tpu.memory_space<hbm>>
    %dma_wait3A_79 = tpu.memref_slice %arg4[%mul3A_75] : memref<13631488xf32, #tpu.memory_space<hbm>> -> memref<16384xf32, #tpu.memory_space<hbm>>
    tpu.wait_dma2 semaphore(%arg13 : memref<!tpu.dma_semaphore, #tpu.memory_space<semaphore_mem>>) src(%arg9 : memref<16384xf32, #tpu.memory_space<vmem>>) dst(%dma_wait3A_79 : memref<16384xf32, #tpu.memory_space<hbm>>)
    %scan3A_80 = arith.constant 0 : i32
    %scan3A_81 = arith.constant 0 : i32
    %scan3A_82 = arith.constant 512 : i32
    %scan3A_83 = arith.addi %scan3A_81, %scan3A_82 : i32
    %scan3A_84 = arith.constant 1 : i32
    scf.for %scan3A_468 = %scan3A_81 to %scan3A_83 step %scan3A_84  : i32 {
      %iota3A = tpu.iota {dimensions = array<i32: 0>} : vector<16xi32>
      %mul3A_469 = arith.constant 100000 : i32
      %mul3A_470 = vector.broadcast %mul3A_469 : i32 to vector<16xi32>
      %mul3A_471 = arith.muli %iota3A, %mul3A_470 : vector<16xi32>
      %add3A_472 = arith.constant 1600000 : i32
      %add3A_473 = vector.broadcast %add3A_472 : i32 to vector<16xi32>
      %add3A_474 = arith.addi %mul3A_471, %add3A_473 : vector<16xi32>
      %add3A_475 = arith.constant 2560 : i32
      %add3A_476 = arith.addi %add3A_475, %scan3A_468 : i32
      %broadcast_in_dim3A = vector.broadcast %add3A_476 : i32 to vector<16xi32>
      %gather3A = tpu.vector_load_idx %arg5[%broadcast_in_dim3A] : memref<13312xi32, #tpu.memory_space<vmem>>[vector<16xi32>], vector<16xi32>,
      %add3A_477 = arith.addi %mul3A_2, %add3A_476 : i32
      %rem3A = arith.constant 26 : i32
      %rem3A_478 = arith.remsi %add3A_477, %rem3A : i32
      %mul3A_479 = arith.constant 3200000 : i32
      %mul3A_480 = arith.muli %rem3A_478, %mul3A_479 : i32
      %add3A_481 = vector.broadcast %mul3A_480 : i32 to vector<16xi32>
      %add3A_482 = arith.addi %gather3A, %add3A_481 : vector<16xi32>
      %add3A_483 = arith.addi %add3A_482, %mul3A_471 : vector<16xi32>
      %mul3A_484 = arith.constant 32 : i32
      %mul3A_485 = arith.muli %scan3A_468, %mul3A_484 : i32
      %swap3A = arith.index_cast %mul3A_485 : i32 to index
      %swap3A_486 = tpu.vector_load %arg7[%swap3A] {strides = array<i32>} : memref<16384xi32, #tpu.memory_space<vmem>>, vector<16xi32>,
      tpu.vector_store %arg7[%swap3A], %add3A_483 {strides = array<i32>} : memref<16384xi32, #tpu.memory_space<vmem>>, vector<16xi32>,
      %add3A_487 = arith.addi %add3A_482, %add3A_474 : vector<16xi32>
      %mul3A_488 = arith.constant 32 : i32
      %mul3A_489 = arith.muli %scan3A_468, %mul3A_488 : i32
      %add3A_490 = arith.constant 16 : i32
      %add3A_491 = arith.addi %mul3A_489, %add3A_490 : i32
      %swap3A_492 = arith.index_cast %add3A_491 : i32 to index
      %swap3A_493 = tpu.vector_load %arg7[%swap3A_492] {strides = array<i32>} : memref<16384xi32, #tpu.memory_space<vmem>>, vector<16xi32>,
      tpu.vector_store %arg7[%swap3A_492], %add3A_487 {strides = array<i32>} : memref<16384xi32, #tpu.memory_space<vmem>>, vector<16xi32>,
    }
    %scan3A_85 = arith.constant 512 : i32
    %dma_start3A_86 = arith.constant 0 : i32
    %dma_start3A_87 = tpu.memref_slice %arg2[%dma_start3A_86] : memref<83200000xf32, #tpu.memory_space<hbm>> -> memref<83200000xf32, #tpu.memory_space<hbm>>
    tpu.enqueue_indirect_dma source(%dma_start3A_87 : memref<83200000xf32, #tpu.memory_space<hbm>>) target(%arg9 : memref<16384xf32, #tpu.memory_space<vmem>>) offsets(%arg7 : memref<16384xi32, #tpu.memory_space<vmem>>) semaphore(%arg11 : memref<!tpu.dma_semaphore, #tpu.memory_space<semaphore_mem>>)
    %dma_wait3A_88 = arith.constant 0 : i32
    %dma_wait3A_89 = tpu.memref_slice %arg2[%dma_wait3A_88] : memref<83200000xf32, #tpu.memory_space<hbm>> -> memref<83200000xf32, #tpu.memory_space<hbm>>
    tpu.wait_indirect_dma semaphore(%arg10 : memref<!tpu.dma_semaphore, #tpu.memory_space<semaphore_mem>>) src(%dma_wait3A_89 : memref<83200000xf32, #tpu.memory_space<hbm>>) dst(%arg8 : memref<16384xf32, #tpu.memory_space<vmem>>)
    %add3A_90 = arith.constant 2048 : i32
    %add3A_91 = arith.addi %mul3A_2, %add3A_90 : i32
    %mul3A_92 = arith.constant 32 : i32
    %mul3A_93 = arith.muli %add3A_91, %mul3A_92 : i32
    %dma_start3A_94 = tpu.memref_slice %arg4[%mul3A_93] : memref<13631488xf32, #tpu.memory_space<hbm>> -> memref<16384xf32, #tpu.memory_space<hbm>>
    %dma_start3A_95 = tpu.memref_slice %arg4[%mul3A_93] : memref<13631488xf32, #tpu.memory_space<hbm>> -> memref<16384xf32, #tpu.memory_space<hbm>>
    tpu.enqueue_dma source(%arg8 : memref<16384xf32, #tpu.memory_space<vmem>>) target(%dma_start3A_95 : memref<16384xf32, #tpu.memory_space<hbm>>) target_semaphore(%arg12 : memref<!tpu.dma_semaphore, #tpu.memory_space<semaphore_mem>>)
    %dma_wait3A_96 = tpu.memref_slice %arg4[%mul3A_93] : memref<13631488xf32, #tpu.memory_space<hbm>> -> memref<16384xf32, #tpu.memory_space<hbm>>
    %dma_wait3A_97 = tpu.memref_slice %arg4[%mul3A_93] : memref<13631488xf32, #tpu.memory_space<hbm>> -> memref<16384xf32, #tpu.memory_space<hbm>>
    tpu.wait_dma2 semaphore(%arg12 : memref<!tpu.dma_semaphore, #tpu.memory_space<semaphore_mem>>) src(%arg8 : memref<16384xf32, #tpu.memory_space<vmem>>) dst(%dma_wait3A_97 : memref<16384xf32, #tpu.memory_space<hbm>>)
    %scan3A_98 = arith.constant 0 : i32
    %scan3A_99 = arith.constant 0 : i32
    %scan3A_100 = arith.constant 512 : i32
    %scan3A_101 = arith.addi %scan3A_99, %scan3A_100 : i32
    %scan3A_102 = arith.constant 1 : i32
    scf.for %scan3A_468 = %scan3A_99 to %scan3A_101 step %scan3A_102  : i32 {
      %iota3A = tpu.iota {dimensions = array<i32: 0>} : vector<16xi32>
      %mul3A_469 = arith.constant 100000 : i32
      %mul3A_470 = vector.broadcast %mul3A_469 : i32 to vector<16xi32>
      %mul3A_471 = arith.muli %iota3A, %mul3A_470 : vector<16xi32>
      %add3A_472 = arith.constant 1600000 : i32
      %add3A_473 = vector.broadcast %add3A_472 : i32 to vector<16xi32>
      %add3A_474 = arith.addi %mul3A_471, %add3A_473 : vector<16xi32>
      %add3A_475 = arith.constant 3072 : i32
      %add3A_476 = arith.addi %add3A_475, %scan3A_468 : i32
      %broadcast_in_dim3A = vector.broadcast %add3A_476 : i32 to vector<16xi32>
      %gather3A = tpu.vector_load_idx %arg5[%broadcast_in_dim3A] : memref<13312xi32, #tpu.memory_space<vmem>>[vector<16xi32>], vector<16xi32>,
      %add3A_477 = arith.addi %mul3A_2, %add3A_476 : i32
      %rem3A = arith.constant 26 : i32
      %rem3A_478 = arith.remsi %add3A_477, %rem3A : i32
      %mul3A_479 = arith.constant 3200000 : i32
      %mul3A_480 = arith.muli %rem3A_478, %mul3A_479 : i32
      %add3A_481 = vector.broadcast %mul3A_480 : i32 to vector<16xi32>
      %add3A_482 = arith.addi %gather3A, %add3A_481 : vector<16xi32>
      %add3A_483 = arith.addi %add3A_482, %mul3A_471 : vector<16xi32>
      %mul3A_484 = arith.constant 32 : i32
      %mul3A_485 = arith.muli %scan3A_468, %mul3A_484 : i32
      %swap3A = arith.index_cast %mul3A_485 : i32 to index
      %swap3A_486 = tpu.vector_load %arg6[%swap3A] {strides = array<i32>} : memref<16384xi32, #tpu.memory_space<vmem>>, vector<16xi32>,
      tpu.vector_store %arg6[%swap3A], %add3A_483 {strides = array<i32>} : memref<16384xi32, #tpu.memory_space<vmem>>, vector<16xi32>,
      %add3A_487 = arith.addi %add3A_482, %add3A_474 : vector<16xi32>
      %mul3A_488 = arith.constant 32 : i32
      %mul3A_489 = arith.muli %scan3A_468, %mul3A_488 : i32
      %add3A_490 = arith.constant 16 : i32
      %add3A_491 = arith.addi %mul3A_489, %add3A_490 : i32
      %swap3A_492 = arith.index_cast %add3A_491 : i32 to index
      %swap3A_493 = tpu.vector_load %arg6[%swap3A_492] {strides = array<i32>} : memref<16384xi32, #tpu.memory_space<vmem>>, vector<16xi32>,
      tpu.vector_store %arg6[%swap3A_492], %add3A_487 {strides = array<i32>} : memref<16384xi32, #tpu.memory_space<vmem>>, vector<16xi32>,
    }
    %scan3A_103 = arith.constant 512 : i32
    %dma_start3A_104 = arith.constant 0 : i32
    %dma_start3A_105 = tpu.memref_slice %arg2[%dma_start3A_104] : memref<83200000xf32, #tpu.memory_space<hbm>> -> memref<83200000xf32, #tpu.memory_space<hbm>>
    tpu.enqueue_indirect_dma source(%dma_start3A_105 : memref<83200000xf32, #tpu.memory_space<hbm>>) target(%arg8 : memref<16384xf32, #tpu.memory_space<vmem>>) offsets(%arg6 : memref<16384xi32, #tpu.memory_space<vmem>>) semaphore(%arg10 : memref<!tpu.dma_semaphore, #tpu.memory_space<semaphore_mem>>)
    %dma_wait3A_106 = arith.constant 0 : i32
    %dma_wait3A_107 = tpu.memref_slice %arg2[%dma_wait3A_106] : memref<83200000xf32, #tpu.memory_space<hbm>> -> memref<83200000xf32, #tpu.memory_space<hbm>>
    tpu.wait_indirect_dma semaphore(%arg11 : memref<!tpu.dma_semaphore, #tpu.memory_space<semaphore_mem>>) src(%dma_wait3A_107 : memref<83200000xf32, #tpu.memory_space<hbm>>) dst(%arg9 : memref<16384xf32, #tpu.memory_space<vmem>>)
    %add3A_108 = arith.constant 2560 : i32
    %add3A_109 = arith.addi %mul3A_2, %add3A_108 : i32
    %mul3A_110 = arith.constant 32 : i32
    %mul3A_111 = arith.muli %add3A_109, %mul3A_110 : i32
    %dma_start3A_112 = tpu.memref_slice %arg4[%mul3A_111] : memref<13631488xf32, #tpu.memory_space<hbm>> -> memref<16384xf32, #tpu.memory_space<hbm>>
    %dma_start3A_113 = tpu.memref_slice %arg4[%mul3A_111] : memref<13631488xf32, #tpu.memory_space<hbm>> -> memref<16384xf32, #tpu.memory_space<hbm>>
    tpu.enqueue_dma source(%arg9 : memref<16384xf32, #tpu.memory_space<vmem>>) target(%dma_start3A_113 : memref<16384xf32, #tpu.memory_space<hbm>>) target_semaphore(%arg13 : memref<!tpu.dma_semaphore, #tpu.memory_space<semaphore_mem>>)
    %dma_wait3A_114 = tpu.memref_slice %arg4[%mul3A_111] : memref<13631488xf32, #tpu.memory_space<hbm>> -> memref<16384xf32, #tpu.memory_space<hbm>>
    %dma_wait3A_115 = tpu.memref_slice %arg4[%mul3A_111] : memref<13631488xf32, #tpu.memory_space<hbm>> -> memref<16384xf32, #tpu.memory_space<hbm>>
    tpu.wait_dma2 semaphore(%arg13 : memref<!tpu.dma_semaphore, #tpu.memory_space<semaphore_mem>>) src(%arg9 : memref<16384xf32, #tpu.memory_space<vmem>>) dst(%dma_wait3A_115 : memref<16384xf32, #tpu.memory_space<hbm>>)
    %scan3A_116 = arith.constant 0 : i32
    %scan3A_117 = arith.constant 0 : i32
    %scan3A_118 = arith.constant 512 : i32
    %scan3A_119 = arith.addi %scan3A_117, %scan3A_118 : i32
    %scan3A_120 = arith.constant 1 : i32
    scf.for %scan3A_468 = %scan3A_117 to %scan3A_119 step %scan3A_120  : i32 {
      %iota3A = tpu.iota {dimensions = array<i32: 0>} : vector<16xi32>
      %mul3A_469 = arith.constant 100000 : i32
      %mul3A_470 = vector.broadcast %mul3A_469 : i32 to vector<16xi32>
      %mul3A_471 = arith.muli %iota3A, %mul3A_470 : vector<16xi32>
      %add3A_472 = arith.constant 1600000 : i32
      %add3A_473 = vector.broadcast %add3A_472 : i32 to vector<16xi32>
      %add3A_474 = arith.addi %mul3A_471, %add3A_473 : vector<16xi32>
      %add3A_475 = arith.constant 3584 : i32
      %add3A_476 = arith.addi %add3A_475, %scan3A_468 : i32
      %broadcast_in_dim3A = vector.broadcast %add3A_476 : i32 to vector<16xi32>
      %gather3A = tpu.vector_load_idx %arg5[%broadcast_in_dim3A] : memref<13312xi32, #tpu.memory_space<vmem>>[vector<16xi32>], vector<16xi32>,
      %add3A_477 = arith.addi %mul3A_2, %add3A_476 : i32
      %rem3A = arith.constant 26 : i32
      %rem3A_478 = arith.remsi %add3A_477, %rem3A : i32
      %mul3A_479 = arith.constant 3200000 : i32
      %mul3A_480 = arith.muli %rem3A_478, %mul3A_479 : i32
      %add3A_481 = vector.broadcast %mul3A_480 : i32 to vector<16xi32>
      %add3A_482 = arith.addi %gather3A, %add3A_481 : vector<16xi32>
      %add3A_483 = arith.addi %add3A_482, %mul3A_471 : vector<16xi32>
      %mul3A_484 = arith.constant 32 : i32
      %mul3A_485 = arith.muli %scan3A_468, %mul3A_484 : i32
      %swap3A = arith.index_cast %mul3A_485 : i32 to index
      %swap3A_486 = tpu.vector_load %arg7[%swap3A] {strides = array<i32>} : memref<16384xi32, #tpu.memory_space<vmem>>, vector<16xi32>,
      tpu.vector_store %arg7[%swap3A], %add3A_483 {strides = array<i32>} : memref<16384xi32, #tpu.memory_space<vmem>>, vector<16xi32>,
      %add3A_487 = arith.addi %add3A_482, %add3A_474 : vector<16xi32>
      %mul3A_488 = arith.constant 32 : i32
      %mul3A_489 = arith.muli %scan3A_468, %mul3A_488 : i32
      %add3A_490 = arith.constant 16 : i32
      %add3A_491 = arith.addi %mul3A_489, %add3A_490 : i32
      %swap3A_492 = arith.index_cast %add3A_491 : i32 to index
      %swap3A_493 = tpu.vector_load %arg7[%swap3A_492] {strides = array<i32>} : memref<16384xi32, #tpu.memory_space<vmem>>, vector<16xi32>,
      tpu.vector_store %arg7[%swap3A_492], %add3A_487 {strides = array<i32>} : memref<16384xi32, #tpu.memory_space<vmem>>, vector<16xi32>,
    }
    %scan3A_121 = arith.constant 512 : i32
    %dma_start3A_122 = arith.constant 0 : i32
    %dma_start3A_123 = tpu.memref_slice %arg2[%dma_start3A_122] : memref<83200000xf32, #tpu.memory_space<hbm>> -> memref<83200000xf32, #tpu.memory_space<hbm>>
    tpu.enqueue_indirect_dma source(%dma_start3A_123 : memref<83200000xf32, #tpu.memory_space<hbm>>) target(%arg9 : memref<16384xf32, #tpu.memory_space<vmem>>) offsets(%arg7 : memref<16384xi32, #tpu.memory_space<vmem>>) semaphore(%arg11 : memref<!tpu.dma_semaphore, #tpu.memory_space<semaphore_mem>>)
    %dma_wait3A_124 = arith.constant 0 : i32
    %dma_wait3A_125 = tpu.memref_slice %arg2[%dma_wait3A_124] : memref<83200000xf32, #tpu.memory_space<hbm>> -> memref<83200000xf32, #tpu.memory_space<hbm>>
    tpu.wait_indirect_dma semaphore(%arg10 : memref<!tpu.dma_semaphore, #tpu.memory_space<semaphore_mem>>) src(%dma_wait3A_125 : memref<83200000xf32, #tpu.memory_space<hbm>>) dst(%arg8 : memref<16384xf32, #tpu.memory_space<vmem>>)
    %add3A_126 = arith.constant 3072 : i32
    %add3A_127 = arith.addi %mul3A_2, %add3A_126 : i32
    %mul3A_128 = arith.constant 32 : i32
    %mul3A_129 = arith.muli %add3A_127, %mul3A_128 : i32
    %dma_start3A_130 = tpu.memref_slice %arg4[%mul3A_129] : memref<13631488xf32, #tpu.memory_space<hbm>> -> memref<16384xf32, #tpu.memory_space<hbm>>
    %dma_start3A_131 = tpu.memref_slice %arg4[%mul3A_129] : memref<13631488xf32, #tpu.memory_space<hbm>> -> memref<16384xf32, #tpu.memory_space<hbm>>
    tpu.enqueue_dma source(%arg8 : memref<16384xf32, #tpu.memory_space<vmem>>) target(%dma_start3A_131 : memref<16384xf32, #tpu.memory_space<hbm>>) target_semaphore(%arg12 : memref<!tpu.dma_semaphore, #tpu.memory_space<semaphore_mem>>)
    %dma_wait3A_132 = tpu.memref_slice %arg4[%mul3A_129] : memref<13631488xf32, #tpu.memory_space<hbm>> -> memref<16384xf32, #tpu.memory_space<hbm>>
    %dma_wait3A_133 = tpu.memref_slice %arg4[%mul3A_129] : memref<13631488xf32, #tpu.memory_space<hbm>> -> memref<16384xf32, #tpu.memory_space<hbm>>
    tpu.wait_dma2 semaphore(%arg12 : memref<!tpu.dma_semaphore, #tpu.memory_space<semaphore_mem>>) src(%arg8 : memref<16384xf32, #tpu.memory_space<vmem>>) dst(%dma_wait3A_133 : memref<16384xf32, #tpu.memory_space<hbm>>)
    %scan3A_134 = arith.constant 0 : i32
    %scan3A_135 = arith.constant 0 : i32
    %scan3A_136 = arith.constant 512 : i32
    %scan3A_137 = arith.addi %scan3A_135, %scan3A_136 : i32
    %scan3A_138 = arith.constant 1 : i32
    scf.for %scan3A_468 = %scan3A_135 to %scan3A_137 step %scan3A_138  : i32 {
      %iota3A = tpu.iota {dimensions = array<i32: 0>} : vector<16xi32>
      %mul3A_469 = arith.constant 100000 : i32
      %mul3A_470 = vector.broadcast %mul3A_469 : i32 to vector<16xi32>
      %mul3A_471 = arith.muli %iota3A, %mul3A_470 : vector<16xi32>
      %add3A_472 = arith.constant 1600000 : i32
      %add3A_473 = vector.broadcast %add3A_472 : i32 to vector<16xi32>
      %add3A_474 = arith.addi %mul3A_471, %add3A_473 : vector<16xi32>
      %add3A_475 = arith.constant 4096 : i32
      %add3A_476 = arith.addi %add3A_475, %scan3A_468 : i32
      %broadcast_in_dim3A = vector.broadcast %add3A_476 : i32 to vector<16xi32>
      %gather3A = tpu.vector_load_idx %arg5[%broadcast_in_dim3A] : memref<13312xi32, #tpu.memory_space<vmem>>[vector<16xi32>], vector<16xi32>,
      %add3A_477 = arith.addi %mul3A_2, %add3A_476 : i32
      %rem3A = arith.constant 26 : i32
      %rem3A_478 = arith.remsi %add3A_477, %rem3A : i32
      %mul3A_479 = arith.constant 3200000 : i32
      %mul3A_480 = arith.muli %rem3A_478, %mul3A_479 : i32
      %add3A_481 = vector.broadcast %mul3A_480 : i32 to vector<16xi32>
      %add3A_482 = arith.addi %gather3A, %add3A_481 : vector<16xi32>
      %add3A_483 = arith.addi %add3A_482, %mul3A_471 : vector<16xi32>
      %mul3A_484 = arith.constant 32 : i32
      %mul3A_485 = arith.muli %scan3A_468, %mul3A_484 : i32
      %swap3A = arith.index_cast %mul3A_485 : i32 to index
      %swap3A_486 = tpu.vector_load %arg6[%swap3A] {strides = array<i32>} : memref<16384xi32, #tpu.memory_space<vmem>>, vector<16xi32>,
      tpu.vector_store %arg6[%swap3A], %add3A_483 {strides = array<i32>} : memref<16384xi32, #tpu.memory_space<vmem>>, vector<16xi32>,
      %add3A_487 = arith.addi %add3A_482, %add3A_474 : vector<16xi32>
      %mul3A_488 = arith.constant 32 : i32
      %mul3A_489 = arith.muli %scan3A_468, %mul3A_488 : i32
      %add3A_490 = arith.constant 16 : i32
      %add3A_491 = arith.addi %mul3A_489, %add3A_490 : i32
      %swap3A_492 = arith.index_cast %add3A_491 : i32 to index
      %swap3A_493 = tpu.vector_load %arg6[%swap3A_492] {strides = array<i32>} : memref<16384xi32, #tpu.memory_space<vmem>>, vector<16xi32>,
      tpu.vector_store %arg6[%swap3A_492], %add3A_487 {strides = array<i32>} : memref<16384xi32, #tpu.memory_space<vmem>>, vector<16xi32>,
    }
    %scan3A_139 = arith.constant 512 : i32
    %dma_start3A_140 = arith.constant 0 : i32
    %dma_start3A_141 = tpu.memref_slice %arg2[%dma_start3A_140] : memref<83200000xf32, #tpu.memory_space<hbm>> -> memref<83200000xf32, #tpu.memory_space<hbm>>
    tpu.enqueue_indirect_dma source(%dma_start3A_141 : memref<83200000xf32, #tpu.memory_space<hbm>>) target(%arg8 : memref<16384xf32, #tpu.memory_space<vmem>>) offsets(%arg6 : memref<16384xi32, #tpu.memory_space<vmem>>) semaphore(%arg10 : memref<!tpu.dma_semaphore, #tpu.memory_space<semaphore_mem>>)
    %dma_wait3A_142 = arith.constant 0 : i32
    %dma_wait3A_143 = tpu.memref_slice %arg2[%dma_wait3A_142] : memref<83200000xf32, #tpu.memory_space<hbm>> -> memref<83200000xf32, #tpu.memory_space<hbm>>
    tpu.wait_indirect_dma semaphore(%arg11 : memref<!tpu.dma_semaphore, #tpu.memory_space<semaphore_mem>>) src(%dma_wait3A_143 : memref<83200000xf32, #tpu.memory_space<hbm>>) dst(%arg9 : memref<16384xf32, #tpu.memory_space<vmem>>)
    %add3A_144 = arith.constant 3584 : i32
    %add3A_145 = arith.addi %mul3A_2, %add3A_144 : i32
    %mul3A_146 = arith.constant 32 : i32
    %mul3A_147 = arith.muli %add3A_145, %mul3A_146 : i32
    %dma_start3A_148 = tpu.memref_slice %arg4[%mul3A_147] : memref<13631488xf32, #tpu.memory_space<hbm>> -> memref<16384xf32, #tpu.memory_space<hbm>>
    %dma_start3A_149 = tpu.memref_slice %arg4[%mul3A_147] : memref<13631488xf32, #tpu.memory_space<hbm>> -> memref<16384xf32, #tpu.memory_space<hbm>>
    tpu.enqueue_dma source(%arg9 : memref<16384xf32, #tpu.memory_space<vmem>>) target(%dma_start3A_149 : memref<16384xf32, #tpu.memory_space<hbm>>) target_semaphore(%arg13 : memref<!tpu.dma_semaphore, #tpu.memory_space<semaphore_mem>>)
    %dma_wait3A_150 = tpu.memref_slice %arg4[%mul3A_147] : memref<13631488xf32, #tpu.memory_space<hbm>> -> memref<16384xf32, #tpu.memory_space<hbm>>
    %dma_wait3A_151 = tpu.memref_slice %arg4[%mul3A_147] : memref<13631488xf32, #tpu.memory_space<hbm>> -> memref<16384xf32, #tpu.memory_space<hbm>>
    tpu.wait_dma2 semaphore(%arg13 : memref<!tpu.dma_semaphore, #tpu.memory_space<semaphore_mem>>) src(%arg9 : memref<16384xf32, #tpu.memory_space<vmem>>) dst(%dma_wait3A_151 : memref<16384xf32, #tpu.memory_space<hbm>>)
    %scan3A_152 = arith.constant 0 : i32
    %scan3A_153 = arith.constant 0 : i32
    %scan3A_154 = arith.constant 512 : i32
    %scan3A_155 = arith.addi %scan3A_153, %scan3A_154 : i32
    %scan3A_156 = arith.constant 1 : i32
    scf.for %scan3A_468 = %scan3A_153 to %scan3A_155 step %scan3A_156  : i32 {
      %iota3A = tpu.iota {dimensions = array<i32: 0>} : vector<16xi32>
      %mul3A_469 = arith.constant 100000 : i32
      %mul3A_470 = vector.broadcast %mul3A_469 : i32 to vector<16xi32>
      %mul3A_471 = arith.muli %iota3A, %mul3A_470 : vector<16xi32>
      %add3A_472 = arith.constant 1600000 : i32
      %add3A_473 = vector.broadcast %add3A_472 : i32 to vector<16xi32>
      %add3A_474 = arith.addi %mul3A_471, %add3A_473 : vector<16xi32>
      %add3A_475 = arith.constant 4608 : i32
      %add3A_476 = arith.addi %add3A_475, %scan3A_468 : i32
      %broadcast_in_dim3A = vector.broadcast %add3A_476 : i32 to vector<16xi32>
      %gather3A = tpu.vector_load_idx %arg5[%broadcast_in_dim3A] : memref<13312xi32, #tpu.memory_space<vmem>>[vector<16xi32>], vector<16xi32>,
      %add3A_477 = arith.addi %mul3A_2, %add3A_476 : i32
      %rem3A = arith.constant 26 : i32
      %rem3A_478 = arith.remsi %add3A_477, %rem3A : i32
      %mul3A_479 = arith.constant 3200000 : i32
      %mul3A_480 = arith.muli %rem3A_478, %mul3A_479 : i32
      %add3A_481 = vector.broadcast %mul3A_480 : i32 to vector<16xi32>
      %add3A_482 = arith.addi %gather3A, %add3A_481 : vector<16xi32>
      %add3A_483 = arith.addi %add3A_482, %mul3A_471 : vector<16xi32>
      %mul3A_484 = arith.constant 32 : i32
      %mul3A_485 = arith.muli %scan3A_468, %mul3A_484 : i32
      %swap3A = arith.index_cast %mul3A_485 : i32 to index
      %swap3A_486 = tpu.vector_load %arg7[%swap3A] {strides = array<i32>} : memref<16384xi32, #tpu.memory_space<vmem>>, vector<16xi32>,
      tpu.vector_store %arg7[%swap3A], %add3A_483 {strides = array<i32>} : memref<16384xi32, #tpu.memory_space<vmem>>, vector<16xi32>,
      %add3A_487 = arith.addi %add3A_482, %add3A_474 : vector<16xi32>
      %mul3A_488 = arith.constant 32 : i32
      %mul3A_489 = arith.muli %scan3A_468, %mul3A_488 : i32
      %add3A_490 = arith.constant 16 : i32
      %add3A_491 = arith.addi %mul3A_489, %add3A_490 : i32
      %swap3A_492 = arith.index_cast %add3A_491 : i32 to index
      %swap3A_493 = tpu.vector_load %arg7[%swap3A_492] {strides = array<i32>} : memref<16384xi32, #tpu.memory_space<vmem>>, vector<16xi32>,
      tpu.vector_store %arg7[%swap3A_492], %add3A_487 {strides = array<i32>} : memref<16384xi32, #tpu.memory_space<vmem>>, vector<16xi32>,
    }
    %scan3A_157 = arith.constant 512 : i32
    %dma_start3A_158 = arith.constant 0 : i32
    %dma_start3A_159 = tpu.memref_slice %arg2[%dma_start3A_158] : memref<83200000xf32, #tpu.memory_space<hbm>> -> memref<83200000xf32, #tpu.memory_space<hbm>>
    tpu.enqueue_indirect_dma source(%dma_start3A_159 : memref<83200000xf32, #tpu.memory_space<hbm>>) target(%arg9 : memref<16384xf32, #tpu.memory_space<vmem>>) offsets(%arg7 : memref<16384xi32, #tpu.memory_space<vmem>>) semaphore(%arg11 : memref<!tpu.dma_semaphore, #tpu.memory_space<semaphore_mem>>)
    %dma_wait3A_160 = arith.constant 0 : i32
    %dma_wait3A_161 = tpu.memref_slice %arg2[%dma_wait3A_160] : memref<83200000xf32, #tpu.memory_space<hbm>> -> memref<83200000xf32, #tpu.memory_space<hbm>>
    tpu.wait_indirect_dma semaphore(%arg10 : memref<!tpu.dma_semaphore, #tpu.memory_space<semaphore_mem>>) src(%dma_wait3A_161 : memref<83200000xf32, #tpu.memory_space<hbm>>) dst(%arg8 : memref<16384xf32, #tpu.memory_space<vmem>>)
    %add3A_162 = arith.constant 4096 : i32
    %add3A_163 = arith.addi %mul3A_2, %add3A_162 : i32
    %mul3A_164 = arith.constant 32 : i32
    %mul3A_165 = arith.muli %add3A_163, %mul3A_164 : i32
    %dma_start3A_166 = tpu.memref_slice %arg4[%mul3A_165] : memref<13631488xf32, #tpu.memory_space<hbm>> -> memref<16384xf32, #tpu.memory_space<hbm>>
    %dma_start3A_167 = tpu.memref_slice %arg4[%mul3A_165] : memref<13631488xf32, #tpu.memory_space<hbm>> -> memref<16384xf32, #tpu.memory_space<hbm>>
    tpu.enqueue_dma source(%arg8 : memref<16384xf32, #tpu.memory_space<vmem>>) target(%dma_start3A_167 : memref<16384xf32, #tpu.memory_space<hbm>>) target_semaphore(%arg12 : memref<!tpu.dma_semaphore, #tpu.memory_space<semaphore_mem>>)
    %dma_wait3A_168 = tpu.memref_slice %arg4[%mul3A_165] : memref<13631488xf32, #tpu.memory_space<hbm>> -> memref<16384xf32, #tpu.memory_space<hbm>>
    %dma_wait3A_169 = tpu.memref_slice %arg4[%mul3A_165] : memref<13631488xf32, #tpu.memory_space<hbm>> -> memref<16384xf32, #tpu.memory_space<hbm>>
    tpu.wait_dma2 semaphore(%arg12 : memref<!tpu.dma_semaphore, #tpu.memory_space<semaphore_mem>>) src(%arg8 : memref<16384xf32, #tpu.memory_space<vmem>>) dst(%dma_wait3A_169 : memref<16384xf32, #tpu.memory_space<hbm>>)
    %scan3A_170 = arith.constant 0 : i32
    %scan3A_171 = arith.constant 0 : i32
    %scan3A_172 = arith.constant 512 : i32
    %scan3A_173 = arith.addi %scan3A_171, %scan3A_172 : i32
    %scan3A_174 = arith.constant 1 : i32
    scf.for %scan3A_468 = %scan3A_171 to %scan3A_173 step %scan3A_174  : i32 {
      %iota3A = tpu.iota {dimensions = array<i32: 0>} : vector<16xi32>
      %mul3A_469 = arith.constant 100000 : i32
      %mul3A_470 = vector.broadcast %mul3A_469 : i32 to vector<16xi32>
      %mul3A_471 = arith.muli %iota3A, %mul3A_470 : vector<16xi32>
      %add3A_472 = arith.constant 1600000 : i32
      %add3A_473 = vector.broadcast %add3A_472 : i32 to vector<16xi32>
      %add3A_474 = arith.addi %mul3A_471, %add3A_473 : vector<16xi32>
      %add3A_475 = arith.constant 5120 : i32
      %add3A_476 = arith.addi %add3A_475, %scan3A_468 : i32
      %broadcast_in_dim3A = vector.broadcast %add3A_476 : i32 to vector<16xi32>
      %gather3A = tpu.vector_load_idx %arg5[%broadcast_in_dim3A] : memref<13312xi32, #tpu.memory_space<vmem>>[vector<16xi32>], vector<16xi32>,
      %add3A_477 = arith.addi %mul3A_2, %add3A_476 : i32
      %rem3A = arith.constant 26 : i32
      %rem3A_478 = arith.remsi %add3A_477, %rem3A : i32
      %mul3A_479 = arith.constant 3200000 : i32
      %mul3A_480 = arith.muli %rem3A_478, %mul3A_479 : i32
      %add3A_481 = vector.broadcast %mul3A_480 : i32 to vector<16xi32>
      %add3A_482 = arith.addi %gather3A, %add3A_481 : vector<16xi32>
      %add3A_483 = arith.addi %add3A_482, %mul3A_471 : vector<16xi32>
      %mul3A_484 = arith.constant 32 : i32
      %mul3A_485 = arith.muli %scan3A_468, %mul3A_484 : i32
      %swap3A = arith.index_cast %mul3A_485 : i32 to index
      %swap3A_486 = tpu.vector_load %arg6[%swap3A] {strides = array<i32>} : memref<16384xi32, #tpu.memory_space<vmem>>, vector<16xi32>,
      tpu.vector_store %arg6[%swap3A], %add3A_483 {strides = array<i32>} : memref<16384xi32, #tpu.memory_space<vmem>>, vector<16xi32>,
      %add3A_487 = arith.addi %add3A_482, %add3A_474 : vector<16xi32>
      %mul3A_488 = arith.constant 32 : i32
      %mul3A_489 = arith.muli %scan3A_468, %mul3A_488 : i32
      %add3A_490 = arith.constant 16 : i32
      %add3A_491 = arith.addi %mul3A_489, %add3A_490 : i32
      %swap3A_492 = arith.index_cast %add3A_491 : i32 to index
      %swap3A_493 = tpu.vector_load %arg6[%swap3A_492] {strides = array<i32>} : memref<16384xi32, #tpu.memory_space<vmem>>, vector<16xi32>,
      tpu.vector_store %arg6[%swap3A_492], %add3A_487 {strides = array<i32>} : memref<16384xi32, #tpu.memory_space<vmem>>, vector<16xi32>,
    }
    %scan3A_175 = arith.constant 512 : i32
    %dma_start3A_176 = arith.constant 0 : i32
    %dma_start3A_177 = tpu.memref_slice %arg2[%dma_start3A_176] : memref<83200000xf32, #tpu.memory_space<hbm>> -> memref<83200000xf32, #tpu.memory_space<hbm>>
    tpu.enqueue_indirect_dma source(%dma_start3A_177 : memref<83200000xf32, #tpu.memory_space<hbm>>) target(%arg8 : memref<16384xf32, #tpu.memory_space<vmem>>) offsets(%arg6 : memref<16384xi32, #tpu.memory_space<vmem>>) semaphore(%arg10 : memref<!tpu.dma_semaphore, #tpu.memory_space<semaphore_mem>>)
    %dma_wait3A_178 = arith.constant 0 : i32
    %dma_wait3A_179 = tpu.memref_slice %arg2[%dma_wait3A_178] : memref<83200000xf32, #tpu.memory_space<hbm>> -> memref<83200000xf32, #tpu.memory_space<hbm>>
    tpu.wait_indirect_dma semaphore(%arg11 : memref<!tpu.dma_semaphore, #tpu.memory_space<semaphore_mem>>) src(%dma_wait3A_179 : memref<83200000xf32, #tpu.memory_space<hbm>>) dst(%arg9 : memref<16384xf32, #tpu.memory_space<vmem>>)
    %add3A_180 = arith.constant 4608 : i32
    %add3A_181 = arith.addi %mul3A_2, %add3A_180 : i32
    %mul3A_182 = arith.constant 32 : i32
    %mul3A_183 = arith.muli %add3A_181, %mul3A_182 : i32
    %dma_start3A_184 = tpu.memref_slice %arg4[%mul3A_183] : memref<13631488xf32, #tpu.memory_space<hbm>> -> memref<16384xf32, #tpu.memory_space<hbm>>
    %dma_start3A_185 = tpu.memref_slice %arg4[%mul3A_183] : memref<13631488xf32, #tpu.memory_space<hbm>> -> memref<16384xf32, #tpu.memory_space<hbm>>
    tpu.enqueue_dma source(%arg9 : memref<16384xf32, #tpu.memory_space<vmem>>) target(%dma_start3A_185 : memref<16384xf32, #tpu.memory_space<hbm>>) target_semaphore(%arg13 : memref<!tpu.dma_semaphore, #tpu.memory_space<semaphore_mem>>)
    %dma_wait3A_186 = tpu.memref_slice %arg4[%mul3A_183] : memref<13631488xf32, #tpu.memory_space<hbm>> -> memref<16384xf32, #tpu.memory_space<hbm>>
    %dma_wait3A_187 = tpu.memref_slice %arg4[%mul3A_183] : memref<13631488xf32, #tpu.memory_space<hbm>> -> memref<16384xf32, #tpu.memory_space<hbm>>
    tpu.wait_dma2 semaphore(%arg13 : memref<!tpu.dma_semaphore, #tpu.memory_space<semaphore_mem>>) src(%arg9 : memref<16384xf32, #tpu.memory_space<vmem>>) dst(%dma_wait3A_187 : memref<16384xf32, #tpu.memory_space<hbm>>)
    %scan3A_188 = arith.constant 0 : i32
    %scan3A_189 = arith.constant 0 : i32
    %scan3A_190 = arith.constant 512 : i32
    %scan3A_191 = arith.addi %scan3A_189, %scan3A_190 : i32
    %scan3A_192 = arith.constant 1 : i32
    scf.for %scan3A_468 = %scan3A_189 to %scan3A_191 step %scan3A_192  : i32 {
      %iota3A = tpu.iota {dimensions = array<i32: 0>} : vector<16xi32>
      %mul3A_469 = arith.constant 100000 : i32
      %mul3A_470 = vector.broadcast %mul3A_469 : i32 to vector<16xi32>
      %mul3A_471 = arith.muli %iota3A, %mul3A_470 : vector<16xi32>
      %add3A_472 = arith.constant 1600000 : i32
      %add3A_473 = vector.broadcast %add3A_472 : i32 to vector<16xi32>
      %add3A_474 = arith.addi %mul3A_471, %add3A_473 : vector<16xi32>
      %add3A_475 = arith.constant 5632 : i32
      %add3A_476 = arith.addi %add3A_475, %scan3A_468 : i32
      %broadcast_in_dim3A = vector.broadcast %add3A_476 : i32 to vector<16xi32>
      %gather3A = tpu.vector_load_idx %arg5[%broadcast_in_dim3A] : memref<13312xi32, #tpu.memory_space<vmem>>[vector<16xi32>], vector<16xi32>,
      %add3A_477 = arith.addi %mul3A_2, %add3A_476 : i32
      %rem3A = arith.constant 26 : i32
      %rem3A_478 = arith.remsi %add3A_477, %rem3A : i32
      %mul3A_479 = arith.constant 3200000 : i32
      %mul3A_480 = arith.muli %rem3A_478, %mul3A_479 : i32
      %add3A_481 = vector.broadcast %mul3A_480 : i32 to vector<16xi32>
      %add3A_482 = arith.addi %gather3A, %add3A_481 : vector<16xi32>
      %add3A_483 = arith.addi %add3A_482, %mul3A_471 : vector<16xi32>
      %mul3A_484 = arith.constant 32 : i32
      %mul3A_485 = arith.muli %scan3A_468, %mul3A_484 : i32
      %swap3A = arith.index_cast %mul3A_485 : i32 to index
      %swap3A_486 = tpu.vector_load %arg7[%swap3A] {strides = array<i32>} : memref<16384xi32, #tpu.memory_space<vmem>>, vector<16xi32>,
      tpu.vector_store %arg7[%swap3A], %add3A_483 {strides = array<i32>} : memref<16384xi32, #tpu.memory_space<vmem>>, vector<16xi32>,
      %add3A_487 = arith.addi %add3A_482, %add3A_474 : vector<16xi32>
      %mul3A_488 = arith.constant 32 : i32
      %mul3A_489 = arith.muli %scan3A_468, %mul3A_488 : i32
      %add3A_490 = arith.constant 16 : i32
      %add3A_491 = arith.addi %mul3A_489, %add3A_490 : i32
      %swap3A_492 = arith.index_cast %add3A_491 : i32 to index
      %swap3A_493 = tpu.vector_load %arg7[%swap3A_492] {strides = array<i32>} : memref<16384xi32, #tpu.memory_space<vmem>>, vector<16xi32>,
      tpu.vector_store %arg7[%swap3A_492], %add3A_487 {strides = array<i32>} : memref<16384xi32, #tpu.memory_space<vmem>>, vector<16xi32>,
    }
    %scan3A_193 = arith.constant 512 : i32
    %dma_start3A_194 = arith.constant 0 : i32
    %dma_start3A_195 = tpu.memref_slice %arg2[%dma_start3A_194] : memref<83200000xf32, #tpu.memory_space<hbm>> -> memref<83200000xf32, #tpu.memory_space<hbm>>
    tpu.enqueue_indirect_dma source(%dma_start3A_195 : memref<83200000xf32, #tpu.memory_space<hbm>>) target(%arg9 : memref<16384xf32, #tpu.memory_space<vmem>>) offsets(%arg7 : memref<16384xi32, #tpu.memory_space<vmem>>) semaphore(%arg11 : memref<!tpu.dma_semaphore, #tpu.memory_space<semaphore_mem>>)
    %dma_wait3A_196 = arith.constant 0 : i32
    %dma_wait3A_197 = tpu.memref_slice %arg2[%dma_wait3A_196] : memref<83200000xf32, #tpu.memory_space<hbm>> -> memref<83200000xf32, #tpu.memory_space<hbm>>
    tpu.wait_indirect_dma semaphore(%arg10 : memref<!tpu.dma_semaphore, #tpu.memory_space<semaphore_mem>>) src(%dma_wait3A_197 : memref<83200000xf32, #tpu.memory_space<hbm>>) dst(%arg8 : memref<16384xf32, #tpu.memory_space<vmem>>)
    %add3A_198 = arith.constant 5120 : i32
    %add3A_199 = arith.addi %mul3A_2, %add3A_198 : i32
    %mul3A_200 = arith.constant 32 : i32
    %mul3A_201 = arith.muli %add3A_199, %mul3A_200 : i32
    %dma_start3A_202 = tpu.memref_slice %arg4[%mul3A_201] : memref<13631488xf32, #tpu.memory_space<hbm>> -> memref<16384xf32, #tpu.memory_space<hbm>>
    %dma_start3A_203 = tpu.memref_slice %arg4[%mul3A_201] : memref<13631488xf32, #tpu.memory_space<hbm>> -> memref<16384xf32, #tpu.memory_space<hbm>>
    tpu.enqueue_dma source(%arg8 : memref<16384xf32, #tpu.memory_space<vmem>>) target(%dma_start3A_203 : memref<16384xf32, #tpu.memory_space<hbm>>) target_semaphore(%arg12 : memref<!tpu.dma_semaphore, #tpu.memory_space<semaphore_mem>>)
    %dma_wait3A_204 = tpu.memref_slice %arg4[%mul3A_201] : memref<13631488xf32, #tpu.memory_space<hbm>> -> memref<16384xf32, #tpu.memory_space<hbm>>
    %dma_wait3A_205 = tpu.memref_slice %arg4[%mul3A_201] : memref<13631488xf32, #tpu.memory_space<hbm>> -> memref<16384xf32, #tpu.memory_space<hbm>>
    tpu.wait_dma2 semaphore(%arg12 : memref<!tpu.dma_semaphore, #tpu.memory_space<semaphore_mem>>) src(%arg8 : memref<16384xf32, #tpu.memory_space<vmem>>) dst(%dma_wait3A_205 : memref<16384xf32, #tpu.memory_space<hbm>>)
    %scan3A_206 = arith.constant 0 : i32
    %scan3A_207 = arith.constant 0 : i32
    %scan3A_208 = arith.constant 512 : i32
    %scan3A_209 = arith.addi %scan3A_207, %scan3A_208 : i32
    %scan3A_210 = arith.constant 1 : i32
    scf.for %scan3A_468 = %scan3A_207 to %scan3A_209 step %scan3A_210  : i32 {
      %iota3A = tpu.iota {dimensions = array<i32: 0>} : vector<16xi32>
      %mul3A_469 = arith.constant 100000 : i32
      %mul3A_470 = vector.broadcast %mul3A_469 : i32 to vector<16xi32>
      %mul3A_471 = arith.muli %iota3A, %mul3A_470 : vector<16xi32>
      %add3A_472 = arith.constant 1600000 : i32
      %add3A_473 = vector.broadcast %add3A_472 : i32 to vector<16xi32>
      %add3A_474 = arith.addi %mul3A_471, %add3A_473 : vector<16xi32>
      %add3A_475 = arith.constant 6144 : i32
      %add3A_476 = arith.addi %add3A_475, %scan3A_468 : i32
      %broadcast_in_dim3A = vector.broadcast %add3A_476 : i32 to vector<16xi32>
      %gather3A = tpu.vector_load_idx %arg5[%broadcast_in_dim3A] : memref<13312xi32, #tpu.memory_space<vmem>>[vector<16xi32>], vector<16xi32>,
      %add3A_477 = arith.addi %mul3A_2, %add3A_476 : i32
      %rem3A = arith.constant 26 : i32
      %rem3A_478 = arith.remsi %add3A_477, %rem3A : i32
      %mul3A_479 = arith.constant 3200000 : i32
      %mul3A_480 = arith.muli %rem3A_478, %mul3A_479 : i32
      %add3A_481 = vector.broadcast %mul3A_480 : i32 to vector<16xi32>
      %add3A_482 = arith.addi %gather3A, %add3A_481 : vector<16xi32>
      %add3A_483 = arith.addi %add3A_482, %mul3A_471 : vector<16xi32>
      %mul3A_484 = arith.constant 32 : i32
      %mul3A_485 = arith.muli %scan3A_468, %mul3A_484 : i32
      %swap3A = arith.index_cast %mul3A_485 : i32 to index
      %swap3A_486 = tpu.vector_load %arg6[%swap3A] {strides = array<i32>} : memref<16384xi32, #tpu.memory_space<vmem>>, vector<16xi32>,
      tpu.vector_store %arg6[%swap3A], %add3A_483 {strides = array<i32>} : memref<16384xi32, #tpu.memory_space<vmem>>, vector<16xi32>,
      %add3A_487 = arith.addi %add3A_482, %add3A_474 : vector<16xi32>
      %mul3A_488 = arith.constant 32 : i32
      %mul3A_489 = arith.muli %scan3A_468, %mul3A_488 : i32
      %add3A_490 = arith.constant 16 : i32
      %add3A_491 = arith.addi %mul3A_489, %add3A_490 : i32
      %swap3A_492 = arith.index_cast %add3A_491 : i32 to index
      %swap3A_493 = tpu.vector_load %arg6[%swap3A_492] {strides = array<i32>} : memref<16384xi32, #tpu.memory_space<vmem>>, vector<16xi32>,
      tpu.vector_store %arg6[%swap3A_492], %add3A_487 {strides = array<i32>} : memref<16384xi32, #tpu.memory_space<vmem>>, vector<16xi32>,
    }
    %scan3A_211 = arith.constant 512 : i32
    %dma_start3A_212 = arith.constant 0 : i32
    %dma_start3A_213 = tpu.memref_slice %arg2[%dma_start3A_212] : memref<83200000xf32, #tpu.memory_space<hbm>> -> memref<83200000xf32, #tpu.memory_space<hbm>>
    tpu.enqueue_indirect_dma source(%dma_start3A_213 : memref<83200000xf32, #tpu.memory_space<hbm>>) target(%arg8 : memref<16384xf32, #tpu.memory_space<vmem>>) offsets(%arg6 : memref<16384xi32, #tpu.memory_space<vmem>>) semaphore(%arg10 : memref<!tpu.dma_semaphore, #tpu.memory_space<semaphore_mem>>)
    %dma_wait3A_214 = arith.constant 0 : i32
    %dma_wait3A_215 = tpu.memref_slice %arg2[%dma_wait3A_214] : memref<83200000xf32, #tpu.memory_space<hbm>> -> memref<83200000xf32, #tpu.memory_space<hbm>>
    tpu.wait_indirect_dma semaphore(%arg11 : memref<!tpu.dma_semaphore, #tpu.memory_space<semaphore_mem>>) src(%dma_wait3A_215 : memref<83200000xf32, #tpu.memory_space<hbm>>) dst(%arg9 : memref<16384xf32, #tpu.memory_space<vmem>>)
    %add3A_216 = arith.constant 5632 : i32
    %add3A_217 = arith.addi %mul3A_2, %add3A_216 : i32
    %mul3A_218 = arith.constant 32 : i32
    %mul3A_219 = arith.muli %add3A_217, %mul3A_218 : i32
    %dma_start3A_220 = tpu.memref_slice %arg4[%mul3A_219] : memref<13631488xf32, #tpu.memory_space<hbm>> -> memref<16384xf32, #tpu.memory_space<hbm>>
    %dma_start3A_221 = tpu.memref_slice %arg4[%mul3A_219] : memref<13631488xf32, #tpu.memory_space<hbm>> -> memref<16384xf32, #tpu.memory_space<hbm>>
    tpu.enqueue_dma source(%arg9 : memref<16384xf32, #tpu.memory_space<vmem>>) target(%dma_start3A_221 : memref<16384xf32, #tpu.memory_space<hbm>>) target_semaphore(%arg13 : memref<!tpu.dma_semaphore, #tpu.memory_space<semaphore_mem>>)
    %dma_wait3A_222 = tpu.memref_slice %arg4[%mul3A_219] : memref<13631488xf32, #tpu.memory_space<hbm>> -> memref<16384xf32, #tpu.memory_space<hbm>>
    %dma_wait3A_223 = tpu.memref_slice %arg4[%mul3A_219] : memref<13631488xf32, #tpu.memory_space<hbm>> -> memref<16384xf32, #tpu.memory_space<hbm>>
    tpu.wait_dma2 semaphore(%arg13 : memref<!tpu.dma_semaphore, #tpu.memory_space<semaphore_mem>>) src(%arg9 : memref<16384xf32, #tpu.memory_space<vmem>>) dst(%dma_wait3A_223 : memref<16384xf32, #tpu.memory_space<hbm>>)
    %scan3A_224 = arith.constant 0 : i32
    %scan3A_225 = arith.constant 0 : i32
    %scan3A_226 = arith.constant 512 : i32
    %scan3A_227 = arith.addi %scan3A_225, %scan3A_226 : i32
    %scan3A_228 = arith.constant 1 : i32
    scf.for %scan3A_468 = %scan3A_225 to %scan3A_227 step %scan3A_228  : i32 {
      %iota3A = tpu.iota {dimensions = array<i32: 0>} : vector<16xi32>
      %mul3A_469 = arith.constant 100000 : i32
      %mul3A_470 = vector.broadcast %mul3A_469 : i32 to vector<16xi32>
      %mul3A_471 = arith.muli %iota3A, %mul3A_470 : vector<16xi32>
      %add3A_472 = arith.constant 1600000 : i32
      %add3A_473 = vector.broadcast %add3A_472 : i32 to vector<16xi32>
      %add3A_474 = arith.addi %mul3A_471, %add3A_473 : vector<16xi32>
      %add3A_475 = arith.constant 6656 : i32
      %add3A_476 = arith.addi %add3A_475, %scan3A_468 : i32
      %broadcast_in_dim3A = vector.broadcast %add3A_476 : i32 to vector<16xi32>
      %gather3A = tpu.vector_load_idx %arg5[%broadcast_in_dim3A] : memref<13312xi32, #tpu.memory_space<vmem>>[vector<16xi32>], vector<16xi32>,
      %add3A_477 = arith.addi %mul3A_2, %add3A_476 : i32
      %rem3A = arith.constant 26 : i32
      %rem3A_478 = arith.remsi %add3A_477, %rem3A : i32
      %mul3A_479 = arith.constant 3200000 : i32
      %mul3A_480 = arith.muli %rem3A_478, %mul3A_479 : i32
      %add3A_481 = vector.broadcast %mul3A_480 : i32 to vector<16xi32>
      %add3A_482 = arith.addi %gather3A, %add3A_481 : vector<16xi32>
      %add3A_483 = arith.addi %add3A_482, %mul3A_471 : vector<16xi32>
      %mul3A_484 = arith.constant 32 : i32
      %mul3A_485 = arith.muli %scan3A_468, %mul3A_484 : i32
      %swap3A = arith.index_cast %mul3A_485 : i32 to index
      %swap3A_486 = tpu.vector_load %arg7[%swap3A] {strides = array<i32>} : memref<16384xi32, #tpu.memory_space<vmem>>, vector<16xi32>,
      tpu.vector_store %arg7[%swap3A], %add3A_483 {strides = array<i32>} : memref<16384xi32, #tpu.memory_space<vmem>>, vector<16xi32>,
      %add3A_487 = arith.addi %add3A_482, %add3A_474 : vector<16xi32>
      %mul3A_488 = arith.constant 32 : i32
      %mul3A_489 = arith.muli %scan3A_468, %mul3A_488 : i32
      %add3A_490 = arith.constant 16 : i32
      %add3A_491 = arith.addi %mul3A_489, %add3A_490 : i32
      %swap3A_492 = arith.index_cast %add3A_491 : i32 to index
      %swap3A_493 = tpu.vector_load %arg7[%swap3A_492] {strides = array<i32>} : memref<16384xi32, #tpu.memory_space<vmem>>, vector<16xi32>,
      tpu.vector_store %arg7[%swap3A_492], %add3A_487 {strides = array<i32>} : memref<16384xi32, #tpu.memory_space<vmem>>, vector<16xi32>,
    }
    %scan3A_229 = arith.constant 512 : i32
    %dma_start3A_230 = arith.constant 0 : i32
    %dma_start3A_231 = tpu.memref_slice %arg2[%dma_start3A_230] : memref<83200000xf32, #tpu.memory_space<hbm>> -> memref<83200000xf32, #tpu.memory_space<hbm>>
    tpu.enqueue_indirect_dma source(%dma_start3A_231 : memref<83200000xf32, #tpu.memory_space<hbm>>) target(%arg9 : memref<16384xf32, #tpu.memory_space<vmem>>) offsets(%arg7 : memref<16384xi32, #tpu.memory_space<vmem>>) semaphore(%arg11 : memref<!tpu.dma_semaphore, #tpu.memory_space<semaphore_mem>>)
    %dma_wait3A_232 = arith.constant 0 : i32
    %dma_wait3A_233 = tpu.memref_slice %arg2[%dma_wait3A_232] : memref<83200000xf32, #tpu.memory_space<hbm>> -> memref<83200000xf32, #tpu.memory_space<hbm>>
    tpu.wait_indirect_dma semaphore(%arg10 : memref<!tpu.dma_semaphore, #tpu.memory_space<semaphore_mem>>) src(%dma_wait3A_233 : memref<83200000xf32, #tpu.memory_space<hbm>>) dst(%arg8 : memref<16384xf32, #tpu.memory_space<vmem>>)
    %add3A_234 = arith.constant 6144 : i32
    %add3A_235 = arith.addi %mul3A_2, %add3A_234 : i32
    %mul3A_236 = arith.constant 32 : i32
    %mul3A_237 = arith.muli %add3A_235, %mul3A_236 : i32
    %dma_start3A_238 = tpu.memref_slice %arg4[%mul3A_237] : memref<13631488xf32, #tpu.memory_space<hbm>> -> memref<16384xf32, #tpu.memory_space<hbm>>
    %dma_start3A_239 = tpu.memref_slice %arg4[%mul3A_237] : memref<13631488xf32, #tpu.memory_space<hbm>> -> memref<16384xf32, #tpu.memory_space<hbm>>
    tpu.enqueue_dma source(%arg8 : memref<16384xf32, #tpu.memory_space<vmem>>) target(%dma_start3A_239 : memref<16384xf32, #tpu.memory_space<hbm>>) target_semaphore(%arg12 : memref<!tpu.dma_semaphore, #tpu.memory_space<semaphore_mem>>)
    %dma_wait3A_240 = tpu.memref_slice %arg4[%mul3A_237] : memref<13631488xf32, #tpu.memory_space<hbm>> -> memref<16384xf32, #tpu.memory_space<hbm>>
    %dma_wait3A_241 = tpu.memref_slice %arg4[%mul3A_237] : memref<13631488xf32, #tpu.memory_space<hbm>> -> memref<16384xf32, #tpu.memory_space<hbm>>
    tpu.wait_dma2 semaphore(%arg12 : memref<!tpu.dma_semaphore, #tpu.memory_space<semaphore_mem>>) src(%arg8 : memref<16384xf32, #tpu.memory_space<vmem>>) dst(%dma_wait3A_241 : memref<16384xf32, #tpu.memory_space<hbm>>)
    %scan3A_242 = arith.constant 0 : i32
    %scan3A_243 = arith.constant 0 : i32
    %scan3A_244 = arith.constant 512 : i32
    %scan3A_245 = arith.addi %scan3A_243, %scan3A_244 : i32
    %scan3A_246 = arith.constant 1 : i32
    scf.for %scan3A_468 = %scan3A_243 to %scan3A_245 step %scan3A_246  : i32 {
      %iota3A = tpu.iota {dimensions = array<i32: 0>} : vector<16xi32>
      %mul3A_469 = arith.constant 100000 : i32
      %mul3A_470 = vector.broadcast %mul3A_469 : i32 to vector<16xi32>
      %mul3A_471 = arith.muli %iota3A, %mul3A_470 : vector<16xi32>
      %add3A_472 = arith.constant 1600000 : i32
      %add3A_473 = vector.broadcast %add3A_472 : i32 to vector<16xi32>
      %add3A_474 = arith.addi %mul3A_471, %add3A_473 : vector<16xi32>
      %add3A_475 = arith.constant 7168 : i32
      %add3A_476 = arith.addi %add3A_475, %scan3A_468 : i32
      %broadcast_in_dim3A = vector.broadcast %add3A_476 : i32 to vector<16xi32>
      %gather3A = tpu.vector_load_idx %arg5[%broadcast_in_dim3A] : memref<13312xi32, #tpu.memory_space<vmem>>[vector<16xi32>], vector<16xi32>,
      %add3A_477 = arith.addi %mul3A_2, %add3A_476 : i32
      %rem3A = arith.constant 26 : i32
      %rem3A_478 = arith.remsi %add3A_477, %rem3A : i32
      %mul3A_479 = arith.constant 3200000 : i32
      %mul3A_480 = arith.muli %rem3A_478, %mul3A_479 : i32
      %add3A_481 = vector.broadcast %mul3A_480 : i32 to vector<16xi32>
      %add3A_482 = arith.addi %gather3A, %add3A_481 : vector<16xi32>
      %add3A_483 = arith.addi %add3A_482, %mul3A_471 : vector<16xi32>
      %mul3A_484 = arith.constant 32 : i32
      %mul3A_485 = arith.muli %scan3A_468, %mul3A_484 : i32
      %swap3A = arith.index_cast %mul3A_485 : i32 to index
      %swap3A_486 = tpu.vector_load %arg6[%swap3A] {strides = array<i32>} : memref<16384xi32, #tpu.memory_space<vmem>>, vector<16xi32>,
      tpu.vector_store %arg6[%swap3A], %add3A_483 {strides = array<i32>} : memref<16384xi32, #tpu.memory_space<vmem>>, vector<16xi32>,
      %add3A_487 = arith.addi %add3A_482, %add3A_474 : vector<16xi32>
      %mul3A_488 = arith.constant 32 : i32
      %mul3A_489 = arith.muli %scan3A_468, %mul3A_488 : i32
      %add3A_490 = arith.constant 16 : i32
      %add3A_491 = arith.addi %mul3A_489, %add3A_490 : i32
      %swap3A_492 = arith.index_cast %add3A_491 : i32 to index
      %swap3A_493 = tpu.vector_load %arg6[%swap3A_492] {strides = array<i32>} : memref<16384xi32, #tpu.memory_space<vmem>>, vector<16xi32>,
      tpu.vector_store %arg6[%swap3A_492], %add3A_487 {strides = array<i32>} : memref<16384xi32, #tpu.memory_space<vmem>>, vector<16xi32>,
    }
    %scan3A_247 = arith.constant 512 : i32
    %dma_start3A_248 = arith.constant 0 : i32
    %dma_start3A_249 = tpu.memref_slice %arg2[%dma_start3A_248] : memref<83200000xf32, #tpu.memory_space<hbm>> -> memref<83200000xf32, #tpu.memory_space<hbm>>
    tpu.enqueue_indirect_dma source(%dma_start3A_249 : memref<83200000xf32, #tpu.memory_space<hbm>>) target(%arg8 : memref<16384xf32, #tpu.memory_space<vmem>>) offsets(%arg6 : memref<16384xi32, #tpu.memory_space<vmem>>) semaphore(%arg10 : memref<!tpu.dma_semaphore, #tpu.memory_space<semaphore_mem>>)
    %dma_wait3A_250 = arith.constant 0 : i32
    %dma_wait3A_251 = tpu.memref_slice %arg2[%dma_wait3A_250] : memref<83200000xf32, #tpu.memory_space<hbm>> -> memref<83200000xf32, #tpu.memory_space<hbm>>
    tpu.wait_indirect_dma semaphore(%arg11 : memref<!tpu.dma_semaphore, #tpu.memory_space<semaphore_mem>>) src(%dma_wait3A_251 : memref<83200000xf32, #tpu.memory_space<hbm>>) dst(%arg9 : memref<16384xf32, #tpu.memory_space<vmem>>)
    %add3A_252 = arith.constant 6656 : i32
    %add3A_253 = arith.addi %mul3A_2, %add3A_252 : i32
    %mul3A_254 = arith.constant 32 : i32
    %mul3A_255 = arith.muli %add3A_253, %mul3A_254 : i32
    %dma_start3A_256 = tpu.memref_slice %arg4[%mul3A_255] : memref<13631488xf32, #tpu.memory_space<hbm>> -> memref<16384xf32, #tpu.memory_space<hbm>>
    %dma_start3A_257 = tpu.memref_slice %arg4[%mul3A_255] : memref<13631488xf32, #tpu.memory_space<hbm>> -> memref<16384xf32, #tpu.memory_space<hbm>>
    tpu.enqueue_dma source(%arg9 : memref<16384xf32, #tpu.memory_space<vmem>>) target(%dma_start3A_257 : memref<16384xf32, #tpu.memory_space<hbm>>) target_semaphore(%arg13 : memref<!tpu.dma_semaphore, #tpu.memory_space<semaphore_mem>>)
    %dma_wait3A_258 = tpu.memref_slice %arg4[%mul3A_255] : memref<13631488xf32, #tpu.memory_space<hbm>> -> memref<16384xf32, #tpu.memory_space<hbm>>
    %dma_wait3A_259 = tpu.memref_slice %arg4[%mul3A_255] : memref<13631488xf32, #tpu.memory_space<hbm>> -> memref<16384xf32, #tpu.memory_space<hbm>>
    tpu.wait_dma2 semaphore(%arg13 : memref<!tpu.dma_semaphore, #tpu.memory_space<semaphore_mem>>) src(%arg9 : memref<16384xf32, #tpu.memory_space<vmem>>) dst(%dma_wait3A_259 : memref<16384xf32, #tpu.memory_space<hbm>>)
    %scan3A_260 = arith.constant 0 : i32
    %scan3A_261 = arith.constant 0 : i32
    %scan3A_262 = arith.constant 512 : i32
    %scan3A_263 = arith.addi %scan3A_261, %scan3A_262 : i32
    %scan3A_264 = arith.constant 1 : i32
    scf.for %scan3A_468 = %scan3A_261 to %scan3A_263 step %scan3A_264  : i32 {
      %iota3A = tpu.iota {dimensions = array<i32: 0>} : vector<16xi32>
      %mul3A_469 = arith.constant 100000 : i32
      %mul3A_470 = vector.broadcast %mul3A_469 : i32 to vector<16xi32>
      %mul3A_471 = arith.muli %iota3A, %mul3A_470 : vector<16xi32>
      %add3A_472 = arith.constant 1600000 : i32
      %add3A_473 = vector.broadcast %add3A_472 : i32 to vector<16xi32>
      %add3A_474 = arith.addi %mul3A_471, %add3A_473 : vector<16xi32>
      %add3A_475 = arith.constant 7680 : i32
      %add3A_476 = arith.addi %add3A_475, %scan3A_468 : i32
      %broadcast_in_dim3A = vector.broadcast %add3A_476 : i32 to vector<16xi32>
      %gather3A = tpu.vector_load_idx %arg5[%broadcast_in_dim3A] : memref<13312xi32, #tpu.memory_space<vmem>>[vector<16xi32>], vector<16xi32>,
      %add3A_477 = arith.addi %mul3A_2, %add3A_476 : i32
      %rem3A = arith.constant 26 : i32
      %rem3A_478 = arith.remsi %add3A_477, %rem3A : i32
      %mul3A_479 = arith.constant 3200000 : i32
      %mul3A_480 = arith.muli %rem3A_478, %mul3A_479 : i32
      %add3A_481 = vector.broadcast %mul3A_480 : i32 to vector<16xi32>
      %add3A_482 = arith.addi %gather3A, %add3A_481 : vector<16xi32>
      %add3A_483 = arith.addi %add3A_482, %mul3A_471 : vector<16xi32>
      %mul3A_484 = arith.constant 32 : i32
      %mul3A_485 = arith.muli %scan3A_468, %mul3A_484 : i32
      %swap3A = arith.index_cast %mul3A_485 : i32 to index
      %swap3A_486 = tpu.vector_load %arg7[%swap3A] {strides = array<i32>} : memref<16384xi32, #tpu.memory_space<vmem>>, vector<16xi32>,
      tpu.vector_store %arg7[%swap3A], %add3A_483 {strides = array<i32>} : memref<16384xi32, #tpu.memory_space<vmem>>, vector<16xi32>,
      %add3A_487 = arith.addi %add3A_482, %add3A_474 : vector<16xi32>
      %mul3A_488 = arith.constant 32 : i32
      %mul3A_489 = arith.muli %scan3A_468, %mul3A_488 : i32
      %add3A_490 = arith.constant 16 : i32
      %add3A_491 = arith.addi %mul3A_489, %add3A_490 : i32
      %swap3A_492 = arith.index_cast %add3A_491 : i32 to index
      %swap3A_493 = tpu.vector_load %arg7[%swap3A_492] {strides = array<i32>} : memref<16384xi32, #tpu.memory_space<vmem>>, vector<16xi32>,
      tpu.vector_store %arg7[%swap3A_492], %add3A_487 {strides = array<i32>} : memref<16384xi32, #tpu.memory_space<vmem>>, vector<16xi32>,
    }
    %scan3A_265 = arith.constant 512 : i32
    %dma_start3A_266 = arith.constant 0 : i32
    %dma_start3A_267 = tpu.memref_slice %arg2[%dma_start3A_266] : memref<83200000xf32, #tpu.memory_space<hbm>> -> memref<83200000xf32, #tpu.memory_space<hbm>>
    tpu.enqueue_indirect_dma source(%dma_start3A_267 : memref<83200000xf32, #tpu.memory_space<hbm>>) target(%arg9 : memref<16384xf32, #tpu.memory_space<vmem>>) offsets(%arg7 : memref<16384xi32, #tpu.memory_space<vmem>>) semaphore(%arg11 : memref<!tpu.dma_semaphore, #tpu.memory_space<semaphore_mem>>)
    %dma_wait3A_268 = arith.constant 0 : i32
    %dma_wait3A_269 = tpu.memref_slice %arg2[%dma_wait3A_268] : memref<83200000xf32, #tpu.memory_space<hbm>> -> memref<83200000xf32, #tpu.memory_space<hbm>>
    tpu.wait_indirect_dma semaphore(%arg10 : memref<!tpu.dma_semaphore, #tpu.memory_space<semaphore_mem>>) src(%dma_wait3A_269 : memref<83200000xf32, #tpu.memory_space<hbm>>) dst(%arg8 : memref<16384xf32, #tpu.memory_space<vmem>>)
    %add3A_270 = arith.constant 7168 : i32
    %add3A_271 = arith.addi %mul3A_2, %add3A_270 : i32
    %mul3A_272 = arith.constant 32 : i32
    %mul3A_273 = arith.muli %add3A_271, %mul3A_272 : i32
    %dma_start3A_274 = tpu.memref_slice %arg4[%mul3A_273] : memref<13631488xf32, #tpu.memory_space<hbm>> -> memref<16384xf32, #tpu.memory_space<hbm>>
    %dma_start3A_275 = tpu.memref_slice %arg4[%mul3A_273] : memref<13631488xf32, #tpu.memory_space<hbm>> -> memref<16384xf32, #tpu.memory_space<hbm>>
    tpu.enqueue_dma source(%arg8 : memref<16384xf32, #tpu.memory_space<vmem>>) target(%dma_start3A_275 : memref<16384xf32, #tpu.memory_space<hbm>>) target_semaphore(%arg12 : memref<!tpu.dma_semaphore, #tpu.memory_space<semaphore_mem>>)
    %dma_wait3A_276 = tpu.memref_slice %arg4[%mul3A_273] : memref<13631488xf32, #tpu.memory_space<hbm>> -> memref<16384xf32, #tpu.memory_space<hbm>>
    %dma_wait3A_277 = tpu.memref_slice %arg4[%mul3A_273] : memref<13631488xf32, #tpu.memory_space<hbm>> -> memref<16384xf32, #tpu.memory_space<hbm>>
    tpu.wait_dma2 semaphore(%arg12 : memref<!tpu.dma_semaphore, #tpu.memory_space<semaphore_mem>>) src(%arg8 : memref<16384xf32, #tpu.memory_space<vmem>>) dst(%dma_wait3A_277 : memref<16384xf32, #tpu.memory_space<hbm>>)
    %scan3A_278 = arith.constant 0 : i32
    %scan3A_279 = arith.constant 0 : i32
    %scan3A_280 = arith.constant 512 : i32
    %scan3A_281 = arith.addi %scan3A_279, %scan3A_280 : i32
    %scan3A_282 = arith.constant 1 : i32
    scf.for %scan3A_468 = %scan3A_279 to %scan3A_281 step %scan3A_282  : i32 {
      %iota3A = tpu.iota {dimensions = array<i32: 0>} : vector<16xi32>
      %mul3A_469 = arith.constant 100000 : i32
      %mul3A_470 = vector.broadcast %mul3A_469 : i32 to vector<16xi32>
      %mul3A_471 = arith.muli %iota3A, %mul3A_470 : vector<16xi32>
      %add3A_472 = arith.constant 1600000 : i32
      %add3A_473 = vector.broadcast %add3A_472 : i32 to vector<16xi32>
      %add3A_474 = arith.addi %mul3A_471, %add3A_473 : vector<16xi32>
      %add3A_475 = arith.constant 8192 : i32
      %add3A_476 = arith.addi %add3A_475, %scan3A_468 : i32
      %broadcast_in_dim3A = vector.broadcast %add3A_476 : i32 to vector<16xi32>
      %gather3A = tpu.vector_load_idx %arg5[%broadcast_in_dim3A] : memref<13312xi32, #tpu.memory_space<vmem>>[vector<16xi32>], vector<16xi32>,
      %add3A_477 = arith.addi %mul3A_2, %add3A_476 : i32
      %rem3A = arith.constant 26 : i32
      %rem3A_478 = arith.remsi %add3A_477, %rem3A : i32
      %mul3A_479 = arith.constant 3200000 : i32
      %mul3A_480 = arith.muli %rem3A_478, %mul3A_479 : i32
      %add3A_481 = vector.broadcast %mul3A_480 : i32 to vector<16xi32>
      %add3A_482 = arith.addi %gather3A, %add3A_481 : vector<16xi32>
      %add3A_483 = arith.addi %add3A_482, %mul3A_471 : vector<16xi32>
      %mul3A_484 = arith.constant 32 : i32
      %mul3A_485 = arith.muli %scan3A_468, %mul3A_484 : i32
      %swap3A = arith.index_cast %mul3A_485 : i32 to index
      %swap3A_486 = tpu.vector_load %arg6[%swap3A] {strides = array<i32>} : memref<16384xi32, #tpu.memory_space<vmem>>, vector<16xi32>,
      tpu.vector_store %arg6[%swap3A], %add3A_483 {strides = array<i32>} : memref<16384xi32, #tpu.memory_space<vmem>>, vector<16xi32>,
      %add3A_487 = arith.addi %add3A_482, %add3A_474 : vector<16xi32>
      %mul3A_488 = arith.constant 32 : i32
      %mul3A_489 = arith.muli %scan3A_468, %mul3A_488 : i32
      %add3A_490 = arith.constant 16 : i32
      %add3A_491 = arith.addi %mul3A_489, %add3A_490 : i32
      %swap3A_492 = arith.index_cast %add3A_491 : i32 to index
      %swap3A_493 = tpu.vector_load %arg6[%swap3A_492] {strides = array<i32>} : memref<16384xi32, #tpu.memory_space<vmem>>, vector<16xi32>,
      tpu.vector_store %arg6[%swap3A_492], %add3A_487 {strides = array<i32>} : memref<16384xi32, #tpu.memory_space<vmem>>, vector<16xi32>,
    }
    %scan3A_283 = arith.constant 512 : i32
    %dma_start3A_284 = arith.constant 0 : i32
    %dma_start3A_285 = tpu.memref_slice %arg2[%dma_start3A_284] : memref<83200000xf32, #tpu.memory_space<hbm>> -> memref<83200000xf32, #tpu.memory_space<hbm>>
    tpu.enqueue_indirect_dma source(%dma_start3A_285 : memref<83200000xf32, #tpu.memory_space<hbm>>) target(%arg8 : memref<16384xf32, #tpu.memory_space<vmem>>) offsets(%arg6 : memref<16384xi32, #tpu.memory_space<vmem>>) semaphore(%arg10 : memref<!tpu.dma_semaphore, #tpu.memory_space<semaphore_mem>>)
    %dma_wait3A_286 = arith.constant 0 : i32
    %dma_wait3A_287 = tpu.memref_slice %arg2[%dma_wait3A_286] : memref<83200000xf32, #tpu.memory_space<hbm>> -> memref<83200000xf32, #tpu.memory_space<hbm>>
    tpu.wait_indirect_dma semaphore(%arg11 : memref<!tpu.dma_semaphore, #tpu.memory_space<semaphore_mem>>) src(%dma_wait3A_287 : memref<83200000xf32, #tpu.memory_space<hbm>>) dst(%arg9 : memref<16384xf32, #tpu.memory_space<vmem>>)
    %add3A_288 = arith.constant 7680 : i32
    %add3A_289 = arith.addi %mul3A_2, %add3A_288 : i32
    %mul3A_290 = arith.constant 32 : i32
    %mul3A_291 = arith.muli %add3A_289, %mul3A_290 : i32
    %dma_start3A_292 = tpu.memref_slice %arg4[%mul3A_291] : memref<13631488xf32, #tpu.memory_space<hbm>> -> memref<16384xf32, #tpu.memory_space<hbm>>
    %dma_start3A_293 = tpu.memref_slice %arg4[%mul3A_291] : memref<13631488xf32, #tpu.memory_space<hbm>> -> memref<16384xf32, #tpu.memory_space<hbm>>
    tpu.enqueue_dma source(%arg9 : memref<16384xf32, #tpu.memory_space<vmem>>) target(%dma_start3A_293 : memref<16384xf32, #tpu.memory_space<hbm>>) target_semaphore(%arg13 : memref<!tpu.dma_semaphore, #tpu.memory_space<semaphore_mem>>)
    %dma_wait3A_294 = tpu.memref_slice %arg4[%mul3A_291] : memref<13631488xf32, #tpu.memory_space<hbm>> -> memref<16384xf32, #tpu.memory_space<hbm>>
    %dma_wait3A_295 = tpu.memref_slice %arg4[%mul3A_291] : memref<13631488xf32, #tpu.memory_space<hbm>> -> memref<16384xf32, #tpu.memory_space<hbm>>
    tpu.wait_dma2 semaphore(%arg13 : memref<!tpu.dma_semaphore, #tpu.memory_space<semaphore_mem>>) src(%arg9 : memref<16384xf32, #tpu.memory_space<vmem>>) dst(%dma_wait3A_295 : memref<16384xf32, #tpu.memory_space<hbm>>)
    %scan3A_296 = arith.constant 0 : i32
    %scan3A_297 = arith.constant 0 : i32
    %scan3A_298 = arith.constant 512 : i32
    %scan3A_299 = arith.addi %scan3A_297, %scan3A_298 : i32
    %scan3A_300 = arith.constant 1 : i32
    scf.for %scan3A_468 = %scan3A_297 to %scan3A_299 step %scan3A_300  : i32 {
      %iota3A = tpu.iota {dimensions = array<i32: 0>} : vector<16xi32>
      %mul3A_469 = arith.constant 100000 : i32
      %mul3A_470 = vector.broadcast %mul3A_469 : i32 to vector<16xi32>
      %mul3A_471 = arith.muli %iota3A, %mul3A_470 : vector<16xi32>
      %add3A_472 = arith.constant 1600000 : i32
      %add3A_473 = vector.broadcast %add3A_472 : i32 to vector<16xi32>
      %add3A_474 = arith.addi %mul3A_471, %add3A_473 : vector<16xi32>
      %add3A_475 = arith.constant 8704 : i32
      %add3A_476 = arith.addi %add3A_475, %scan3A_468 : i32
      %broadcast_in_dim3A = vector.broadcast %add3A_476 : i32 to vector<16xi32>
      %gather3A = tpu.vector_load_idx %arg5[%broadcast_in_dim3A] : memref<13312xi32, #tpu.memory_space<vmem>>[vector<16xi32>], vector<16xi32>,
      %add3A_477 = arith.addi %mul3A_2, %add3A_476 : i32
      %rem3A = arith.constant 26 : i32
      %rem3A_478 = arith.remsi %add3A_477, %rem3A : i32
      %mul3A_479 = arith.constant 3200000 : i32
      %mul3A_480 = arith.muli %rem3A_478, %mul3A_479 : i32
      %add3A_481 = vector.broadcast %mul3A_480 : i32 to vector<16xi32>
      %add3A_482 = arith.addi %gather3A, %add3A_481 : vector<16xi32>
      %add3A_483 = arith.addi %add3A_482, %mul3A_471 : vector<16xi32>
      %mul3A_484 = arith.constant 32 : i32
      %mul3A_485 = arith.muli %scan3A_468, %mul3A_484 : i32
      %swap3A = arith.index_cast %mul3A_485 : i32 to index
      %swap3A_486 = tpu.vector_load %arg7[%swap3A] {strides = array<i32>} : memref<16384xi32, #tpu.memory_space<vmem>>, vector<16xi32>,
      tpu.vector_store %arg7[%swap3A], %add3A_483 {strides = array<i32>} : memref<16384xi32, #tpu.memory_space<vmem>>, vector<16xi32>,
      %add3A_487 = arith.addi %add3A_482, %add3A_474 : vector<16xi32>
      %mul3A_488 = arith.constant 32 : i32
      %mul3A_489 = arith.muli %scan3A_468, %mul3A_488 : i32
      %add3A_490 = arith.constant 16 : i32
      %add3A_491 = arith.addi %mul3A_489, %add3A_490 : i32
      %swap3A_492 = arith.index_cast %add3A_491 : i32 to index
      %swap3A_493 = tpu.vector_load %arg7[%swap3A_492] {strides = array<i32>} : memref<16384xi32, #tpu.memory_space<vmem>>, vector<16xi32>,
      tpu.vector_store %arg7[%swap3A_492], %add3A_487 {strides = array<i32>} : memref<16384xi32, #tpu.memory_space<vmem>>, vector<16xi32>,
    }
    %scan3A_301 = arith.constant 512 : i32
    %dma_start3A_302 = arith.constant 0 : i32
    %dma_start3A_303 = tpu.memref_slice %arg2[%dma_start3A_302] : memref<83200000xf32, #tpu.memory_space<hbm>> -> memref<83200000xf32, #tpu.memory_space<hbm>>
    tpu.enqueue_indirect_dma source(%dma_start3A_303 : memref<83200000xf32, #tpu.memory_space<hbm>>) target(%arg9 : memref<16384xf32, #tpu.memory_space<vmem>>) offsets(%arg7 : memref<16384xi32, #tpu.memory_space<vmem>>) semaphore(%arg11 : memref<!tpu.dma_semaphore, #tpu.memory_space<semaphore_mem>>)
    %dma_wait3A_304 = arith.constant 0 : i32
    %dma_wait3A_305 = tpu.memref_slice %arg2[%dma_wait3A_304] : memref<83200000xf32, #tpu.memory_space<hbm>> -> memref<83200000xf32, #tpu.memory_space<hbm>>
    tpu.wait_indirect_dma semaphore(%arg10 : memref<!tpu.dma_semaphore, #tpu.memory_space<semaphore_mem>>) src(%dma_wait3A_305 : memref<83200000xf32, #tpu.memory_space<hbm>>) dst(%arg8 : memref<16384xf32, #tpu.memory_space<vmem>>)
    %add3A_306 = arith.constant 8192 : i32
    %add3A_307 = arith.addi %mul3A_2, %add3A_306 : i32
    %mul3A_308 = arith.constant 32 : i32
    %mul3A_309 = arith.muli %add3A_307, %mul3A_308 : i32
    %dma_start3A_310 = tpu.memref_slice %arg4[%mul3A_309] : memref<13631488xf32, #tpu.memory_space<hbm>> -> memref<16384xf32, #tpu.memory_space<hbm>>
    %dma_start3A_311 = tpu.memref_slice %arg4[%mul3A_309] : memref<13631488xf32, #tpu.memory_space<hbm>> -> memref<16384xf32, #tpu.memory_space<hbm>>
    tpu.enqueue_dma source(%arg8 : memref<16384xf32, #tpu.memory_space<vmem>>) target(%dma_start3A_311 : memref<16384xf32, #tpu.memory_space<hbm>>) target_semaphore(%arg12 : memref<!tpu.dma_semaphore, #tpu.memory_space<semaphore_mem>>)
    %dma_wait3A_312 = tpu.memref_slice %arg4[%mul3A_309] : memref<13631488xf32, #tpu.memory_space<hbm>> -> memref<16384xf32, #tpu.memory_space<hbm>>
    %dma_wait3A_313 = tpu.memref_slice %arg4[%mul3A_309] : memref<13631488xf32, #tpu.memory_space<hbm>> -> memref<16384xf32, #tpu.memory_space<hbm>>
    tpu.wait_dma2 semaphore(%arg12 : memref<!tpu.dma_semaphore, #tpu.memory_space<semaphore_mem>>) src(%arg8 : memref<16384xf32, #tpu.memory_space<vmem>>) dst(%dma_wait3A_313 : memref<16384xf32, #tpu.memory_space<hbm>>)
    %scan3A_314 = arith.constant 0 : i32
    %scan3A_315 = arith.constant 0 : i32
    %scan3A_316 = arith.constant 512 : i32
    %scan3A_317 = arith.addi %scan3A_315, %scan3A_316 : i32
    %scan3A_318 = arith.constant 1 : i32
    scf.for %scan3A_468 = %scan3A_315 to %scan3A_317 step %scan3A_318  : i32 {
      %iota3A = tpu.iota {dimensions = array<i32: 0>} : vector<16xi32>
      %mul3A_469 = arith.constant 100000 : i32
      %mul3A_470 = vector.broadcast %mul3A_469 : i32 to vector<16xi32>
      %mul3A_471 = arith.muli %iota3A, %mul3A_470 : vector<16xi32>
      %add3A_472 = arith.constant 1600000 : i32
      %add3A_473 = vector.broadcast %add3A_472 : i32 to vector<16xi32>
      %add3A_474 = arith.addi %mul3A_471, %add3A_473 : vector<16xi32>
      %add3A_475 = arith.constant 9216 : i32
      %add3A_476 = arith.addi %add3A_475, %scan3A_468 : i32
      %broadcast_in_dim3A = vector.broadcast %add3A_476 : i32 to vector<16xi32>
      %gather3A = tpu.vector_load_idx %arg5[%broadcast_in_dim3A] : memref<13312xi32, #tpu.memory_space<vmem>>[vector<16xi32>], vector<16xi32>,
      %add3A_477 = arith.addi %mul3A_2, %add3A_476 : i32
      %rem3A = arith.constant 26 : i32
      %rem3A_478 = arith.remsi %add3A_477, %rem3A : i32
      %mul3A_479 = arith.constant 3200000 : i32
      %mul3A_480 = arith.muli %rem3A_478, %mul3A_479 : i32
      %add3A_481 = vector.broadcast %mul3A_480 : i32 to vector<16xi32>
      %add3A_482 = arith.addi %gather3A, %add3A_481 : vector<16xi32>
      %add3A_483 = arith.addi %add3A_482, %mul3A_471 : vector<16xi32>
      %mul3A_484 = arith.constant 32 : i32
      %mul3A_485 = arith.muli %scan3A_468, %mul3A_484 : i32
      %swap3A = arith.index_cast %mul3A_485 : i32 to index
      %swap3A_486 = tpu.vector_load %arg6[%swap3A] {strides = array<i32>} : memref<16384xi32, #tpu.memory_space<vmem>>, vector<16xi32>,
      tpu.vector_store %arg6[%swap3A], %add3A_483 {strides = array<i32>} : memref<16384xi32, #tpu.memory_space<vmem>>, vector<16xi32>,
      %add3A_487 = arith.addi %add3A_482, %add3A_474 : vector<16xi32>
      %mul3A_488 = arith.constant 32 : i32
      %mul3A_489 = arith.muli %scan3A_468, %mul3A_488 : i32
      %add3A_490 = arith.constant 16 : i32
      %add3A_491 = arith.addi %mul3A_489, %add3A_490 : i32
      %swap3A_492 = arith.index_cast %add3A_491 : i32 to index
      %swap3A_493 = tpu.vector_load %arg6[%swap3A_492] {strides = array<i32>} : memref<16384xi32, #tpu.memory_space<vmem>>, vector<16xi32>,
      tpu.vector_store %arg6[%swap3A_492], %add3A_487 {strides = array<i32>} : memref<16384xi32, #tpu.memory_space<vmem>>, vector<16xi32>,
    }
    %scan3A_319 = arith.constant 512 : i32
    %dma_start3A_320 = arith.constant 0 : i32
    %dma_start3A_321 = tpu.memref_slice %arg2[%dma_start3A_320] : memref<83200000xf32, #tpu.memory_space<hbm>> -> memref<83200000xf32, #tpu.memory_space<hbm>>
    tpu.enqueue_indirect_dma source(%dma_start3A_321 : memref<83200000xf32, #tpu.memory_space<hbm>>) target(%arg8 : memref<16384xf32, #tpu.memory_space<vmem>>) offsets(%arg6 : memref<16384xi32, #tpu.memory_space<vmem>>) semaphore(%arg10 : memref<!tpu.dma_semaphore, #tpu.memory_space<semaphore_mem>>)
    %dma_wait3A_322 = arith.constant 0 : i32
    %dma_wait3A_323 = tpu.memref_slice %arg2[%dma_wait3A_322] : memref<83200000xf32, #tpu.memory_space<hbm>> -> memref<83200000xf32, #tpu.memory_space<hbm>>
    tpu.wait_indirect_dma semaphore(%arg11 : memref<!tpu.dma_semaphore, #tpu.memory_space<semaphore_mem>>) src(%dma_wait3A_323 : memref<83200000xf32, #tpu.memory_space<hbm>>) dst(%arg9 : memref<16384xf32, #tpu.memory_space<vmem>>)
    %add3A_324 = arith.constant 8704 : i32
    %add3A_325 = arith.addi %mul3A_2, %add3A_324 : i32
    %mul3A_326 = arith.constant 32 : i32
    %mul3A_327 = arith.muli %add3A_325, %mul3A_326 : i32
    %dma_start3A_328 = tpu.memref_slice %arg4[%mul3A_327] : memref<13631488xf32, #tpu.memory_space<hbm>> -> memref<16384xf32, #tpu.memory_space<hbm>>
    %dma_start3A_329 = tpu.memref_slice %arg4[%mul3A_327] : memref<13631488xf32, #tpu.memory_space<hbm>> -> memref<16384xf32, #tpu.memory_space<hbm>>
    tpu.enqueue_dma source(%arg9 : memref<16384xf32, #tpu.memory_space<vmem>>) target(%dma_start3A_329 : memref<16384xf32, #tpu.memory_space<hbm>>) target_semaphore(%arg13 : memref<!tpu.dma_semaphore, #tpu.memory_space<semaphore_mem>>)
    %dma_wait3A_330 = tpu.memref_slice %arg4[%mul3A_327] : memref<13631488xf32, #tpu.memory_space<hbm>> -> memref<16384xf32, #tpu.memory_space<hbm>>
    %dma_wait3A_331 = tpu.memref_slice %arg4[%mul3A_327] : memref<13631488xf32, #tpu.memory_space<hbm>> -> memref<16384xf32, #tpu.memory_space<hbm>>
    tpu.wait_dma2 semaphore(%arg13 : memref<!tpu.dma_semaphore, #tpu.memory_space<semaphore_mem>>) src(%arg9 : memref<16384xf32, #tpu.memory_space<vmem>>) dst(%dma_wait3A_331 : memref<16384xf32, #tpu.memory_space<hbm>>)
    %scan3A_332 = arith.constant 0 : i32
    %scan3A_333 = arith.constant 0 : i32
    %scan3A_334 = arith.constant 512 : i32
    %scan3A_335 = arith.addi %scan3A_333, %scan3A_334 : i32
    %scan3A_336 = arith.constant 1 : i32
    scf.for %scan3A_468 = %scan3A_333 to %scan3A_335 step %scan3A_336  : i32 {
      %iota3A = tpu.iota {dimensions = array<i32: 0>} : vector<16xi32>
      %mul3A_469 = arith.constant 100000 : i32
      %mul3A_470 = vector.broadcast %mul3A_469 : i32 to vector<16xi32>
      %mul3A_471 = arith.muli %iota3A, %mul3A_470 : vector<16xi32>
      %add3A_472 = arith.constant 1600000 : i32
      %add3A_473 = vector.broadcast %add3A_472 : i32 to vector<16xi32>
      %add3A_474 = arith.addi %mul3A_471, %add3A_473 : vector<16xi32>
      %add3A_475 = arith.constant 9728 : i32
      %add3A_476 = arith.addi %add3A_475, %scan3A_468 : i32
      %broadcast_in_dim3A = vector.broadcast %add3A_476 : i32 to vector<16xi32>
      %gather3A = tpu.vector_load_idx %arg5[%broadcast_in_dim3A] : memref<13312xi32, #tpu.memory_space<vmem>>[vector<16xi32>], vector<16xi32>,
      %add3A_477 = arith.addi %mul3A_2, %add3A_476 : i32
      %rem3A = arith.constant 26 : i32
      %rem3A_478 = arith.remsi %add3A_477, %rem3A : i32
      %mul3A_479 = arith.constant 3200000 : i32
      %mul3A_480 = arith.muli %rem3A_478, %mul3A_479 : i32
      %add3A_481 = vector.broadcast %mul3A_480 : i32 to vector<16xi32>
      %add3A_482 = arith.addi %gather3A, %add3A_481 : vector<16xi32>
      %add3A_483 = arith.addi %add3A_482, %mul3A_471 : vector<16xi32>
      %mul3A_484 = arith.constant 32 : i32
      %mul3A_485 = arith.muli %scan3A_468, %mul3A_484 : i32
      %swap3A = arith.index_cast %mul3A_485 : i32 to index
      %swap3A_486 = tpu.vector_load %arg7[%swap3A] {strides = array<i32>} : memref<16384xi32, #tpu.memory_space<vmem>>, vector<16xi32>,
      tpu.vector_store %arg7[%swap3A], %add3A_483 {strides = array<i32>} : memref<16384xi32, #tpu.memory_space<vmem>>, vector<16xi32>,
      %add3A_487 = arith.addi %add3A_482, %add3A_474 : vector<16xi32>
      %mul3A_488 = arith.constant 32 : i32
      %mul3A_489 = arith.muli %scan3A_468, %mul3A_488 : i32
      %add3A_490 = arith.constant 16 : i32
      %add3A_491 = arith.addi %mul3A_489, %add3A_490 : i32
      %swap3A_492 = arith.index_cast %add3A_491 : i32 to index
      %swap3A_493 = tpu.vector_load %arg7[%swap3A_492] {strides = array<i32>} : memref<16384xi32, #tpu.memory_space<vmem>>, vector<16xi32>,
      tpu.vector_store %arg7[%swap3A_492], %add3A_487 {strides = array<i32>} : memref<16384xi32, #tpu.memory_space<vmem>>, vector<16xi32>,
    }
    %scan3A_337 = arith.constant 512 : i32
    %dma_start3A_338 = arith.constant 0 : i32
    %dma_start3A_339 = tpu.memref_slice %arg2[%dma_start3A_338] : memref<83200000xf32, #tpu.memory_space<hbm>> -> memref<83200000xf32, #tpu.memory_space<hbm>>
    tpu.enqueue_indirect_dma source(%dma_start3A_339 : memref<83200000xf32, #tpu.memory_space<hbm>>) target(%arg9 : memref<16384xf32, #tpu.memory_space<vmem>>) offsets(%arg7 : memref<16384xi32, #tpu.memory_space<vmem>>) semaphore(%arg11 : memref<!tpu.dma_semaphore, #tpu.memory_space<semaphore_mem>>)
    %dma_wait3A_340 = arith.constant 0 : i32
    %dma_wait3A_341 = tpu.memref_slice %arg2[%dma_wait3A_340] : memref<83200000xf32, #tpu.memory_space<hbm>> -> memref<83200000xf32, #tpu.memory_space<hbm>>
    tpu.wait_indirect_dma semaphore(%arg10 : memref<!tpu.dma_semaphore, #tpu.memory_space<semaphore_mem>>) src(%dma_wait3A_341 : memref<83200000xf32, #tpu.memory_space<hbm>>) dst(%arg8 : memref<16384xf32, #tpu.memory_space<vmem>>)
    %add3A_342 = arith.constant 9216 : i32
    %add3A_343 = arith.addi %mul3A_2, %add3A_342 : i32
    %mul3A_344 = arith.constant 32 : i32
    %mul3A_345 = arith.muli %add3A_343, %mul3A_344 : i32
    %dma_start3A_346 = tpu.memref_slice %arg4[%mul3A_345] : memref<13631488xf32, #tpu.memory_space<hbm>> -> memref<16384xf32, #tpu.memory_space<hbm>>
    %dma_start3A_347 = tpu.memref_slice %arg4[%mul3A_345] : memref<13631488xf32, #tpu.memory_space<hbm>> -> memref<16384xf32, #tpu.memory_space<hbm>>
    tpu.enqueue_dma source(%arg8 : memref<16384xf32, #tpu.memory_space<vmem>>) target(%dma_start3A_347 : memref<16384xf32, #tpu.memory_space<hbm>>) target_semaphore(%arg12 : memref<!tpu.dma_semaphore, #tpu.memory_space<semaphore_mem>>)
    %dma_wait3A_348 = tpu.memref_slice %arg4[%mul3A_345] : memref<13631488xf32, #tpu.memory_space<hbm>> -> memref<16384xf32, #tpu.memory_space<hbm>>
    %dma_wait3A_349 = tpu.memref_slice %arg4[%mul3A_345] : memref<13631488xf32, #tpu.memory_space<hbm>> -> memref<16384xf32, #tpu.memory_space<hbm>>
    tpu.wait_dma2 semaphore(%arg12 : memref<!tpu.dma_semaphore, #tpu.memory_space<semaphore_mem>>) src(%arg8 : memref<16384xf32, #tpu.memory_space<vmem>>) dst(%dma_wait3A_349 : memref<16384xf32, #tpu.memory_space<hbm>>)
    %scan3A_350 = arith.constant 0 : i32
    %scan3A_351 = arith.constant 0 : i32
    %scan3A_352 = arith.constant 512 : i32
    %scan3A_353 = arith.addi %scan3A_351, %scan3A_352 : i32
    %scan3A_354 = arith.constant 1 : i32
    scf.for %scan3A_468 = %scan3A_351 to %scan3A_353 step %scan3A_354  : i32 {
      %iota3A = tpu.iota {dimensions = array<i32: 0>} : vector<16xi32>
      %mul3A_469 = arith.constant 100000 : i32
      %mul3A_470 = vector.broadcast %mul3A_469 : i32 to vector<16xi32>
      %mul3A_471 = arith.muli %iota3A, %mul3A_470 : vector<16xi32>
      %add3A_472 = arith.constant 1600000 : i32
      %add3A_473 = vector.broadcast %add3A_472 : i32 to vector<16xi32>
      %add3A_474 = arith.addi %mul3A_471, %add3A_473 : vector<16xi32>
      %add3A_475 = arith.constant 10240 : i32
      %add3A_476 = arith.addi %add3A_475, %scan3A_468 : i32
      %broadcast_in_dim3A = vector.broadcast %add3A_476 : i32 to vector<16xi32>
      %gather3A = tpu.vector_load_idx %arg5[%broadcast_in_dim3A] : memref<13312xi32, #tpu.memory_space<vmem>>[vector<16xi32>], vector<16xi32>,
      %add3A_477 = arith.addi %mul3A_2, %add3A_476 : i32
      %rem3A = arith.constant 26 : i32
      %rem3A_478 = arith.remsi %add3A_477, %rem3A : i32
      %mul3A_479 = arith.constant 3200000 : i32
      %mul3A_480 = arith.muli %rem3A_478, %mul3A_479 : i32
      %add3A_481 = vector.broadcast %mul3A_480 : i32 to vector<16xi32>
      %add3A_482 = arith.addi %gather3A, %add3A_481 : vector<16xi32>
      %add3A_483 = arith.addi %add3A_482, %mul3A_471 : vector<16xi32>
      %mul3A_484 = arith.constant 32 : i32
      %mul3A_485 = arith.muli %scan3A_468, %mul3A_484 : i32
      %swap3A = arith.index_cast %mul3A_485 : i32 to index
      %swap3A_486 = tpu.vector_load %arg6[%swap3A] {strides = array<i32>} : memref<16384xi32, #tpu.memory_space<vmem>>, vector<16xi32>,
      tpu.vector_store %arg6[%swap3A], %add3A_483 {strides = array<i32>} : memref<16384xi32, #tpu.memory_space<vmem>>, vector<16xi32>,
      %add3A_487 = arith.addi %add3A_482, %add3A_474 : vector<16xi32>
      %mul3A_488 = arith.constant 32 : i32
      %mul3A_489 = arith.muli %scan3A_468, %mul3A_488 : i32
      %add3A_490 = arith.constant 16 : i32
      %add3A_491 = arith.addi %mul3A_489, %add3A_490 : i32
      %swap3A_492 = arith.index_cast %add3A_491 : i32 to index
      %swap3A_493 = tpu.vector_load %arg6[%swap3A_492] {strides = array<i32>} : memref<16384xi32, #tpu.memory_space<vmem>>, vector<16xi32>,
      tpu.vector_store %arg6[%swap3A_492], %add3A_487 {strides = array<i32>} : memref<16384xi32, #tpu.memory_space<vmem>>, vector<16xi32>,
    }
    %scan3A_355 = arith.constant 512 : i32
    %dma_start3A_356 = arith.constant 0 : i32
    %dma_start3A_357 = tpu.memref_slice %arg2[%dma_start3A_356] : memref<83200000xf32, #tpu.memory_space<hbm>> -> memref<83200000xf32, #tpu.memory_space<hbm>>
    tpu.enqueue_indirect_dma source(%dma_start3A_357 : memref<83200000xf32, #tpu.memory_space<hbm>>) target(%arg8 : memref<16384xf32, #tpu.memory_space<vmem>>) offsets(%arg6 : memref<16384xi32, #tpu.memory_space<vmem>>) semaphore(%arg10 : memref<!tpu.dma_semaphore, #tpu.memory_space<semaphore_mem>>)
    %dma_wait3A_358 = arith.constant 0 : i32
    %dma_wait3A_359 = tpu.memref_slice %arg2[%dma_wait3A_358] : memref<83200000xf32, #tpu.memory_space<hbm>> -> memref<83200000xf32, #tpu.memory_space<hbm>>
    tpu.wait_indirect_dma semaphore(%arg11 : memref<!tpu.dma_semaphore, #tpu.memory_space<semaphore_mem>>) src(%dma_wait3A_359 : memref<83200000xf32, #tpu.memory_space<hbm>>) dst(%arg9 : memref<16384xf32, #tpu.memory_space<vmem>>)
    %add3A_360 = arith.constant 9728 : i32
    %add3A_361 = arith.addi %mul3A_2, %add3A_360 : i32
    %mul3A_362 = arith.constant 32 : i32
    %mul3A_363 = arith.muli %add3A_361, %mul3A_362 : i32
    %dma_start3A_364 = tpu.memref_slice %arg4[%mul3A_363] : memref<13631488xf32, #tpu.memory_space<hbm>> -> memref<16384xf32, #tpu.memory_space<hbm>>
    %dma_start3A_365 = tpu.memref_slice %arg4[%mul3A_363] : memref<13631488xf32, #tpu.memory_space<hbm>> -> memref<16384xf32, #tpu.memory_space<hbm>>
    tpu.enqueue_dma source(%arg9 : memref<16384xf32, #tpu.memory_space<vmem>>) target(%dma_start3A_365 : memref<16384xf32, #tpu.memory_space<hbm>>) target_semaphore(%arg13 : memref<!tpu.dma_semaphore, #tpu.memory_space<semaphore_mem>>)
    %dma_wait3A_366 = tpu.memref_slice %arg4[%mul3A_363] : memref<13631488xf32, #tpu.memory_space<hbm>> -> memref<16384xf32, #tpu.memory_space<hbm>>
    %dma_wait3A_367 = tpu.memref_slice %arg4[%mul3A_363] : memref<13631488xf32, #tpu.memory_space<hbm>> -> memref<16384xf32, #tpu.memory_space<hbm>>
    tpu.wait_dma2 semaphore(%arg13 : memref<!tpu.dma_semaphore, #tpu.memory_space<semaphore_mem>>) src(%arg9 : memref<16384xf32, #tpu.memory_space<vmem>>) dst(%dma_wait3A_367 : memref<16384xf32, #tpu.memory_space<hbm>>)
    %scan3A_368 = arith.constant 0 : i32
    %scan3A_369 = arith.constant 0 : i32
    %scan3A_370 = arith.constant 512 : i32
    %scan3A_371 = arith.addi %scan3A_369, %scan3A_370 : i32
    %scan3A_372 = arith.constant 1 : i32
    scf.for %scan3A_468 = %scan3A_369 to %scan3A_371 step %scan3A_372  : i32 {
      %iota3A = tpu.iota {dimensions = array<i32: 0>} : vector<16xi32>
      %mul3A_469 = arith.constant 100000 : i32
      %mul3A_470 = vector.broadcast %mul3A_469 : i32 to vector<16xi32>
      %mul3A_471 = arith.muli %iota3A, %mul3A_470 : vector<16xi32>
      %add3A_472 = arith.constant 1600000 : i32
      %add3A_473 = vector.broadcast %add3A_472 : i32 to vector<16xi32>
      %add3A_474 = arith.addi %mul3A_471, %add3A_473 : vector<16xi32>
      %add3A_475 = arith.constant 10752 : i32
      %add3A_476 = arith.addi %add3A_475, %scan3A_468 : i32
      %broadcast_in_dim3A = vector.broadcast %add3A_476 : i32 to vector<16xi32>
      %gather3A = tpu.vector_load_idx %arg5[%broadcast_in_dim3A] : memref<13312xi32, #tpu.memory_space<vmem>>[vector<16xi32>], vector<16xi32>,
      %add3A_477 = arith.addi %mul3A_2, %add3A_476 : i32
      %rem3A = arith.constant 26 : i32
      %rem3A_478 = arith.remsi %add3A_477, %rem3A : i32
      %mul3A_479 = arith.constant 3200000 : i32
      %mul3A_480 = arith.muli %rem3A_478, %mul3A_479 : i32
      %add3A_481 = vector.broadcast %mul3A_480 : i32 to vector<16xi32>
      %add3A_482 = arith.addi %gather3A, %add3A_481 : vector<16xi32>
      %add3A_483 = arith.addi %add3A_482, %mul3A_471 : vector<16xi32>
      %mul3A_484 = arith.constant 32 : i32
      %mul3A_485 = arith.muli %scan3A_468, %mul3A_484 : i32
      %swap3A = arith.index_cast %mul3A_485 : i32 to index
      %swap3A_486 = tpu.vector_load %arg7[%swap3A] {strides = array<i32>} : memref<16384xi32, #tpu.memory_space<vmem>>, vector<16xi32>,
      tpu.vector_store %arg7[%swap3A], %add3A_483 {strides = array<i32>} : memref<16384xi32, #tpu.memory_space<vmem>>, vector<16xi32>,
      %add3A_487 = arith.addi %add3A_482, %add3A_474 : vector<16xi32>
      %mul3A_488 = arith.constant 32 : i32
      %mul3A_489 = arith.muli %scan3A_468, %mul3A_488 : i32
      %add3A_490 = arith.constant 16 : i32
      %add3A_491 = arith.addi %mul3A_489, %add3A_490 : i32
      %swap3A_492 = arith.index_cast %add3A_491 : i32 to index
      %swap3A_493 = tpu.vector_load %arg7[%swap3A_492] {strides = array<i32>} : memref<16384xi32, #tpu.memory_space<vmem>>, vector<16xi32>,
      tpu.vector_store %arg7[%swap3A_492], %add3A_487 {strides = array<i32>} : memref<16384xi32, #tpu.memory_space<vmem>>, vector<16xi32>,
    }
    %scan3A_373 = arith.constant 512 : i32
    %dma_start3A_374 = arith.constant 0 : i32
    %dma_start3A_375 = tpu.memref_slice %arg2[%dma_start3A_374] : memref<83200000xf32, #tpu.memory_space<hbm>> -> memref<83200000xf32, #tpu.memory_space<hbm>>
    tpu.enqueue_indirect_dma source(%dma_start3A_375 : memref<83200000xf32, #tpu.memory_space<hbm>>) target(%arg9 : memref<16384xf32, #tpu.memory_space<vmem>>) offsets(%arg7 : memref<16384xi32, #tpu.memory_space<vmem>>) semaphore(%arg11 : memref<!tpu.dma_semaphore, #tpu.memory_space<semaphore_mem>>)
    %dma_wait3A_376 = arith.constant 0 : i32
    %dma_wait3A_377 = tpu.memref_slice %arg2[%dma_wait3A_376] : memref<83200000xf32, #tpu.memory_space<hbm>> -> memref<83200000xf32, #tpu.memory_space<hbm>>
    tpu.wait_indirect_dma semaphore(%arg10 : memref<!tpu.dma_semaphore, #tpu.memory_space<semaphore_mem>>) src(%dma_wait3A_377 : memref<83200000xf32, #tpu.memory_space<hbm>>) dst(%arg8 : memref<16384xf32, #tpu.memory_space<vmem>>)
    %add3A_378 = arith.constant 10240 : i32
    %add3A_379 = arith.addi %mul3A_2, %add3A_378 : i32
    %mul3A_380 = arith.constant 32 : i32
    %mul3A_381 = arith.muli %add3A_379, %mul3A_380 : i32
    %dma_start3A_382 = tpu.memref_slice %arg4[%mul3A_381] : memref<13631488xf32, #tpu.memory_space<hbm>> -> memref<16384xf32, #tpu.memory_space<hbm>>
    %dma_start3A_383 = tpu.memref_slice %arg4[%mul3A_381] : memref<13631488xf32, #tpu.memory_space<hbm>> -> memref<16384xf32, #tpu.memory_space<hbm>>
    tpu.enqueue_dma source(%arg8 : memref<16384xf32, #tpu.memory_space<vmem>>) target(%dma_start3A_383 : memref<16384xf32, #tpu.memory_space<hbm>>) target_semaphore(%arg12 : memref<!tpu.dma_semaphore, #tpu.memory_space<semaphore_mem>>)
    %dma_wait3A_384 = tpu.memref_slice %arg4[%mul3A_381] : memref<13631488xf32, #tpu.memory_space<hbm>> -> memref<16384xf32, #tpu.memory_space<hbm>>
    %dma_wait3A_385 = tpu.memref_slice %arg4[%mul3A_381] : memref<13631488xf32, #tpu.memory_space<hbm>> -> memref<16384xf32, #tpu.memory_space<hbm>>
    tpu.wait_dma2 semaphore(%arg12 : memref<!tpu.dma_semaphore, #tpu.memory_space<semaphore_mem>>) src(%arg8 : memref<16384xf32, #tpu.memory_space<vmem>>) dst(%dma_wait3A_385 : memref<16384xf32, #tpu.memory_space<hbm>>)
    %scan3A_386 = arith.constant 0 : i32
    %scan3A_387 = arith.constant 0 : i32
    %scan3A_388 = arith.constant 512 : i32
    %scan3A_389 = arith.addi %scan3A_387, %scan3A_388 : i32
    %scan3A_390 = arith.constant 1 : i32
    scf.for %scan3A_468 = %scan3A_387 to %scan3A_389 step %scan3A_390  : i32 {
      %iota3A = tpu.iota {dimensions = array<i32: 0>} : vector<16xi32>
      %mul3A_469 = arith.constant 100000 : i32
      %mul3A_470 = vector.broadcast %mul3A_469 : i32 to vector<16xi32>
      %mul3A_471 = arith.muli %iota3A, %mul3A_470 : vector<16xi32>
      %add3A_472 = arith.constant 1600000 : i32
      %add3A_473 = vector.broadcast %add3A_472 : i32 to vector<16xi32>
      %add3A_474 = arith.addi %mul3A_471, %add3A_473 : vector<16xi32>
      %add3A_475 = arith.constant 11264 : i32
      %add3A_476 = arith.addi %add3A_475, %scan3A_468 : i32
      %broadcast_in_dim3A = vector.broadcast %add3A_476 : i32 to vector<16xi32>
      %gather3A = tpu.vector_load_idx %arg5[%broadcast_in_dim3A] : memref<13312xi32, #tpu.memory_space<vmem>>[vector<16xi32>], vector<16xi32>,
      %add3A_477 = arith.addi %mul3A_2, %add3A_476 : i32
      %rem3A = arith.constant 26 : i32
      %rem3A_478 = arith.remsi %add3A_477, %rem3A : i32
      %mul3A_479 = arith.constant 3200000 : i32
      %mul3A_480 = arith.muli %rem3A_478, %mul3A_479 : i32
      %add3A_481 = vector.broadcast %mul3A_480 : i32 to vector<16xi32>
      %add3A_482 = arith.addi %gather3A, %add3A_481 : vector<16xi32>
      %add3A_483 = arith.addi %add3A_482, %mul3A_471 : vector<16xi32>
      %mul3A_484 = arith.constant 32 : i32
      %mul3A_485 = arith.muli %scan3A_468, %mul3A_484 : i32
      %swap3A = arith.index_cast %mul3A_485 : i32 to index
      %swap3A_486 = tpu.vector_load %arg6[%swap3A] {strides = array<i32>} : memref<16384xi32, #tpu.memory_space<vmem>>, vector<16xi32>,
      tpu.vector_store %arg6[%swap3A], %add3A_483 {strides = array<i32>} : memref<16384xi32, #tpu.memory_space<vmem>>, vector<16xi32>,
      %add3A_487 = arith.addi %add3A_482, %add3A_474 : vector<16xi32>
      %mul3A_488 = arith.constant 32 : i32
      %mul3A_489 = arith.muli %scan3A_468, %mul3A_488 : i32
      %add3A_490 = arith.constant 16 : i32
      %add3A_491 = arith.addi %mul3A_489, %add3A_490 : i32
      %swap3A_492 = arith.index_cast %add3A_491 : i32 to index
      %swap3A_493 = tpu.vector_load %arg6[%swap3A_492] {strides = array<i32>} : memref<16384xi32, #tpu.memory_space<vmem>>, vector<16xi32>,
      tpu.vector_store %arg6[%swap3A_492], %add3A_487 {strides = array<i32>} : memref<16384xi32, #tpu.memory_space<vmem>>, vector<16xi32>,
    }
    %scan3A_391 = arith.constant 512 : i32
    %dma_start3A_392 = arith.constant 0 : i32
    %dma_start3A_393 = tpu.memref_slice %arg2[%dma_start3A_392] : memref<83200000xf32, #tpu.memory_space<hbm>> -> memref<83200000xf32, #tpu.memory_space<hbm>>
    tpu.enqueue_indirect_dma source(%dma_start3A_393 : memref<83200000xf32, #tpu.memory_space<hbm>>) target(%arg8 : memref<16384xf32, #tpu.memory_space<vmem>>) offsets(%arg6 : memref<16384xi32, #tpu.memory_space<vmem>>) semaphore(%arg10 : memref<!tpu.dma_semaphore, #tpu.memory_space<semaphore_mem>>)
    %dma_wait3A_394 = arith.constant 0 : i32
    %dma_wait3A_395 = tpu.memref_slice %arg2[%dma_wait3A_394] : memref<83200000xf32, #tpu.memory_space<hbm>> -> memref<83200000xf32, #tpu.memory_space<hbm>>
    tpu.wait_indirect_dma semaphore(%arg11 : memref<!tpu.dma_semaphore, #tpu.memory_space<semaphore_mem>>) src(%dma_wait3A_395 : memref<83200000xf32, #tpu.memory_space<hbm>>) dst(%arg9 : memref<16384xf32, #tpu.memory_space<vmem>>)
    %add3A_396 = arith.constant 10752 : i32
    %add3A_397 = arith.addi %mul3A_2, %add3A_396 : i32
    %mul3A_398 = arith.constant 32 : i32
    %mul3A_399 = arith.muli %add3A_397, %mul3A_398 : i32
    %dma_start3A_400 = tpu.memref_slice %arg4[%mul3A_399] : memref<13631488xf32, #tpu.memory_space<hbm>> -> memref<16384xf32, #tpu.memory_space<hbm>>
    %dma_start3A_401 = tpu.memref_slice %arg4[%mul3A_399] : memref<13631488xf32, #tpu.memory_space<hbm>> -> memref<16384xf32, #tpu.memory_space<hbm>>
    tpu.enqueue_dma source(%arg9 : memref<16384xf32, #tpu.memory_space<vmem>>) target(%dma_start3A_401 : memref<16384xf32, #tpu.memory_space<hbm>>) target_semaphore(%arg13 : memref<!tpu.dma_semaphore, #tpu.memory_space<semaphore_mem>>)
    %dma_wait3A_402 = tpu.memref_slice %arg4[%mul3A_399] : memref<13631488xf32, #tpu.memory_space<hbm>> -> memref<16384xf32, #tpu.memory_space<hbm>>
    %dma_wait3A_403 = tpu.memref_slice %arg4[%mul3A_399] : memref<13631488xf32, #tpu.memory_space<hbm>> -> memref<16384xf32, #tpu.memory_space<hbm>>
    tpu.wait_dma2 semaphore(%arg13 : memref<!tpu.dma_semaphore, #tpu.memory_space<semaphore_mem>>) src(%arg9 : memref<16384xf32, #tpu.memory_space<vmem>>) dst(%dma_wait3A_403 : memref<16384xf32, #tpu.memory_space<hbm>>)
    %scan3A_404 = arith.constant 0 : i32
    %scan3A_405 = arith.constant 0 : i32
    %scan3A_406 = arith.constant 512 : i32
    %scan3A_407 = arith.addi %scan3A_405, %scan3A_406 : i32
    %scan3A_408 = arith.constant 1 : i32
    scf.for %scan3A_468 = %scan3A_405 to %scan3A_407 step %scan3A_408  : i32 {
      %iota3A = tpu.iota {dimensions = array<i32: 0>} : vector<16xi32>
      %mul3A_469 = arith.constant 100000 : i32
      %mul3A_470 = vector.broadcast %mul3A_469 : i32 to vector<16xi32>
      %mul3A_471 = arith.muli %iota3A, %mul3A_470 : vector<16xi32>
      %add3A_472 = arith.constant 1600000 : i32
      %add3A_473 = vector.broadcast %add3A_472 : i32 to vector<16xi32>
      %add3A_474 = arith.addi %mul3A_471, %add3A_473 : vector<16xi32>
      %add3A_475 = arith.constant 11776 : i32
      %add3A_476 = arith.addi %add3A_475, %scan3A_468 : i32
      %broadcast_in_dim3A = vector.broadcast %add3A_476 : i32 to vector<16xi32>
      %gather3A = tpu.vector_load_idx %arg5[%broadcast_in_dim3A] : memref<13312xi32, #tpu.memory_space<vmem>>[vector<16xi32>], vector<16xi32>,
      %add3A_477 = arith.addi %mul3A_2, %add3A_476 : i32
      %rem3A = arith.constant 26 : i32
      %rem3A_478 = arith.remsi %add3A_477, %rem3A : i32
      %mul3A_479 = arith.constant 3200000 : i32
      %mul3A_480 = arith.muli %rem3A_478, %mul3A_479 : i32
      %add3A_481 = vector.broadcast %mul3A_480 : i32 to vector<16xi32>
      %add3A_482 = arith.addi %gather3A, %add3A_481 : vector<16xi32>
      %add3A_483 = arith.addi %add3A_482, %mul3A_471 : vector<16xi32>
      %mul3A_484 = arith.constant 32 : i32
      %mul3A_485 = arith.muli %scan3A_468, %mul3A_484 : i32
      %swap3A = arith.index_cast %mul3A_485 : i32 to index
      %swap3A_486 = tpu.vector_load %arg7[%swap3A] {strides = array<i32>} : memref<16384xi32, #tpu.memory_space<vmem>>, vector<16xi32>,
      tpu.vector_store %arg7[%swap3A], %add3A_483 {strides = array<i32>} : memref<16384xi32, #tpu.memory_space<vmem>>, vector<16xi32>,
      %add3A_487 = arith.addi %add3A_482, %add3A_474 : vector<16xi32>
      %mul3A_488 = arith.constant 32 : i32
      %mul3A_489 = arith.muli %scan3A_468, %mul3A_488 : i32
      %add3A_490 = arith.constant 16 : i32
      %add3A_491 = arith.addi %mul3A_489, %add3A_490 : i32
      %swap3A_492 = arith.index_cast %add3A_491 : i32 to index
      %swap3A_493 = tpu.vector_load %arg7[%swap3A_492] {strides = array<i32>} : memref<16384xi32, #tpu.memory_space<vmem>>, vector<16xi32>,
      tpu.vector_store %arg7[%swap3A_492], %add3A_487 {strides = array<i32>} : memref<16384xi32, #tpu.memory_space<vmem>>, vector<16xi32>,
    }
    %scan3A_409 = arith.constant 512 : i32
    %dma_start3A_410 = arith.constant 0 : i32
    %dma_start3A_411 = tpu.memref_slice %arg2[%dma_start3A_410] : memref<83200000xf32, #tpu.memory_space<hbm>> -> memref<83200000xf32, #tpu.memory_space<hbm>>
    tpu.enqueue_indirect_dma source(%dma_start3A_411 : memref<83200000xf32, #tpu.memory_space<hbm>>) target(%arg9 : memref<16384xf32, #tpu.memory_space<vmem>>) offsets(%arg7 : memref<16384xi32, #tpu.memory_space<vmem>>) semaphore(%arg11 : memref<!tpu.dma_semaphore, #tpu.memory_space<semaphore_mem>>)
    %dma_wait3A_412 = arith.constant 0 : i32
    %dma_wait3A_413 = tpu.memref_slice %arg2[%dma_wait3A_412] : memref<83200000xf32, #tpu.memory_space<hbm>> -> memref<83200000xf32, #tpu.memory_space<hbm>>
    tpu.wait_indirect_dma semaphore(%arg10 : memref<!tpu.dma_semaphore, #tpu.memory_space<semaphore_mem>>) src(%dma_wait3A_413 : memref<83200000xf32, #tpu.memory_space<hbm>>) dst(%arg8 : memref<16384xf32, #tpu.memory_space<vmem>>)
    %add3A_414 = arith.constant 11264 : i32
    %add3A_415 = arith.addi %mul3A_2, %add3A_414 : i32
    %mul3A_416 = arith.constant 32 : i32
    %mul3A_417 = arith.muli %add3A_415, %mul3A_416 : i32
    %dma_start3A_418 = tpu.memref_slice %arg4[%mul3A_417] : memref<13631488xf32, #tpu.memory_space<hbm>> -> memref<16384xf32, #tpu.memory_space<hbm>>
    %dma_start3A_419 = tpu.memref_slice %arg4[%mul3A_417] : memref<13631488xf32, #tpu.memory_space<hbm>> -> memref<16384xf32, #tpu.memory_space<hbm>>
    tpu.enqueue_dma source(%arg8 : memref<16384xf32, #tpu.memory_space<vmem>>) target(%dma_start3A_419 : memref<16384xf32, #tpu.memory_space<hbm>>) target_semaphore(%arg12 : memref<!tpu.dma_semaphore, #tpu.memory_space<semaphore_mem>>)
    %dma_wait3A_420 = tpu.memref_slice %arg4[%mul3A_417] : memref<13631488xf32, #tpu.memory_space<hbm>> -> memref<16384xf32, #tpu.memory_space<hbm>>
    %dma_wait3A_421 = tpu.memref_slice %arg4[%mul3A_417] : memref<13631488xf32, #tpu.memory_space<hbm>> -> memref<16384xf32, #tpu.memory_space<hbm>>
    tpu.wait_dma2 semaphore(%arg12 : memref<!tpu.dma_semaphore, #tpu.memory_space<semaphore_mem>>) src(%arg8 : memref<16384xf32, #tpu.memory_space<vmem>>) dst(%dma_wait3A_421 : memref<16384xf32, #tpu.memory_space<hbm>>)
    %scan3A_422 = arith.constant 0 : i32
    %scan3A_423 = arith.constant 0 : i32
    %scan3A_424 = arith.constant 512 : i32
    %scan3A_425 = arith.addi %scan3A_423, %scan3A_424 : i32
    %scan3A_426 = arith.constant 1 : i32
    scf.for %scan3A_468 = %scan3A_423 to %scan3A_425 step %scan3A_426  : i32 {
      %iota3A = tpu.iota {dimensions = array<i32: 0>} : vector<16xi32>
      %mul3A_469 = arith.constant 100000 : i32
      %mul3A_470 = vector.broadcast %mul3A_469 : i32 to vector<16xi32>
      %mul3A_471 = arith.muli %iota3A, %mul3A_470 : vector<16xi32>
      %add3A_472 = arith.constant 1600000 : i32
      %add3A_473 = vector.broadcast %add3A_472 : i32 to vector<16xi32>
      %add3A_474 = arith.addi %mul3A_471, %add3A_473 : vector<16xi32>
      %add3A_475 = arith.constant 12288 : i32
      %add3A_476 = arith.addi %add3A_475, %scan3A_468 : i32
      %broadcast_in_dim3A = vector.broadcast %add3A_476 : i32 to vector<16xi32>
      %gather3A = tpu.vector_load_idx %arg5[%broadcast_in_dim3A] : memref<13312xi32, #tpu.memory_space<vmem>>[vector<16xi32>], vector<16xi32>,
      %add3A_477 = arith.addi %mul3A_2, %add3A_476 : i32
      %rem3A = arith.constant 26 : i32
      %rem3A_478 = arith.remsi %add3A_477, %rem3A : i32
      %mul3A_479 = arith.constant 3200000 : i32
      %mul3A_480 = arith.muli %rem3A_478, %mul3A_479 : i32
      %add3A_481 = vector.broadcast %mul3A_480 : i32 to vector<16xi32>
      %add3A_482 = arith.addi %gather3A, %add3A_481 : vector<16xi32>
      %add3A_483 = arith.addi %add3A_482, %mul3A_471 : vector<16xi32>
      %mul3A_484 = arith.constant 32 : i32
      %mul3A_485 = arith.muli %scan3A_468, %mul3A_484 : i32
      %swap3A = arith.index_cast %mul3A_485 : i32 to index
      %swap3A_486 = tpu.vector_load %arg6[%swap3A] {strides = array<i32>} : memref<16384xi32, #tpu.memory_space<vmem>>, vector<16xi32>,
      tpu.vector_store %arg6[%swap3A], %add3A_483 {strides = array<i32>} : memref<16384xi32, #tpu.memory_space<vmem>>, vector<16xi32>,
      %add3A_487 = arith.addi %add3A_482, %add3A_474 : vector<16xi32>
      %mul3A_488 = arith.constant 32 : i32
      %mul3A_489 = arith.muli %scan3A_468, %mul3A_488 : i32
      %add3A_490 = arith.constant 16 : i32
      %add3A_491 = arith.addi %mul3A_489, %add3A_490 : i32
      %swap3A_492 = arith.index_cast %add3A_491 : i32 to index
      %swap3A_493 = tpu.vector_load %arg6[%swap3A_492] {strides = array<i32>} : memref<16384xi32, #tpu.memory_space<vmem>>, vector<16xi32>,
      tpu.vector_store %arg6[%swap3A_492], %add3A_487 {strides = array<i32>} : memref<16384xi32, #tpu.memory_space<vmem>>, vector<16xi32>,
    }
    %scan3A_427 = arith.constant 512 : i32
    %dma_start3A_428 = arith.constant 0 : i32
    %dma_start3A_429 = tpu.memref_slice %arg2[%dma_start3A_428] : memref<83200000xf32, #tpu.memory_space<hbm>> -> memref<83200000xf32, #tpu.memory_space<hbm>>
    tpu.enqueue_indirect_dma source(%dma_start3A_429 : memref<83200000xf32, #tpu.memory_space<hbm>>) target(%arg8 : memref<16384xf32, #tpu.memory_space<vmem>>) offsets(%arg6 : memref<16384xi32, #tpu.memory_space<vmem>>) semaphore(%arg10 : memref<!tpu.dma_semaphore, #tpu.memory_space<semaphore_mem>>)
    %dma_wait3A_430 = arith.constant 0 : i32
    %dma_wait3A_431 = tpu.memref_slice %arg2[%dma_wait3A_430] : memref<83200000xf32, #tpu.memory_space<hbm>> -> memref<83200000xf32, #tpu.memory_space<hbm>>
    tpu.wait_indirect_dma semaphore(%arg11 : memref<!tpu.dma_semaphore, #tpu.memory_space<semaphore_mem>>) src(%dma_wait3A_431 : memref<83200000xf32, #tpu.memory_space<hbm>>) dst(%arg9 : memref<16384xf32, #tpu.memory_space<vmem>>)
    %add3A_432 = arith.constant 11776 : i32
    %add3A_433 = arith.addi %mul3A_2, %add3A_432 : i32
    %mul3A_434 = arith.constant 32 : i32
    %mul3A_435 = arith.muli %add3A_433, %mul3A_434 : i32
    %dma_start3A_436 = tpu.memref_slice %arg4[%mul3A_435] : memref<13631488xf32, #tpu.memory_space<hbm>> -> memref<16384xf32, #tpu.memory_space<hbm>>
    %dma_start3A_437 = tpu.memref_slice %arg4[%mul3A_435] : memref<13631488xf32, #tpu.memory_space<hbm>> -> memref<16384xf32, #tpu.memory_space<hbm>>
    tpu.enqueue_dma source(%arg9 : memref<16384xf32, #tpu.memory_space<vmem>>) target(%dma_start3A_437 : memref<16384xf32, #tpu.memory_space<hbm>>) target_semaphore(%arg13 : memref<!tpu.dma_semaphore, #tpu.memory_space<semaphore_mem>>)
    %dma_wait3A_438 = tpu.memref_slice %arg4[%mul3A_435] : memref<13631488xf32, #tpu.memory_space<hbm>> -> memref<16384xf32, #tpu.memory_space<hbm>>
    %dma_wait3A_439 = tpu.memref_slice %arg4[%mul3A_435] : memref<13631488xf32, #tpu.memory_space<hbm>> -> memref<16384xf32, #tpu.memory_space<hbm>>
    tpu.wait_dma2 semaphore(%arg13 : memref<!tpu.dma_semaphore, #tpu.memory_space<semaphore_mem>>) src(%arg9 : memref<16384xf32, #tpu.memory_space<vmem>>) dst(%dma_wait3A_439 : memref<16384xf32, #tpu.memory_space<hbm>>)
    %scan3A_440 = arith.constant 0 : i32
    %scan3A_441 = arith.constant 0 : i32
    %scan3A_442 = arith.constant 512 : i32
    %scan3A_443 = arith.addi %scan3A_441, %scan3A_442 : i32
    %scan3A_444 = arith.constant 1 : i32
    scf.for %scan3A_468 = %scan3A_441 to %scan3A_443 step %scan3A_444  : i32 {
      %iota3A = tpu.iota {dimensions = array<i32: 0>} : vector<16xi32>
      %mul3A_469 = arith.constant 100000 : i32
      %mul3A_470 = vector.broadcast %mul3A_469 : i32 to vector<16xi32>
      %mul3A_471 = arith.muli %iota3A, %mul3A_470 : vector<16xi32>
      %add3A_472 = arith.constant 1600000 : i32
      %add3A_473 = vector.broadcast %add3A_472 : i32 to vector<16xi32>
      %add3A_474 = arith.addi %mul3A_471, %add3A_473 : vector<16xi32>
      %add3A_475 = arith.constant 12800 : i32
      %add3A_476 = arith.addi %add3A_475, %scan3A_468 : i32
      %broadcast_in_dim3A = vector.broadcast %add3A_476 : i32 to vector<16xi32>
      %gather3A = tpu.vector_load_idx %arg5[%broadcast_in_dim3A] : memref<13312xi32, #tpu.memory_space<vmem>>[vector<16xi32>], vector<16xi32>,
      %add3A_477 = arith.addi %mul3A_2, %add3A_476 : i32
      %rem3A = arith.constant 26 : i32
      %rem3A_478 = arith.remsi %add3A_477, %rem3A : i32
      %mul3A_479 = arith.constant 3200000 : i32
      %mul3A_480 = arith.muli %rem3A_478, %mul3A_479 : i32
      %add3A_481 = vector.broadcast %mul3A_480 : i32 to vector<16xi32>
      %add3A_482 = arith.addi %gather3A, %add3A_481 : vector<16xi32>
      %add3A_483 = arith.addi %add3A_482, %mul3A_471 : vector<16xi32>
      %mul3A_484 = arith.constant 32 : i32
      %mul3A_485 = arith.muli %scan3A_468, %mul3A_484 : i32
      %swap3A = arith.index_cast %mul3A_485 : i32 to index
      %swap3A_486 = tpu.vector_load %arg7[%swap3A] {strides = array<i32>} : memref<16384xi32, #tpu.memory_space<vmem>>, vector<16xi32>,
      tpu.vector_store %arg7[%swap3A], %add3A_483 {strides = array<i32>} : memref<16384xi32, #tpu.memory_space<vmem>>, vector<16xi32>,
      %add3A_487 = arith.addi %add3A_482, %add3A_474 : vector<16xi32>
      %mul3A_488 = arith.constant 32 : i32
      %mul3A_489 = arith.muli %scan3A_468, %mul3A_488 : i32
      %add3A_490 = arith.constant 16 : i32
      %add3A_491 = arith.addi %mul3A_489, %add3A_490 : i32
      %swap3A_492 = arith.index_cast %add3A_491 : i32 to index
      %swap3A_493 = tpu.vector_load %arg7[%swap3A_492] {strides = array<i32>} : memref<16384xi32, #tpu.memory_space<vmem>>, vector<16xi32>,
      tpu.vector_store %arg7[%swap3A_492], %add3A_487 {strides = array<i32>} : memref<16384xi32, #tpu.memory_space<vmem>>, vector<16xi32>,
    }
    %scan3A_445 = arith.constant 512 : i32
    %dma_start3A_446 = arith.constant 0 : i32
    %dma_start3A_447 = tpu.memref_slice %arg2[%dma_start3A_446] : memref<83200000xf32, #tpu.memory_space<hbm>> -> memref<83200000xf32, #tpu.memory_space<hbm>>
    tpu.enqueue_indirect_dma source(%dma_start3A_447 : memref<83200000xf32, #tpu.memory_space<hbm>>) target(%arg9 : memref<16384xf32, #tpu.memory_space<vmem>>) offsets(%arg7 : memref<16384xi32, #tpu.memory_space<vmem>>) semaphore(%arg11 : memref<!tpu.dma_semaphore, #tpu.memory_space<semaphore_mem>>)
    %dma_wait3A_448 = arith.constant 0 : i32
    %dma_wait3A_449 = tpu.memref_slice %arg2[%dma_wait3A_448] : memref<83200000xf32, #tpu.memory_space<hbm>> -> memref<83200000xf32, #tpu.memory_space<hbm>>
    tpu.wait_indirect_dma semaphore(%arg10 : memref<!tpu.dma_semaphore, #tpu.memory_space<semaphore_mem>>) src(%dma_wait3A_449 : memref<83200000xf32, #tpu.memory_space<hbm>>) dst(%arg8 : memref<16384xf32, #tpu.memory_space<vmem>>)
    %add3A_450 = arith.constant 12288 : i32
    %add3A_451 = arith.addi %mul3A_2, %add3A_450 : i32
    %mul3A_452 = arith.constant 32 : i32
    %mul3A_453 = arith.muli %add3A_451, %mul3A_452 : i32
    %dma_start3A_454 = tpu.memref_slice %arg4[%mul3A_453] : memref<13631488xf32, #tpu.memory_space<hbm>> -> memref<16384xf32, #tpu.memory_space<hbm>>
    %dma_start3A_455 = tpu.memref_slice %arg4[%mul3A_453] : memref<13631488xf32, #tpu.memory_space<hbm>> -> memref<16384xf32, #tpu.memory_space<hbm>>
    tpu.enqueue_dma source(%arg8 : memref<16384xf32, #tpu.memory_space<vmem>>) target(%dma_start3A_455 : memref<16384xf32, #tpu.memory_space<hbm>>) target_semaphore(%arg12 : memref<!tpu.dma_semaphore, #tpu.memory_space<semaphore_mem>>)
    %dma_wait3A_456 = arith.constant 0 : i32
    %dma_wait3A_457 = tpu.memref_slice %arg2[%dma_wait3A_456] : memref<83200000xf32, #tpu.memory_space<hbm>> -> memref<83200000xf32, #tpu.memory_space<hbm>>
    tpu.wait_indirect_dma semaphore(%arg11 : memref<!tpu.dma_semaphore, #tpu.memory_space<semaphore_mem>>) src(%dma_wait3A_457 : memref<83200000xf32, #tpu.memory_space<hbm>>) dst(%arg9 : memref<16384xf32, #tpu.memory_space<vmem>>)
    %add3A_458 = arith.constant 12800 : i32
    %add3A_459 = arith.addi %mul3A_2, %add3A_458 : i32
    %mul3A_460 = arith.constant 32 : i32
    %mul3A_461 = arith.muli %add3A_459, %mul3A_460 : i32
    %dma_start3A_462 = tpu.memref_slice %arg4[%mul3A_461] : memref<13631488xf32, #tpu.memory_space<hbm>> -> memref<16384xf32, #tpu.memory_space<hbm>>
    %dma_start3A_463 = tpu.memref_slice %arg4[%mul3A_461] : memref<13631488xf32, #tpu.memory_space<hbm>> -> memref<16384xf32, #tpu.memory_space<hbm>>
    tpu.enqueue_dma source(%arg9 : memref<16384xf32, #tpu.memory_space<vmem>>) target(%dma_start3A_463 : memref<16384xf32, #tpu.memory_space<hbm>>) target_semaphore(%arg13 : memref<!tpu.dma_semaphore, #tpu.memory_space<semaphore_mem>>)
    %dma_wait3A_464 = tpu.memref_slice %arg4[%mul3A_453] : memref<13631488xf32, #tpu.memory_space<hbm>> -> memref<16384xf32, #tpu.memory_space<hbm>>
    %dma_wait3A_465 = tpu.memref_slice %arg4[%mul3A_453] : memref<13631488xf32, #tpu.memory_space<hbm>> -> memref<16384xf32, #tpu.memory_space<hbm>>
    tpu.wait_dma2 semaphore(%arg12 : memref<!tpu.dma_semaphore, #tpu.memory_space<semaphore_mem>>) src(%arg8 : memref<16384xf32, #tpu.memory_space<vmem>>) dst(%dma_wait3A_465 : memref<16384xf32, #tpu.memory_space<hbm>>)
    %dma_wait3A_466 = tpu.memref_slice %arg4[%mul3A_461] : memref<13631488xf32, #tpu.memory_space<hbm>> -> memref<16384xf32, #tpu.memory_space<hbm>>
    %dma_wait3A_467 = tpu.memref_slice %arg4[%mul3A_461] : memref<13631488xf32, #tpu.memory_space<hbm>> -> memref<16384xf32, #tpu.memory_space<hbm>>
    tpu.wait_dma2 semaphore(%arg13 : memref<!tpu.dma_semaphore, #tpu.memory_space<semaphore_mem>>) src(%arg9 : memref<16384xf32, #tpu.memory_space<vmem>>) dst(%dma_wait3A_467 : memref<16384xf32, #tpu.memory_space<hbm>>)
    return
  }
}

</mosaic_0001>

<sc_bundles>
// kernel: kernel.3.cloned.1.call-start
scs
__scs_entry_jumppad:
0x0: {  	(pc) =	sbr.rel $0x88, $3  }
0x1: {  	(tag) =	ssettag $0x0;
	lr =	simm.s32 $0x1  }
0x2: {  	[smem:$0x3F9F] =	sst lr;
	_ =	strace $0xD0000000  }
0x3: {  	_ = 	snop  }
0x4: {  	_ = 	snop  }
0x5: {  	_ = 	snop  }
0x6: {  	_ = 	snop  }
0x7: {  	_ = 	snop  }
__scs_overlays_trampoline_lowered:
0x8: {  	[smem:$0x3FAE] =	sst s0  }
0x9: {  	[smem:$0x3FAF] =	sst s1  }
0xa: {  	[smem:$0x3FB0] =	sst s2  }
0xb: {  	[smem:$0x3FB1] =	sst s3  }
0xc: {  	[smem:$0x3FB2] =	sst s4  }
0xd: {  	[smem:$0x3FB3] =	sst s5  }
0xe: {  	[smem:$0x3FB4] =	sst s6  }
0xf: {  	[smem:$0x3FB5] =	sst s7  }
0x10: {  	[smem:$0x3FB6] =	sst s8  }
0x11: {  	[smem:$0x3FB7] =	sst s9;
	s0 =	simm.s32 @!p0 $0x0  }
0x12: {  	s1 =	sld [smem:$0x3F9D];
	s0 =	simm.s32 @p0 $0x1  }
0x13: {  	[smem:$0x3FB8] =	sst s0;
	s0 =	simm.s32 @!p1 $0x0  }
0x14: {  	s2 =	sld [smem:$0x3F9C];
	s0 =	simm.s32 @p1 $0x1  }
0x15: {  	[smem:$0x3FB9] =	sst s0;
	s0 =	simm.s32 @!p2 $0x0  }
0x16: {  	s3 =	sld [smem:$0x3FDB];
	s0 =	simm.s32 @p2 $0x1  }
0x17: {  	s4 =	simm.s32 $0x1BF5;
	[smem:$0x3FBB] =	sst s0  }
0x18: {  	s0 =	sld [smem:$0x3F9E];
	_ =	swait.ge [sflag:s4], $0x0  }
0x19: {  	s7 =	sld [smem:$0x3F9F]  }
0x1a: {  	s8 =	sadd.s32 $0xFFFFE003, lr  }
0x1b: {  	s9 =	sadd.s32 $0xFFFFFEF7, lr;
	s5 =	simm.s32 $0xFFFFFFFF;
	p2 =	slt.u32 s8, $0xFFFFF086  }
0x1c: {  	p1 =	slt.u32 s9, $0xF7A;
	s5 =	simm.s32 @!p2 $0x0  }
0x1d: {  	s5 =	simm.s32 @p1 $0x1;
	p0 =	seq.s32 s7, s2  }
0x1e: {  	s7 =	smul.u32 @!p0 $0xF7A, s2;
	p2 =	seq.s32 @!p0 s5, $0x0  }
0x1f: {  	s9 =	smul.u32 $0xF7A, s1;
	s8 =	simm.s32 @!p0 $0x1BF5;
	p2 =	por !p2, p0  }
0x20: {  	[sflag:s8] =	ssyncset.s32 @!p0 $0xFFFFF086;
	s6 =	sadd.s32 @!p0 s3, s7;
	s7 =	simm.s32 @!p0 $0x108  }
0x21: {  	s3 =	sadd.s32 s3, s9;
	s6 =	sadd.s32 @!p0 $0x88, s6;
	s7 =	simm.s32 @p2 $0x1082  }
0x22: {  	[simem:s7], [sflag:s8] =	dma.local @!p0 [hbm:s6], $0xF7A  }
0x23: {  	s9 =	sor.u32 $0xD0000000, s2;
	s6 =	simm.s32 $0x108;
	_ =	swait.ge @!p0 [sflag:s8], $0x0  }
0x24: {  	s3 =	sadd.s32 $0x88, s3;
	s6 =	simm.s32 @!p1 $0x1082;
	[sflag:s4] =	ssyncset.s32 $0xFFFFF086  }
0x25: {  	[simem:s6], [sflag:s4] =	dma.local [hbm:s3], $0xF7A  }
0x26: {  	[smem:$0x3F9F] =	sst s1;
	(tag) =	ssettag s2;
	_ =	strace s9  }
0x27: {  	s1 =	sld [smem:$0x3FAF]  }
0x28: {  	s2 =	sld [smem:$0x3FB0]  }
0x29: {  	s4 =	sld [smem:$0x3FB2]  }
0x2a: {  	p0 =	seq.s32 s5, $0x0;
	s5 =	sld [smem:$0x3FB3]  }
0x2b: {  	s6 =	sld [smem:$0x3FB4]  }
0x2c: {  	s7 =	sld [smem:$0x3FB5]  }
0x2d: {  	s3 =	simm.s32 $0x108;
	s8 =	sld [smem:$0x3FB6]  }
0x2e: {  	s3 =	simm.s32 @!p0 $0x1082;
	s9 =	sld [smem:$0x3FB7]  }
0x2f: {  	lr =	sadd.s32 s0, s3;
	s0 =	sld [smem:$0x3FAE]  }
0x30: {  	s3 =	sld [smem:$0x3FB1]  }
0x31: {  	[smem:$0x3FBA] =	sst s10  }
0x32: {  	s10 =	sld [smem:$0x3FB8];
	_ =	sdelay $0x3  }
0x33: {  	p0 =	seq.s32 s10, $0x1;
	s10 =	sld [smem:$0x3FBA];
	_ =	sdelay $0x3  }
0x34: {  	[smem:$0x3FBA] =	sst s10  }
0x35: {  	s10 =	sld [smem:$0x3FB9];
	_ =	sdelay $0x3  }
0x36: {  	p1 =	seq.s32 s10, $0x1;
	s10 =	sld [smem:$0x3FBA];
	_ =	sdelay $0x3  }
0x37: {  	[smem:$0x3FBA] =	sst s10  }
0x38: {  	s10 =	sld [smem:$0x3FBB]  }
0x39: {  	_ = 	snop;
	(pc) =	sbr.ind lr, $3  }
0x3a: {  	_ = 	snop  }
0x3b: {  	_ = 	snop  }
0x3c: {  	p2 =	seq.s32 s10, $0x1;
	s10 =	sld [smem:$0x3FBA]  }
0x3d: {  	_ =	shalt  }
0x3e: {  	_ =	shalt  }
0x3f: {  	_ =	shalt  }
0x40: {  	_ =	shalt  }
0x41: {  	_ =	shalt  }
0x42: {  	_ =	shalt  }
0x43: {  	_ =	shalt  }
0x44: {  	_ =	shalt  }
0x45: {  	_ =	shalt  }
0x46: {  	_ =	shalt  }
0x47: {  	_ =	shalt  }
0x48: {  	_ =	shalt  }
0x49: {  	_ =	shalt  }
0x4a: {  	_ =	shalt  }
0x4b: {  	_ =	shalt  }
0x4c: {  	_ =	shalt  }
0x4d: {  	_ =	shalt  }
0x4e: {  	_ =	shalt  }
0x4f: {  	_ =	shalt  }
0x50: {  	_ =	shalt  }
0x51: {  	_ =	shalt  }
0x52: {  	_ =	shalt  }
0x53: {  	_ =	shalt  }
0x54: {  	_ =	shalt  }
0x55: {  	_ =	shalt  }
0x56: {  	_ =	shalt  }
0x57: {  	_ =	shalt  }
0x58: {  	_ =	shalt  }
0x59: {  	_ =	shalt  }
0x5a: {  	_ =	shalt  }
0x5b: {  	_ =	shalt  }
0x5c: {  	_ =	shalt  }
0x5d: {  	_ =	shalt  }
0x5e: {  	_ =	shalt  }
0x5f: {  	_ =	shalt  }
0x60: {  	_ =	shalt  }
0x61: {  	_ =	shalt  }
0x62: {  	_ =	shalt  }
0x63: {  	_ =	shalt  }
0x64: {  	_ =	shalt  }
0x65: {  	_ =	shalt  }
0x66: {  	_ =	shalt  }
0x67: {  	_ =	shalt  }
0x68: {  	_ =	shalt  }
0x69: {  	_ =	shalt  }
0x6a: {  	_ =	shalt  }
0x6b: {  	_ =	shalt  }
0x6c: {  	_ =	shalt  }
0x6d: {  	_ =	shalt  }
0x6e: {  	_ =	shalt  }
0x6f: {  	_ =	shalt  }
0x70: {  	_ =	shalt  }
0x71: {  	_ =	shalt  }
0x72: {  	_ =	shalt  }
0x73: {  	_ =	shalt  }
0x74: {  	_ =	shalt  }
0x75: {  	_ =	shalt  }
0x76: {  	_ =	shalt  }
0x77: {  	_ =	shalt  }
0x78: {  	_ =	shalt  }
0x79: {  	_ =	shalt  }
0x7a: {  	_ =	shalt  }
0x7b: {  	_ =	shalt  }
0x7c: {  	_ =	shalt  }
0x7d: {  	_ =	shalt  }
0x7e: {  	_ =	shalt  }
0x7f: {  	_ =	shalt  }
0x80: {  	_ =	shalt  }
0x81: {  	_ =	shalt  }
0x82: {  	_ =	shalt  }
0x83: {  	_ =	shalt  }
0x84: {  	_ =	shalt  }
0x85: {  	_ =	shalt  }
0x86: {  	_ =	shalt  }
0x87: {  	_ =	shalt  }
.Lfunc_end0:
.L_simem_size_0:
called_computation.1_lowered:
.L_overlay_start_0:
0x88: {  	s2 =	sld [smem:$0x3FD9]  }
0x89: {  	s3 =	sld [smem:$0x3FFE];
	_ =	sdelay $0x1  }
0x8a: {  	s1 =	srdreg.scid  }
0x8b: {  	s0 =	sand.u32 $0x1, s1  }
0x8c: {  	s17 =	sshll.u32 s0, $0xA;
	s2 =	sadd.s32 s3, s2  }
0x8d: {  	s2 =	sadd.s32 s2, s17  }
0x8e: {  	[smem:$0x3FC6] =	sst s2  }
0x8f: {  	_ = 	snop  }
0x90: {  	s2 =	sld [smem:$0x3FD0];
	(tm) =	ssettm $0x1  }
0x91: {  	s18 =	sld [smem:$0x3FFB];
	_ =	sdelay $0x3  }
0x92: {  	_ =	strace s18  }
0x93: {  	s3 =	sld [smem:$0x3FFC];
	_ =	sdelay $0x3  }
0x94: {  	_ =	strace s3  }
0x95: {  	s3 =	sld [smem:$0x3FFD];
	_ =	sdelay $0x3  }
0x96: {  	_ =	strace s3  }
0x97: {  	_ =	strace $0x8FFFFFFF  }
0x98: {  	s19 =	sld [smem:$0x3FDB];
	_ =	sdelay $0x1  }
0x99: {  	s4 =	simm.s32 $_scs_section_size  }
0x9a: {  	s5 =	simm.s32 $_size__tile_overlayer_lowered;
	s6 =	simm.s32 $_tile_overlayer_lowered  }
0x9b: {  	s22 =	simm.s32 $0x1BFF;
	s21 =	sshll.u32 s6, $0x1;
	s3 =	sadd.s32 s4, s19  }
0x9c: {  	s7 =	simm.s32 $0x0;
	s20 =	sshll.u32 s5, $0x1;
	s5 =	sadd.s32 s21, s3  }
0x9d: {  	[timem:s7], [sflag:s22] =	dma.local [hbm:s5], s20  }
0x9e: {  	_ =	swait.ge [sflag:s22], s20  }
0x9f: {  	s4 =	ssub.s32 $0x0, s20;
	[sflag:s22] =	ssyncset.done $0x0  }
0xa0: {  	[sflag:s22] =	ssyncadd.s32 s4;
	_ =	sdelay $0x1  }
0xa1: {  	s23 =	simm.s32 $0x1B8B  }
0xa2: {  	_ =	swait.ge [sflag:s23], $0x1  }
0xa3: {  	[sflag:s23] =	ssyncset.done $0x0  }
0xa4: {  	s25 =	simm.s32 $0x1B8E;
	s24 =	sld [smem:$0x3FFE];
	[sflag:s23] =	ssyncadd.s32 $0xFFFFFFFF  }
0xa5: {  	s26 =	simm.s32 $execute0_lowered;
	[smem:$0x3FD2] =	sst s25  }
0xa6: {  	s5 =	sshll.u32 s26, $0x1;
	_ =	strace $0x80000046;
	[dreg:$0x1] =	wrdreg $0xFFFFFFFF  }
0xa7: {  	s28 =	simm.s32 $_size_execute0_lowered;
	s3 =	sadd.s32 s3, s5;
	[dreg:$0x0] =	wrdreg $0x0  }
0xa8: {  	s5 =	sshll.u32 s28, $0x1;
	[dreg:$0x2] =	wrdreg s3  }
0xa9: {  	[dreg:$0x3] =	wrdreg s5  }
0xaa: {  	[dreg:$0x4] =	wrdreg $0xC0  }
0xab: {  	_ =	task [dreg:s7], $0x5FFFF  }
0xac: {  	[dreg:$0x1] =	wrdreg $0xFFFFFFFF  }
0xad: {  	[dreg:$0x0] =	wrdreg $0x60  }
0xae: {  	[dreg:$0x2] =	wrdreg s24  }
0xaf: {  	[dreg:$0x3] =	wrdreg s2  }
0xb0: {  	[dreg:$0x4] =	wrdreg $0x9  }
0xb1: {  	_ =	task.clear_ibuf [dreg:s7], $0x5FFFF;
	_ =	strace $0x90000046  }
0xb2: {  	s29 =	simm.s32 $0x9;
	_ =	strace $0x80000048  }
0xb3: {  	_ =	swait.ge [sflag:s29], $0x1  }
0xb4: {  	[sflag:s29] =	ssyncadd.s32 $0xFFFFFFFF  }
0xb5: {  	_ =	strace $0x90000048  }
0xb6: {  	_ =	sfence  }
0xb7: {  	s30 =	sld [smem:$0x0];
	_ =	sdelay $0x2  }
0xb8: {  	s31 =	sshll.u32 s1, $0xD;
	s1 =	sshrl.u32 s1, $0x2  }
0xb9: {  	s3 =	sand.u32 $0x4000, s31;
	s1 =	sadd.s32 s1, s30  }
0xba: {  	s0 =	sor.u32 s3, s0;
	s1 =	sshll.u32 s1, $0x11  }
0xbb: {  	s0 =	sor.u32 s1, s0  }
0xbc: {  	s0 =	sadd.s32 $0x8F2B, s0  }
0xbd: {  	[sflag:s0] =	ssyncadd.remote.s32 $0x1  }
0xbe: {  	_ =	sfence.sel $0xFFFF  }
0xbf: {  	[dreg:$0x0] =	wrdreg $0xFFFFFFFF;
	(pc) =	sbr.abs _section_cstart, $3  }
0xc0: {  	[dreg:$0x1] =	wrdreg $0xFFFFFFFF  }
0xc1: {  	_ =	task.clear_ibuf [dreg:s7], $0x2FFFF;
	_ =	strace $0x9FFFFFFF  }
0xc2: {  	(tm) =	ssettm $0x7FFFFFFF  }
0xc3: {  	_ =	shalt  }
tec
execute0_lowered:
.L_overlay_start_1:
0x0: {  	(tag) =	ssettag $0x1  }
0x1: {  	s1 =	srdreg.scid;
	s10 =	stileid.u32  }
0x2: {  	s1 =	sand.u32 $0x1, s1;
	s3 =	sshll.u32 s10, $0x1  }
0x3: {  	s0 =	rddreg [dreg:$0x0];
	s2 =	simm.s32 $0x0;
	s5 =	sor.u32 s1, s3  }
0x4: {  	[smem:$0x7FF] =	sst s2;
	s6 =	smul.u32 $0x3400, s5  }
0x5: {  	s4 =	rddreg [dreg:$0x1];
	_ =	strace $0x80000047;
	s7 =	smul.u32 $0x68000, s5  }
0x6: {  	s3 =	sadd.s32 $0xD800, s0;
	s8 =	ssub.s32 $0x2, s1;
	s5 =	smul.u32 $0xD000, s5  }
0x7: {  	s9 =	sshrl.u32 s8, $0x1;
	s6 =	sshrl.u32 s6, $0x3;
	s7 =	sshrl.u32 s7, $0x3  }
0x8: {  	s0 =	sadd.s32 s6, s0;
	s6 =	ssub.s32 s8, s9;
	s8 =	sadd.s32 s4, s5  }
0x9: {  	s7 =	sadd.s32 s4, s7;
	s0 =	sadd.s32 $0x800, s0;
	[dreg:$0x4] =	wrdreg s8  }
0xa: {  	s17 =	sadd.s32 $0x1000, s7;
	[dreg:$0x3] =	wrdreg s0  }
0xb: {  	s18 =	sadd.s32 $0x1800, s7;
	[dreg:$0x5] =	wrdreg s17  }
0xc: {  	s19 =	sadd.s32 $0x2000, s7;
	[dreg:$0x6] =	wrdreg s18  }
0xd: {  	s20 =	sadd.s32 $0x2800, s7;
	[dreg:$0x7] =	wrdreg s19  }
0xe: {  	s21 =	sadd.s32 $0x3000, s7;
	[dreg:$0x8] =	wrdreg s20  }
0xf: {  	s22 =	sadd.s32 $0x3800, s7;
	[dreg:$0x9] =	wrdreg s21  }
0x10: {  	s24 =	sadd.s32 $0x4000, s7;
	[dreg:$0xa] =	wrdreg s22  }
0x11: {  	s25 =	sadd.s32 $0x4800, s7;
	[dreg:$0xb] =	wrdreg s24  }
0x12: {  	s11 =	sadd.s32 $0x5000, s7;
	[dreg:$0xc] =	wrdreg s25  }
0x13: {  	s12 =	sadd.s32 $0x5800, s7;
	[dreg:$0xd] =	wrdreg s11  }
0x14: {  	s14 =	sadd.s32 $0x6000, s7;
	[dreg:$0xe] =	wrdreg s12  }
0x15: {  	s15 =	sadd.s32 $0x6800, s7;
	[dreg:$0xf] =	wrdreg s14  }
0x16: {  	s16 =	sadd.s32 $0x7000, s7;
	[dreg:$0x10] =	wrdreg s15  }
0x17: {  	s26 =	smul.u32 $0x29E00000, s10;
	s4 =	sadd.s32 $0xC000, s7;
	[dreg:$0x11] =	wrdreg s16  }
0x18: {  	s23 =	smul.u32 $0xEB100000, s1;
	s5 =	sadd.s32 $0xC800, s7;
	[dreg:$0x1c] =	wrdreg s4  }
0x19: {  	s17 =	sadd.s32 $0x7800, s7;
	[dreg:$0x1d] =	wrdreg s5  }
0x1a: {  	s0 =	ssub.s32 s23, s26;
	[dreg:$0x12] =	wrdreg s17  }
0x1b: {  	s18 =	sadd.s32 $0x8000, s7;
	[dreg:$0x13] =	wrdreg s0  }
0x1c: {  	s19 =	sadd.s32 $0x8800, s7;
	[dreg:$0x14] =	wrdreg s18  }
0x1d: {  	s20 =	sadd.s32 $0x9000, s7;
	[dreg:$0x15] =	wrdreg s19  }
0x1e: {  	s13 =	smul.u32 $0x6800, s10;
	s21 =	sadd.s32 $0x9800, s7;
	[dreg:$0x16] =	wrdreg s20  }
0x1f: {  	s1 =	smul.u32 $0x3400, s1;
	s23 =	sadd.s32 $0xA000, s7;
	[dreg:$0x17] =	wrdreg s21  }
0x20: {  	s24 =	sadd.s32 $0xA800, s7;
	[dreg:$0x18] =	wrdreg s23  }
0x21: {  	s22 =	sadd.s32 s1, s13;
	s25 =	sadd.s32 $0xB000, s7;
	[dreg:$0x19] =	wrdreg s24  }
0x22: {  	s26 =	sadd.s32 $0xB800, s7;
	[dreg:$0x1a] =	wrdreg s25;
	s0 =	smul.u32 $0x30D400, s22  }
0x23: {  	s7 =	smax.u32 s6, $0x1;
	[dreg:$0x1b] =	wrdreg s26  }
0x24: {  	[dreg:$0x1e] =	wrdreg s7;
	s9 =	sadd.s32 $0x61A80000, s0  }
0x25: {  	s10 =	sadd.s32 $0xC3500000, s0;
	[dreg:$0x1f] =	wrdreg s9  }
0x26: {  	s11 =	sadd.s32 $0x24F80000, s0;
	[smem:$0x7D8] =	sst s10  }
0x27: {  	s12 =	sadd.s32 $0x86A00000, s0;
	[smem:$0x7D9] =	sst s11  }
0x28: {  	s13 =	sadd.s32 $0xE8480000, s0;
	[smem:$0x7DA] =	sst s12  }
0x29: {  	s14 =	sadd.s32 $0x49F00000, s0;
	[smem:$0x7DB] =	sst s13  }
0x2a: {  	s15 =	sadd.s32 $0xAB980000, s0;
	[smem:$0x7DC] =	sst s14  }
0x2b: {  	s16 =	sadd.s32 $0xD400000, s0;
	[smem:$0x7DD] =	sst s15  }
0x2c: {  	s17 =	sadd.s32 $0x6EE80000, s0;
	[smem:$0x7DE] =	sst s16  }
0x2d: {  	s18 =	sadd.s32 $0xD0900000, s0;
	[smem:$0x7DF] =	sst s17  }
0x2e: {  	s19 =	sadd.s32 $0x32380000, s0;
	[smem:$0x7E0] =	sst s18  }
0x2f: {  	s20 =	sadd.s32 $0x93E00000, s0;
	[smem:$0x7E1] =	sst s19  }
0x30: {  	s21 =	sadd.s32 $0xF5880000, s0;
	[smem:$0x7E2] =	sst s20  }
0x31: {  	s23 =	sadd.s32 $0x57300000, s0;
	[smem:$0x7E3] =	sst s21  }
0x32: {  	s24 =	sadd.s32 $0xB8D80000, s0;
	[smem:$0x7E4] =	sst s23  }
0x33: {  	s25 =	sadd.s32 $0x1A800000, s0;
	[smem:$0x7E5] =	sst s24  }
0x34: {  	s26 =	sadd.s32 $0x7C280000, s0;
	[smem:$0x7E6] =	sst s25  }
0x35: {  	s4 =	sadd.s32 $0xDDD00000, s0;
	[smem:$0x7E7] =	sst s26  }
0x36: {  	s5 =	sadd.s32 $0x3F780000, s0;
	[smem:$0x7E8] =	sst s4  }
0x37: {  	s6 =	sadd.s32 $0xA1200000, s0;
	[smem:$0x7E9] =	sst s5  }
0x38: {  	s7 =	sadd.s32 $0x2C80000, s0;
	[smem:$0x7EA] =	sst s6  }
0x39: {  	[smem:$0x7EB] =	sst s7;
	s9 =	sadd.s32 $0x64700000, s0  }
0x3a: {  	s10 =	sadd.s32 $0xC6180000, s0;
	[smem:$0x7EC] =	sst s9  }
0x3b: {  	s11 =	sadd.s32 $0x27C00000, s0;
	[smem:$0x7ED] =	sst s10  }
0x3c: {  	s0 =	sadd.s32 $0x89680000, s0;
	[smem:$0x7EE] =	sst s11  }
0x3d: {  	s12 =	sadd.s32 $0x800, s8;
	[smem:$0x7EF] =	sst s0  }
0x3e: {  	s13 =	sor.u32 $0x200, s22;
	[smem:$0x7F0] =	sst s12  }
0x3f: {  	s14 =	sadd.s32 $0x400, s22;
	[smem:$0x7F1] =	sst s13  }
0x40: {  	s15 =	sadd.s32 $0x600, s22;
	[smem:$0x7F2] =	sst s14  }
0x41: {  	s16 =	sadd.s32 $0x800, s22;
	[smem:$0x7F3] =	sst s15  }
0x42: {  	s17 =	sadd.s32 $0xA00, s22;
	[smem:$0x7F4] =	sst s16  }
0x43: {  	s30 =	simm.s32 $0x4000;
	s18 =	sadd.s32 $0xC00, s22;
	[smem:$0x7F5] =	sst s17  }
0x44: {  	s31 =	simm.s32 $0x3400;
	s19 =	sadd.s32 $0xE00, s22;
	[smem:$0x7F6] =	sst s18  }
0x45: {  	s1 =	simm.s32 $0xB400;
	s20 =	sadd.s32 $0x1000, s22;
	[smem:$0x7F7] =	sst s19  }
0x46: {  	s28 =	sadd.s32 $0x3000, s22;
	s21 =	sadd.s32 $0x1200, s22;
	[smem:$0x7F8] =	sst s20  }
0x47: {  	s29 =	sadd.s32 $0x3200, s22;
	s23 =	sadd.s32 $0x1400, s22;
	[smem:$0x7F9] =	sst s21  }
0x48: {  	s24 =	sadd.s32 $0x1600, s22;
	s25 =	sadd.s32 $0x1800, s22;
	[smem:$0x7FA] =	sst s23  }
0x49: {  	s26 =	sadd.s32 $0x1A00, s22;
	s5 =	simm.s32 $0xF400;
	[smem:$0x7FB] =	sst s24  }
0x4a: {  	s4 =	simm.s32 $0x3;
	s6 =	simm.s32 $0x2;
	[smem:$0x7FC] =	sst s25  }
0x4b: {  	s7 =	simm.s32 $0x4;
	s8 =	simm.s32 $0x0;
	[smem:$0x7FD] =	sst s26  }
0x4c: {  	v0 =	vlaneseq.u32;
	s15 =	sadd.s32 $0x1C00, s22;
	s16 =	sadd.s32 $0x1E00, s22;
	s17 =	sadd.s32 $0x2000, s22  }
0x4d: {  	v0 =	vmul.u32 $0x186A0, v0;
	s18 =	sadd.s32 $0x2200, s22;
	s19 =	sadd.s32 $0x2400, s22;
	s21 =	sadd.s32 $0x2600, s22  }
0x4e: {  	s23 =	sadd.s32 $0x2800, s22;
	s24 =	sadd.s32 $0x2A00, s22;
	s25 =	sadd.s32 $0x2C00, s22  }
0x4f: {  	v1 =	vadd.s32 $0x186A00, v0;
	s26 =	sadd.s32 $0x2E00, s22;
	s0 =	simm.s32 $0x7400;
	s20 =	simm.s32 $0x1  }
.LBB2_1:
0x50: {  	v2 =	vmov s2;
	s9 =	rddreg [dreg:$0x3];
	s11 =	simm.s32 $0x5  }
0x51: {  	[tilespmem:s2], [sflag:$0x5] =	stream.linear.gather [hbm4b:s9+s2], $0x3400, $0x38;
	[tilespmem:$0x13400] =	vst v63  }
0x52: {  	_ =	swait.ge [sflag:s11], $0x3400  }
0x53: {  	[sflag:s11] =	ssyncset.done $0x0  }
0x54: {  	s12 =	smulhi.u32 $0x4EC4EC4F, s22;
	[sflag:s11] =	ssyncadd.s32 $0xFFFFCC00  }
0x55: {  	v2 =	vld.idx.msk [tilespmem:v2+s2+$0x0], $0xffff  }
0x56: {  	s9 =	sshrl.u32 s12, $0x3  }
0x57: {  	s10 =	smul.u32 $0x4F58800, s9  }
0x58: {  	s14 =	rddreg [dreg:$0x13];
	s11 =	simm.s32 $0x1  }
0x59: {  	v3 =	vmov s11;
	s10 =	ssub.s32 s14, s10  }
0x5a: {  	v2 =	vadd.s32 s10, v2  }
0x5b: {  	s11 =	simm.s32 $0x3410;
	v4 =	vadd.s32 v0, v2  }
0x5c: {  	s9 =	sadd.s32 $0x1, s22;
	v2 =	vadd.s32 v1, v2;
	[tilespmem:s11+$0xFFFFFFF0] =	vst v4  }
0x5d: {  	s12 =	smulhi.u32 $0x4EC4EC4F, s9;
	[tilespmem:s11+$0x0] =	vst v2  }
0x5e: {  	v3 =	vld.idx.msk [tilespmem:v3+s2+$0x0], $0xffff  }
0x5f: {  	s13 =	sshrl.u32 s12, $0x3  }
0x60: {  	s13 =	smul.u32 $0x4F58800, s13  }
0x61: {  	s12 =	simm.s32 $0x2;
	s10 =	sadd.s32 $0x30D400, s14  }
0x62: {  	s13 =	ssub.s32 s10, s13;
	v2 =	vmov s12;
	s12 =	simm.s32 $0x3  }
.LBB2_2:
0x63: {  	p0 =	sne.s32 s12, $0x1FF;
	v3 =	vadd.s32 s13, v3  }
0x64: {  	s11 =	sadd.s32 $0x20, s11;
	v4 =	vadd.s32 v0, v3;
	v3 =	vadd.s32 v1, v3  }
0x65: {  	[tilespmem:s11+$0xFFFFFFF0] =	vst v4  }
0x66: {  	s9 =	sadd.s32 $0x1, s9;
	[tilespmem:s11+$0x0] =	vst v3  }
0x67: {  	s13 =	smulhi.u32 $0x4EC4EC4F, s9;
	v3 =	vld.idx.msk [tilespmem:v2+s2+$0x0], $0xffff  }
.Ltmp0:
0x68: {  	(pc) =	sbr.rel @p0 .LBB2_2-.Ltmp0, $4  }
0x69: {  	s13 =	sshrl.u32 s13, $0x3  }
0x6a: {  	s13 =	smul.u32 $0x4F58800, s13  }
0x6b: {  	s10 =	sadd.s32 $0x30D400, s10  }
0x6c: {  	v2 =	vmov s12;
	s12 =	sadd.s32 $0x1, s12;
	s13 =	ssub.s32 s10, s13  }
0x6d: {  	v3 =	vadd.s32 s13, v3  }
0x6e: {  	s11 =	sadd.s32 $0x20, s11;
	v4 =	vadd.s32 v0, v3  }
0x6f: {  	s9 =	sadd.s32 $0x1, s9;
	v3 =	vadd.s32 v1, v3;
	[tilespmem:s11+$0xFFFFFFF0] =	vst v4  }
0x70: {  	s9 =	smulhi.u32 $0x4EC4EC4F, s9;
	[tilespmem:s11+$0x0] =	vst v3  }
0x71: {  	v2 =	vld.idx.msk [tilespmem:v2+s2+$0x0], $0xffff  }
0x72: {  	s9 =	sshrl.u32 s9, $0x3  }
0x73: {  	s9 =	smul.u32 $0x4F58800, s9  }
0x74: {  	s10 =	sadd.s32 $0x30D400, s10  }
0x75: {  	s13 =	simm.s32 $0x200;
	s9 =	ssub.s32 s10, s9  }
0x76: {  	s12 =	sld [smem:$0x7F1];
	v4 =	vmov s13;
	v2 =	vadd.s32 s9, v2  }
0x77: {  	s14 =	sadd.s32 $0x20, s11;
	v3 =	vadd.s32 v0, v2  }
0x78: {  	v2 =	vadd.s32 v1, v2;
	[tilespmem:s14+$0xFFFFFFF0] =	vst v3  }
0x79: {  	s11 =	smulhi.u32 $0x4EC4EC4F, s12;
	[tilespmem:s14+$0x0] =	vst v2  }
0x7a: {  	[tilespmem:s1], [sflag:$0x1] =	stream.indirect.gather [hbm4b:s3+s30], $0x1, s31, s30, $0xb8;
	[tilespmem:$0x13400] =	vst v63  }
0x7b: {  	v2 =	vld.idx.msk [tilespmem:v4+s2+$0x0], $0xffff  }
0x7c: {  	s9 =	sshrl.u32 s11, $0x3  }
0x7d: {  	s13 =	smul.u32 $0x4F58800, s9;
	s14 =	simm.s32 $0x201  }
0x7e: {  	v3 =	vmov s14;
	s14 =	rddreg [dreg:$0x1f]  }
0x7f: {  	s10 =	ssub.s32 s14, s13  }
0x80: {  	v2 =	vadd.s32 s10, v2  }
0x81: {  	s11 =	simm.s32 $0x7410;
	v4 =	vadd.s32 v0, v2  }
0x82: {  	s9 =	sadd.s32 $0x1, s12;
	v2 =	vadd.s32 v1, v2;
	[tilespmem:s11+$0xFFFFFFF0] =	vst v4  }
0x83: {  	s12 =	smulhi.u32 $0x4EC4EC4F, s9;
	[tilespmem:s11+$0x0] =	vst v2  }
0x84: {  	v3 =	vld.idx.msk [tilespmem:v3+s2+$0x0], $0xffff  }
0x85: {  	s13 =	sshrl.u32 s12, $0x3  }
0x86: {  	s13 =	smul.u32 $0x4F58800, s13  }
0x87: {  	s12 =	simm.s32 $0x202;
	s10 =	sadd.s32 $0x30D400, s14  }
0x88: {  	s13 =	ssub.s32 s10, s13;
	v2 =	vmov s12;
	s12 =	simm.s32 $0x203  }
.LBB2_4:
0x89: {  	p0 =	sne.s32 s12, $0x3FF;
	v3 =	vadd.s32 s13, v3  }
0x8a: {  	s11 =	sadd.s32 $0x20, s11;
	v4 =	vadd.s32 v0, v3;
	v3 =	vadd.s32 v1, v3  }
0x8b: {  	[tilespmem:s11+$0xFFFFFFF0] =	vst v4  }
0x8c: {  	s9 =	sadd.s32 $0x1, s9;
	[tilespmem:s11+$0x0] =	vst v3  }
0x8d: {  	s13 =	smulhi.u32 $0x4EC4EC4F, s9;
	v3 =	vld.idx.msk [tilespmem:v2+s2+$0x0], $0xffff  }
.Ltmp1:
0x8e: {  	(pc) =	sbr.rel @p0 .LBB2_4-.Ltmp1, $4  }
0x8f: {  	s13 =	sshrl.u32 s13, $0x3  }
0x90: {  	s13 =	smul.u32 $0x4F58800, s13  }
0x91: {  	s10 =	sadd.s32 $0x30D400, s10  }
0x92: {  	v2 =	vmov s12;
	s12 =	sadd.s32 $0x1, s12;
	s13 =	ssub.s32 s10, s13  }
0x93: {  	v3 =	vadd.s32 s13, v3  }
0x94: {  	s11 =	sadd.s32 $0x20, s11;
	v4 =	vadd.s32 v0, v3  }
0x95: {  	s9 =	sadd.s32 $0x1, s9;
	v3 =	vadd.s32 v1, v3;
	[tilespmem:s11+$0xFFFFFFF0] =	vst v4  }
0x96: {  	s9 =	smulhi.u32 $0x4EC4EC4F, s9;
	[tilespmem:s11+$0x0] =	vst v3  }
0x97: {  	v2 =	vld.idx.msk [tilespmem:v2+s2+$0x0], $0xffff  }
0x98: {  	s9 =	sshrl.u32 s9, $0x3  }
0x99: {  	s9 =	smul.u32 $0x4F58800, s9  }
0x9a: {  	s10 =	sadd.s32 $0x30D400, s10  }
0x9b: {  	s9 =	ssub.s32 s10, s9  }
0x9c: {  	v2 =	vadd.s32 s9, v2  }
0x9d: {  	s13 =	sadd.s32 $0x20, s11;
	v3 =	vadd.s32 v0, v2  }
0x9e: {  	v2 =	vadd.s32 v1, v2;
	[tilespmem:s13+$0xFFFFFFF0] =	vst v3  }
0x9f: {  	[tilespmem:s13+$0x0] =	vst v2  }
0xa0: {  	[tilespmem:s5], [sflag:$0x2] =	stream.indirect.gather [hbm4b:s3+s30], $0x1, s0, s30, $0xb8;
	[tilespmem:$0x13400] =	vst v63  }
0xa1: {  	_ =	swait.ge [sflag:s20], $0x4000  }
0xa2: {  	[sflag:s20] =	ssyncset.done $0x0  }
0xa3: {  	s14 =	simm.s32 $0x400;
	s10 =	rddreg [dreg:$0x4];
	[sflag:s20] =	ssyncadd.s32 $0xFFFFC000  }
0xa4: {  	[hbm4b:s10+s2] =	stream.linear.scatter [tilespmem:s1], [sflag:$0x3], $0x4000, $0x38;
	[tilespmem:$0x13400] =	vst v63  }
0xa5: {  	v2 =	vmov s14;
	_ =	swait.ge [sflag:s4], $0x4000  }
0xa6: {  	s12 =	sld [smem:$0x7F2];
	_ =	sdelay $0x1  }
0xa7: {  	[sflag:s4] =	ssyncset.done $0x0  }
0xa8: {  	[sflag:s4] =	ssyncadd.s32 $0xFFFFC000;
	s11 =	smulhi.u32 $0x4EC4EC4F, s12  }
0xa9: {  	s14 =	simm.s32 $0x401;
	v2 =	vld.idx.msk [tilespmem:v2+s2+$0x0], $0xffff  }
0xaa: {  	v3 =	vmov s14;
	s14 =	sld [smem:$0x7D8];
	s9 =	sshrl.u32 s11, $0x3  }
0xab: {  	s13 =	smul.u32 $0x4F58800, s9;
	_ =	sdelay $0x1  }
0xac: {  	s10 =	ssub.s32 s14, s13  }
0xad: {  	v2 =	vadd.s32 s10, v2  }
0xae: {  	s11 =	simm.s32 $0x3410;
	v4 =	vadd.s32 v0, v2  }
0xaf: {  	s9 =	sadd.s32 $0x1, s12;
	v2 =	vadd.s32 v1, v2;
	[tilespmem:s11+$0xFFFFFFF0] =	vst v4  }
0xb0: {  	s12 =	smulhi.u32 $0x4EC4EC4F, s9;
	[tilespmem:s11+$0x0] =	vst v2  }
0xb1: {  	v3 =	vld.idx.msk [tilespmem:v3+s2+$0x0], $0xffff  }
0xb2: {  	s13 =	sshrl.u32 s12, $0x3  }
0xb3: {  	s13 =	smul.u32 $0x4F58800, s13  }
0xb4: {  	s12 =	simm.s32 $0x402;
	s10 =	sadd.s32 $0x30D400, s14  }
0xb5: {  	v2 =	vmov s12;
	s12 =	simm.s32 $0x403;
	s13 =	ssub.s32 s10, s13  }
.LBB2_6:
0xb6: {  	p0 =	sne.s32 s12, $0x5FF;
	v3 =	vadd.s32 s13, v3  }
0xb7: {  	s11 =	sadd.s32 $0x20, s11;
	v4 =	vadd.s32 v0, v3;
	v3 =	vadd.s32 v1, v3  }
0xb8: {  	[tilespmem:s11+$0xFFFFFFF0] =	vst v4  }
0xb9: {  	s9 =	sadd.s32 $0x1, s9;
	[tilespmem:s11+$0x0] =	vst v3  }
0xba: {  	s13 =	smulhi.u32 $0x4EC4EC4F, s9;
	v3 =	vld.idx.msk [tilespmem:v2+s2+$0x0], $0xffff  }
.Ltmp2:
0xbb: {  	(pc) =	sbr.rel @p0 .LBB2_6-.Ltmp2, $4  }
0xbc: {  	s13 =	sshrl.u32 s13, $0x3  }
0xbd: {  	s13 =	smul.u32 $0x4F58800, s13  }
0xbe: {  	s10 =	sadd.s32 $0x30D400, s10  }
0xbf: {  	v2 =	vmov s12;
	s12 =	sadd.s32 $0x1, s12;
	s13 =	ssub.s32 s10, s13  }
0xc0: {  	v3 =	vadd.s32 s13, v3  }
0xc1: {  	s11 =	sadd.s32 $0x20, s11;
	v4 =	vadd.s32 v0, v3  }
0xc2: {  	s9 =	sadd.s32 $0x1, s9;
	v3 =	vadd.s32 v1, v3;
	[tilespmem:s11+$0xFFFFFFF0] =	vst v4  }
0xc3: {  	s9 =	smulhi.u32 $0x4EC4EC4F, s9;
	[tilespmem:s11+$0x0] =	vst v3  }
0xc4: {  	v2 =	vld.idx.msk [tilespmem:v2+s2+$0x0], $0xffff  }
0xc5: {  	s9 =	sshrl.u32 s9, $0x3  }
0xc6: {  	s9 =	smul.u32 $0x4F58800, s9  }
0xc7: {  	s10 =	sadd.s32 $0x30D400, s10  }
0xc8: {  	s9 =	ssub.s32 s10, s9  }
0xc9: {  	v2 =	vadd.s32 s9, v2  }
0xca: {  	s13 =	sadd.s32 $0x20, s11;
	v3 =	vadd.s32 v0, v2  }
0xcb: {  	v2 =	vadd.s32 v1, v2;
	[tilespmem:s13+$0xFFFFFFF0] =	vst v3  }
0xcc: {  	[tilespmem:s13+$0x0] =	vst v2  }
0xcd: {  	[tilespmem:s1], [sflag:$0x1] =	stream.indirect.gather [hbm4b:s3+s30], $0x1, s31, s30, $0xb8;
	[tilespmem:$0x13400] =	vst v63  }
0xce: {  	_ =	swait.ge [sflag:s6], $0x4000  }
0xcf: {  	s10 =	sld [smem:$0x7F0]  }
0xd0: {  	[sflag:s6] =	ssyncset.done $0x0  }
0xd1: {  	s14 =	simm.s32 $0x600;
	[sflag:s6] =	ssyncadd.s32 $0xFFFFC000  }
0xd2: {  	[hbm4b:s10+s2] =	stream.linear.scatter [tilespmem:s5], [sflag:$0x4], $0x4000, $0x38;
	[tilespmem:$0x13400] =	vst v63  }
0xd3: {  	v2 =	vmov s14;
	_ =	swait.ge [sflag:s7], $0x4000  }
0xd4: {  	s12 =	sld [smem:$0x7F3];
	_ =	sdelay $0x1  }
0xd5: {  	[sflag:s7] =	ssyncset.done $0x0  }
0xd6: {  	[sflag:s7] =	ssyncadd.s32 $0xFFFFC000;
	s11 =	smulhi.u32 $0x4EC4EC4F, s12  }
0xd7: {  	s14 =	simm.s32 $0x601;
	v2 =	vld.idx.msk [tilespmem:v2+s2+$0x0], $0xffff  }
0xd8: {  	v3 =	vmov s14;
	s14 =	sld [smem:$0x7D9];
	s9 =	sshrl.u32 s11, $0x3  }
0xd9: {  	s13 =	smul.u32 $0x4F58800, s9;
	_ =	sdelay $0x1  }
0xda: {  	s10 =	ssub.s32 s14, s13  }
0xdb: {  	v2 =	vadd.s32 s10, v2  }
0xdc: {  	s11 =	simm.s32 $0x7410;
	v4 =	vadd.s32 v0, v2  }
0xdd: {  	s9 =	sadd.s32 $0x1, s12;
	v2 =	vadd.s32 v1, v2;
	[tilespmem:s11+$0xFFFFFFF0] =	vst v4  }
0xde: {  	s12 =	smulhi.u32 $0x4EC4EC4F, s9;
	[tilespmem:s11+$0x0] =	vst v2  }
0xdf: {  	v3 =	vld.idx.msk [tilespmem:v3+s2+$0x0], $0xffff  }
0xe0: {  	s13 =	sshrl.u32 s12, $0x3  }
0xe1: {  	s13 =	smul.u32 $0x4F58800, s13  }
0xe2: {  	s12 =	simm.s32 $0x602;
	s10 =	sadd.s32 $0x30D400, s14  }
0xe3: {  	v2 =	vmov s12;
	s12 =	simm.s32 $0x603;
	s13 =	ssub.s32 s10, s13  }
.LBB2_8:
0xe4: {  	p0 =	sne.s32 s12, $0x7FF;
	v3 =	vadd.s32 s13, v3  }
0xe5: {  	s11 =	sadd.s32 $0x20, s11;
	v4 =	vadd.s32 v0, v3;
	v3 =	vadd.s32 v1, v3  }
0xe6: {  	[tilespmem:s11+$0xFFFFFFF0] =	vst v4  }
0xe7: {  	s9 =	sadd.s32 $0x1, s9;
	[tilespmem:s11+$0x0] =	vst v3  }
0xe8: {  	s13 =	smulhi.u32 $0x4EC4EC4F, s9;
	v3 =	vld.idx.msk [tilespmem:v2+s2+$0x0], $0xffff  }
.Ltmp3:
0xe9: {  	(pc) =	sbr.rel @p0 .LBB2_8-.Ltmp3, $4  }
0xea: {  	s13 =	sshrl.u32 s13, $0x3  }
0xeb: {  	s13 =	smul.u32 $0x4F58800, s13  }
0xec: {  	s10 =	sadd.s32 $0x30D400, s10  }
0xed: {  	v2 =	vmov s12;
	s12 =	sadd.s32 $0x1, s12;
	s13 =	ssub.s32 s10, s13  }
0xee: {  	v3 =	vadd.s32 s13, v3  }
0xef: {  	s11 =	sadd.s32 $0x20, s11;
	v4 =	vadd.s32 v0, v3  }
0xf0: {  	s9 =	sadd.s32 $0x1, s9;
	v3 =	vadd.s32 v1, v3;
	[tilespmem:s11+$0xFFFFFFF0] =	vst v4  }
0xf1: {  	s9 =	smulhi.u32 $0x4EC4EC4F, s9;
	[tilespmem:s11+$0x0] =	vst v3  }
0xf2: {  	v2 =	vld.idx.msk [tilespmem:v2+s2+$0x0], $0xffff  }
0xf3: {  	s9 =	sshrl.u32 s9, $0x3  }
0xf4: {  	s9 =	smul.u32 $0x4F58800, s9  }
0xf5: {  	s10 =	sadd.s32 $0x30D400, s10  }
0xf6: {  	s9 =	ssub.s32 s10, s9  }
0xf7: {  	v2 =	vadd.s32 s9, v2  }
0xf8: {  	s13 =	sadd.s32 $0x20, s11;
	v3 =	vadd.s32 v0, v2  }
0xf9: {  	v2 =	vadd.s32 v1, v2;
	[tilespmem:s13+$0xFFFFFFF0] =	vst v3  }
0xfa: {  	[tilespmem:s13+$0x0] =	vst v2  }
0xfb: {  	[tilespmem:s5], [sflag:$0x2] =	stream.indirect.gather [hbm4b:s3+s30], $0x1, s0, s30, $0xb8;
	[tilespmem:$0x13400] =	vst v63  }
0xfc: {  	_ =	swait.ge [sflag:s20], $0x4000  }
0xfd: {  	[sflag:s20] =	ssyncset.done $0x0  }
0xfe: {  	s14 =	simm.s32 $0x800;
	s10 =	rddreg [dreg:$0x5];
	[sflag:s20] =	ssyncadd.s32 $0xFFFFC000  }
0xff: {  	[hbm4b:s10+s2] =	stream.linear.scatter [tilespmem:s1], [sflag:$0x3], $0x4000, $0x38;
	[tilespmem:$0x13400] =	vst v63  }
0x100: {  	v2 =	vmov s14;
	_ =	swait.ge [sflag:s4], $0x4000  }
0x101: {  	s12 =	sld [smem:$0x7F4];
	_ =	sdelay $0x1  }
0x102: {  	[sflag:s4] =	ssyncset.done $0x0  }
0x103: {  	[sflag:s4] =	ssyncadd.s32 $0xFFFFC000;
	s11 =	smulhi.u32 $0x4EC4EC4F, s12  }
0x104: {  	s14 =	simm.s32 $0x801;
	v2 =	vld.idx.msk [tilespmem:v2+s2+$0x0], $0xffff  }
0x105: {  	v3 =	vmov s14;
	s14 =	sld [smem:$0x7DA];
	s9 =	sshrl.u32 s11, $0x3  }
0x106: {  	s13 =	smul.u32 $0x4F58800, s9;
	_ =	sdelay $0x1  }
0x107: {  	s10 =	ssub.s32 s14, s13  }
0x108: {  	v2 =	vadd.s32 s10, v2  }
0x109: {  	s11 =	simm.s32 $0x3410;
	v4 =	vadd.s32 v0, v2  }
0x10a: {  	s9 =	sadd.s32 $0x1, s12;
	v2 =	vadd.s32 v1, v2;
	[tilespmem:s11+$0xFFFFFFF0] =	vst v4  }
0x10b: {  	s12 =	smulhi.u32 $0x4EC4EC4F, s9;
	[tilespmem:s11+$0x0] =	vst v2  }
0x10c: {  	v3 =	vld.idx.msk [tilespmem:v3+s2+$0x0], $0xffff  }
0x10d: {  	s13 =	sshrl.u32 s12, $0x3  }
0x10e: {  	s13 =	smul.u32 $0x4F58800, s13  }
0x10f: {  	s12 =	simm.s32 $0x802;
	s10 =	sadd.s32 $0x30D400, s14  }
0x110: {  	v2 =	vmov s12;
	s12 =	simm.s32 $0x803;
	s13 =	ssub.s32 s10, s13  }
.LBB2_10:
0x111: {  	p0 =	sne.s32 s12, $0x9FF;
	v3 =	vadd.s32 s13, v3  }
0x112: {  	s11 =	sadd.s32 $0x20, s11;
	v4 =	vadd.s32 v0, v3;
	v3 =	vadd.s32 v1, v3  }
0x113: {  	[tilespmem:s11+$0xFFFFFFF0] =	vst v4  }
0x114: {  	s9 =	sadd.s32 $0x1, s9;
	[tilespmem:s11+$0x0] =	vst v3  }
0x115: {  	s13 =	smulhi.u32 $0x4EC4EC4F, s9;
	v3 =	vld.idx.msk [tilespmem:v2+s2+$0x0], $0xffff  }
.Ltmp4:
0x116: {  	(pc) =	sbr.rel @p0 .LBB2_10-.Ltmp4, $4  }
0x117: {  	s13 =	sshrl.u32 s13, $0x3  }
0x118: {  	s13 =	smul.u32 $0x4F58800, s13  }
0x119: {  	s10 =	sadd.s32 $0x30D400, s10  }
0x11a: {  	v2 =	vmov s12;
	s12 =	sadd.s32 $0x1, s12;
	s13 =	ssub.s32 s10, s13  }
0x11b: {  	v3 =	vadd.s32 s13, v3  }
0x11c: {  	s11 =	sadd.s32 $0x20, s11;
	v4 =	vadd.s32 v0, v3  }
0x11d: {  	s9 =	sadd.s32 $0x1, s9;
	v3 =	vadd.s32 v1, v3;
	[tilespmem:s11+$0xFFFFFFF0] =	vst v4  }
0x11e: {  	s9 =	smulhi.u32 $0x4EC4EC4F, s9;
	[tilespmem:s11+$0x0] =	vst v3  }
0x11f: {  	v2 =	vld.idx.msk [tilespmem:v2+s2+$0x0], $0xffff  }
0x120: {  	s9 =	sshrl.u32 s9, $0x3  }
0x121: {  	s9 =	smul.u32 $0x4F58800, s9  }
0x122: {  	s10 =	sadd.s32 $0x30D400, s10  }
0x123: {  	s9 =	ssub.s32 s10, s9  }
0x124: {  	v2 =	vadd.s32 s9, v2  }
0x125: {  	s13 =	sadd.s32 $0x20, s11;
	v3 =	vadd.s32 v0, v2  }
0x126: {  	v2 =	vadd.s32 v1, v2;
	[tilespmem:s13+$0xFFFFFFF0] =	vst v3  }
0x127: {  	[tilespmem:s13+$0x0] =	vst v2  }
0x128: {  	[tilespmem:s1], [sflag:$0x1] =	stream.indirect.gather [hbm4b:s3+s30], $0x1, s31, s30, $0xb8;
	[tilespmem:$0x13400] =	vst v63  }
0x129: {  	_ =	swait.ge [sflag:s6], $0x4000  }
0x12a: {  	[sflag:s6] =	ssyncset.done $0x0  }
0x12b: {  	s14 =	simm.s32 $0xA00;
	s10 =	rddreg [dreg:$0x6];
	[sflag:s6] =	ssyncadd.s32 $0xFFFFC000  }
0x12c: {  	[hbm4b:s10+s2] =	stream.linear.scatter [tilespmem:s5], [sflag:$0x4], $0x4000, $0x38;
	[tilespmem:$0x13400] =	vst v63  }
0x12d: {  	v2 =	vmov s14;
	_ =	swait.ge [sflag:s7], $0x4000  }
0x12e: {  	s12 =	sld [smem:$0x7F5];
	_ =	sdelay $0x1  }
0x12f: {  	[sflag:s7] =	ssyncset.done $0x0  }
0x130: {  	[sflag:s7] =	ssyncadd.s32 $0xFFFFC000;
	s11 =	smulhi.u32 $0x4EC4EC4F, s12  }
0x131: {  	s14 =	simm.s32 $0xA01;
	v2 =	vld.idx.msk [tilespmem:v2+s2+$0x0], $0xffff  }
0x132: {  	v3 =	vmov s14;
	s14 =	sld [smem:$0x7DB];
	s9 =	sshrl.u32 s11, $0x3  }
0x133: {  	s13 =	smul.u32 $0x4F58800, s9;
	_ =	sdelay $0x1  }
0x134: {  	s10 =	ssub.s32 s14, s13  }
0x135: {  	v2 =	vadd.s32 s10, v2  }
0x136: {  	s11 =	simm.s32 $0x7410;
	v4 =	vadd.s32 v0, v2  }
0x137: {  	s9 =	sadd.s32 $0x1, s12;
	v2 =	vadd.s32 v1, v2;
	[tilespmem:s11+$0xFFFFFFF0] =	vst v4  }
0x138: {  	s12 =	smulhi.u32 $0x4EC4EC4F, s9;
	[tilespmem:s11+$0x0] =	vst v2  }
0x139: {  	v3 =	vld.idx.msk [tilespmem:v3+s2+$0x0], $0xffff  }
0x13a: {  	s13 =	sshrl.u32 s12, $0x3  }
0x13b: {  	s13 =	smul.u32 $0x4F58800, s13  }
0x13c: {  	s12 =	simm.s32 $0xA02;
	s10 =	sadd.s32 $0x30D400, s14  }
0x13d: {  	v2 =	vmov s12;
	s12 =	simm.s32 $0xA03;
	s13 =	ssub.s32 s10, s13  }
.LBB2_12:
0x13e: {  	p0 =	sne.s32 s12, $0xBFF;
	v3 =	vadd.s32 s13, v3  }
0x13f: {  	s11 =	sadd.s32 $0x20, s11;
	v4 =	vadd.s32 v0, v3;
	v3 =	vadd.s32 v1, v3  }
0x140: {  	[tilespmem:s11+$0xFFFFFFF0] =	vst v4  }
0x141: {  	s9 =	sadd.s32 $0x1, s9;
	[tilespmem:s11+$0x0] =	vst v3  }
0x142: {  	s13 =	smulhi.u32 $0x4EC4EC4F, s9;
	v3 =	vld.idx.msk [tilespmem:v2+s2+$0x0], $0xffff  }
.Ltmp5:
0x143: {  	(pc) =	sbr.rel @p0 .LBB2_12-.Ltmp5, $4  }
0x144: {  	s13 =	sshrl.u32 s13, $0x3  }
0x145: {  	s13 =	smul.u32 $0x4F58800, s13  }
0x146: {  	s10 =	sadd.s32 $0x30D400, s10  }
0x147: {  	v2 =	vmov s12;
	s12 =	sadd.s32 $0x1, s12;
	s13 =	ssub.s32 s10, s13  }
0x148: {  	v3 =	vadd.s32 s13, v3  }
0x149: {  	s11 =	sadd.s32 $0x20, s11;
	v4 =	vadd.s32 v0, v3  }
0x14a: {  	s9 =	sadd.s32 $0x1, s9;
	v3 =	vadd.s32 v1, v3;
	[tilespmem:s11+$0xFFFFFFF0] =	vst v4  }
0x14b: {  	s9 =	smulhi.u32 $0x4EC4EC4F, s9;
	[tilespmem:s11+$0x0] =	vst v3  }
0x14c: {  	v2 =	vld.idx.msk [tilespmem:v2+s2+$0x0], $0xffff  }
0x14d: {  	s9 =	sshrl.u32 s9, $0x3  }
0x14e: {  	s9 =	smul.u32 $0x4F58800, s9  }
0x14f: {  	s10 =	sadd.s32 $0x30D400, s10  }
0x150: {  	s9 =	ssub.s32 s10, s9  }
0x151: {  	v2 =	vadd.s32 s9, v2  }
0x152: {  	s13 =	sadd.s32 $0x20, s11;
	v3 =	vadd.s32 v0, v2  }
0x153: {  	v2 =	vadd.s32 v1, v2;
	[tilespmem:s13+$0xFFFFFFF0] =	vst v3  }
0x154: {  	[tilespmem:s13+$0x0] =	vst v2  }
0x155: {  	[tilespmem:s5], [sflag:$0x2] =	stream.indirect.gather [hbm4b:s3+s30], $0x1, s0, s30, $0xb8;
	[tilespmem:$0x13400] =	vst v63  }
0x156: {  	_ =	swait.ge [sflag:s20], $0x4000  }
0x157: {  	[sflag:s20] =	ssyncset.done $0x0  }
0x158: {  	s14 =	simm.s32 $0xC00;
	s10 =	rddreg [dreg:$0x7];
	[sflag:s20] =	ssyncadd.s32 $0xFFFFC000  }
0x159: {  	[hbm4b:s10+s2] =	stream.linear.scatter [tilespmem:s1], [sflag:$0x3], $0x4000, $0x38;
	[tilespmem:$0x13400] =	vst v63  }
0x15a: {  	v2 =	vmov s14;
	_ =	swait.ge [sflag:s4], $0x4000  }
0x15b: {  	s12 =	sld [smem:$0x7F6];
	_ =	sdelay $0x1  }
0x15c: {  	[sflag:s4] =	ssyncset.done $0x0  }
0x15d: {  	[sflag:s4] =	ssyncadd.s32 $0xFFFFC000;
	s11 =	smulhi.u32 $0x4EC4EC4F, s12  }
0x15e: {  	s14 =	simm.s32 $0xC01;
	v2 =	vld.idx.msk [tilespmem:v2+s2+$0x0], $0xffff  }
0x15f: {  	v3 =	vmov s14;
	s14 =	sld [smem:$0x7DC];
	s9 =	sshrl.u32 s11, $0x3  }
0x160: {  	s13 =	smul.u32 $0x4F58800, s9;
	_ =	sdelay $0x1  }
0x161: {  	s10 =	ssub.s32 s14, s13  }
0x162: {  	v2 =	vadd.s32 s10, v2  }
0x163: {  	s11 =	simm.s32 $0x3410;
	v4 =	vadd.s32 v0, v2  }
0x164: {  	s9 =	sadd.s32 $0x1, s12;
	v2 =	vadd.s32 v1, v2;
	[tilespmem:s11+$0xFFFFFFF0] =	vst v4  }
0x165: {  	s12 =	smulhi.u32 $0x4EC4EC4F, s9;
	[tilespmem:s11+$0x0] =	vst v2  }
0x166: {  	v3 =	vld.idx.msk [tilespmem:v3+s2+$0x0], $0xffff  }
0x167: {  	s13 =	sshrl.u32 s12, $0x3  }
0x168: {  	s13 =	smul.u32 $0x4F58800, s13  }
0x169: {  	s12 =	simm.s32 $0xC02;
	s10 =	sadd.s32 $0x30D400, s14  }
0x16a: {  	v2 =	vmov s12;
	s12 =	simm.s32 $0xC03;
	s13 =	ssub.s32 s10, s13  }
.LBB2_14:
0x16b: {  	p0 =	sne.s32 s12, $0xDFF;
	v3 =	vadd.s32 s13, v3  }
0x16c: {  	s11 =	sadd.s32 $0x20, s11;
	v4 =	vadd.s32 v0, v3;
	v3 =	vadd.s32 v1, v3  }
0x16d: {  	[tilespmem:s11+$0xFFFFFFF0] =	vst v4  }
0x16e: {  	s9 =	sadd.s32 $0x1, s9;
	[tilespmem:s11+$0x0] =	vst v3  }
0x16f: {  	s13 =	smulhi.u32 $0x4EC4EC4F, s9;
	v3 =	vld.idx.msk [tilespmem:v2+s2+$0x0], $0xffff  }
.Ltmp6:
0x170: {  	(pc) =	sbr.rel @p0 .LBB2_14-.Ltmp6, $4  }
0x171: {  	s13 =	sshrl.u32 s13, $0x3  }
0x172: {  	s13 =	smul.u32 $0x4F58800, s13  }
0x173: {  	s10 =	sadd.s32 $0x30D400, s10  }
0x174: {  	v2 =	vmov s12;
	s12 =	sadd.s32 $0x1, s12;
	s13 =	ssub.s32 s10, s13  }
0x175: {  	v3 =	vadd.s32 s13, v3  }
0x176: {  	s11 =	sadd.s32 $0x20, s11;
	v4 =	vadd.s32 v0, v3  }
0x177: {  	s9 =	sadd.s32 $0x1, s9;
	v3 =	vadd.s32 v1, v3;
	[tilespmem:s11+$0xFFFFFFF0] =	vst v4  }
0x178: {  	s9 =	smulhi.u32 $0x4EC4EC4F, s9;
	[tilespmem:s11+$0x0] =	vst v3  }
0x179: {  	v2 =	vld.idx.msk [tilespmem:v2+s2+$0x0], $0xffff  }
0x17a: {  	s9 =	sshrl.u32 s9, $0x3  }
0x17b: {  	s9 =	smul.u32 $0x4F58800, s9  }
0x17c: {  	s10 =	sadd.s32 $0x30D400, s10  }
0x17d: {  	s9 =	ssub.s32 s10, s9  }
0x17e: {  	v2 =	vadd.s32 s9, v2  }
0x17f: {  	s13 =	sadd.s32 $0x20, s11;
	v3 =	vadd.s32 v0, v2  }
0x180: {  	v2 =	vadd.s32 v1, v2;
	[tilespmem:s13+$0xFFFFFFF0] =	vst v3  }
0x181: {  	[tilespmem:s13+$0x0] =	vst v2  }
0x182: {  	[tilespmem:s1], [sflag:$0x1] =	stream.indirect.gather [hbm4b:s3+s30], $0x1, s31, s30, $0xb8;
	[tilespmem:$0x13400] =	vst v63  }
0x183: {  	_ =	swait.ge [sflag:s6], $0x4000  }
0x184: {  	[sflag:s6] =	ssyncset.done $0x0  }
0x185: {  	s14 =	simm.s32 $0xE00;
	s10 =	rddreg [dreg:$0x8];
	[sflag:s6] =	ssyncadd.s32 $0xFFFFC000  }
0x186: {  	[hbm4b:s10+s2] =	stream.linear.scatter [tilespmem:s5], [sflag:$0x4], $0x4000, $0x38;
	[tilespmem:$0x13400] =	vst v63  }
0x187: {  	v2 =	vmov s14;
	_ =	swait.ge [sflag:s7], $0x4000  }
0x188: {  	s12 =	sld [smem:$0x7F7];
	_ =	sdelay $0x1  }
0x189: {  	[sflag:s7] =	ssyncset.done $0x0  }
0x18a: {  	[sflag:s7] =	ssyncadd.s32 $0xFFFFC000;
	s11 =	smulhi.u32 $0x4EC4EC4F, s12  }
0x18b: {  	s14 =	simm.s32 $0xE01;
	v2 =	vld.idx.msk [tilespmem:v2+s2+$0x0], $0xffff  }
0x18c: {  	v3 =	vmov s14;
	s14 =	sld [smem:$0x7DD];
	s9 =	sshrl.u32 s11, $0x3  }
0x18d: {  	s13 =	smul.u32 $0x4F58800, s9;
	_ =	sdelay $0x1  }
0x18e: {  	s10 =	ssub.s32 s14, s13  }
0x18f: {  	v2 =	vadd.s32 s10, v2  }
0x190: {  	s11 =	simm.s32 $0x7410;
	v4 =	vadd.s32 v0, v2  }
0x191: {  	s9 =	sadd.s32 $0x1, s12;
	v2 =	vadd.s32 v1, v2;
	[tilespmem:s11+$0xFFFFFFF0] =	vst v4  }
0x192: {  	s12 =	smulhi.u32 $0x4EC4EC4F, s9;
	[tilespmem:s11+$0x0] =	vst v2  }
0x193: {  	v3 =	vld.idx.msk [tilespmem:v3+s2+$0x0], $0xffff  }
0x194: {  	s13 =	sshrl.u32 s12, $0x3  }
0x195: {  	s13 =	smul.u32 $0x4F58800, s13  }
0x196: {  	s12 =	simm.s32 $0xE02;
	s10 =	sadd.s32 $0x30D400, s14  }
0x197: {  	v2 =	vmov s12;
	s12 =	simm.s32 $0xE03;
	s13 =	ssub.s32 s10, s13  }
.LBB2_16:
0x198: {  	p0 =	sne.s32 s12, $0xFFF;
	v3 =	vadd.s32 s13, v3  }
0x199: {  	s11 =	sadd.s32 $0x20, s11;
	v4 =	vadd.s32 v0, v3;
	v3 =	vadd.s32 v1, v3  }
0x19a: {  	[tilespmem:s11+$0xFFFFFFF0] =	vst v4  }
0x19b: {  	s9 =	sadd.s32 $0x1, s9;
	[tilespmem:s11+$0x0] =	vst v3  }
0x19c: {  	s13 =	smulhi.u32 $0x4EC4EC4F, s9;
	v3 =	vld.idx.msk [tilespmem:v2+s2+$0x0], $0xffff  }
.Ltmp7:
0x19d: {  	(pc) =	sbr.rel @p0 .LBB2_16-.Ltmp7, $4  }
0x19e: {  	s13 =	sshrl.u32 s13, $0x3  }
0x19f: {  	s13 =	smul.u32 $0x4F58800, s13  }
0x1a0: {  	s10 =	sadd.s32 $0x30D400, s10  }
0x1a1: {  	v2 =	vmov s12;
	s12 =	sadd.s32 $0x1, s12;
	s13 =	ssub.s32 s10, s13  }
0x1a2: {  	v3 =	vadd.s32 s13, v3  }
0x1a3: {  	s11 =	sadd.s32 $0x20, s11;
	v4 =	vadd.s32 v0, v3  }
0x1a4: {  	s9 =	sadd.s32 $0x1, s9;
	v3 =	vadd.s32 v1, v3;
	[tilespmem:s11+$0xFFFFFFF0] =	vst v4  }
0x1a5: {  	s9 =	smulhi.u32 $0x4EC4EC4F, s9;
	[tilespmem:s11+$0x0] =	vst v3  }
0x1a6: {  	v2 =	vld.idx.msk [tilespmem:v2+s2+$0x0], $0xffff  }
0x1a7: {  	s9 =	sshrl.u32 s9, $0x3  }
0x1a8: {  	s9 =	smul.u32 $0x4F58800, s9  }
0x1a9: {  	s10 =	sadd.s32 $0x30D400, s10  }
0x1aa: {  	s9 =	ssub.s32 s10, s9  }
0x1ab: {  	v2 =	vadd.s32 s9, v2  }
0x1ac: {  	s13 =	sadd.s32 $0x20, s11;
	v3 =	vadd.s32 v0, v2  }
0x1ad: {  	v2 =	vadd.s32 v1, v2;
	[tilespmem:s13+$0xFFFFFFF0] =	vst v3  }
0x1ae: {  	[tilespmem:s13+$0x0] =	vst v2  }
0x1af: {  	[tilespmem:s5], [sflag:$0x2] =	stream.indirect.gather [hbm4b:s3+s30], $0x1, s0, s30, $0xb8;
	[tilespmem:$0x13400] =	vst v63  }
0x1b0: {  	_ =	swait.ge [sflag:s20], $0x4000  }
0x1b1: {  	[sflag:s20] =	ssyncset.done $0x0  }
0x1b2: {  	s14 =	simm.s32 $0x1000;
	s10 =	rddreg [dreg:$0x9];
	[sflag:s20] =	ssyncadd.s32 $0xFFFFC000  }
0x1b3: {  	[hbm4b:s10+s2] =	stream.linear.scatter [tilespmem:s1], [sflag:$0x3], $0x4000, $0x38;
	[tilespmem:$0x13400] =	vst v63  }
0x1b4: {  	v2 =	vmov s14;
	_ =	swait.ge [sflag:s4], $0x4000  }
0x1b5: {  	s12 =	sld [smem:$0x7F8];
	_ =	sdelay $0x1  }
0x1b6: {  	[sflag:s4] =	ssyncset.done $0x0  }
0x1b7: {  	[sflag:s4] =	ssyncadd.s32 $0xFFFFC000;
	s11 =	smulhi.u32 $0x4EC4EC4F, s12  }
0x1b8: {  	s14 =	simm.s32 $0x1001;
	v2 =	vld.idx.msk [tilespmem:v2+s2+$0x0], $0xffff  }
0x1b9: {  	v3 =	vmov s14;
	s14 =	sld [smem:$0x7DE];
	s9 =	sshrl.u32 s11, $0x3  }
0x1ba: {  	s13 =	smul.u32 $0x4F58800, s9;
	_ =	sdelay $0x1  }
0x1bb: {  	s10 =	ssub.s32 s14, s13  }
0x1bc: {  	v2 =	vadd.s32 s10, v2  }
0x1bd: {  	s11 =	simm.s32 $0x3410;
	v4 =	vadd.s32 v0, v2  }
0x1be: {  	s9 =	sadd.s32 $0x1, s12;
	v2 =	vadd.s32 v1, v2;
	[tilespmem:s11+$0xFFFFFFF0] =	vst v4  }
0x1bf: {  	s12 =	smulhi.u32 $0x4EC4EC4F, s9;
	[tilespmem:s11+$0x0] =	vst v2  }
0x1c0: {  	v3 =	vld.idx.msk [tilespmem:v3+s2+$0x0], $0xffff  }
0x1c1: {  	s13 =	sshrl.u32 s12, $0x3  }
0x1c2: {  	s13 =	smul.u32 $0x4F58800, s13  }
0x1c3: {  	s12 =	simm.s32 $0x1002;
	s10 =	sadd.s32 $0x30D400, s14  }
0x1c4: {  	v2 =	vmov s12;
	s12 =	simm.s32 $0x1003;
	s13 =	ssub.s32 s10, s13  }
.LBB2_18:
0x1c5: {  	p0 =	sne.s32 s12, $0x11FF;
	v3 =	vadd.s32 s13, v3  }
0x1c6: {  	s11 =	sadd.s32 $0x20, s11;
	v4 =	vadd.s32 v0, v3;
	v3 =	vadd.s32 v1, v3  }
0x1c7: {  	[tilespmem:s11+$0xFFFFFFF0] =	vst v4  }
0x1c8: {  	s9 =	sadd.s32 $0x1, s9;
	[tilespmem:s11+$0x0] =	vst v3  }
0x1c9: {  	s13 =	smulhi.u32 $0x4EC4EC4F, s9;
	v3 =	vld.idx.msk [tilespmem:v2+s2+$0x0], $0xffff  }
.Ltmp8:
0x1ca: {  	(pc) =	sbr.rel @p0 .LBB2_18-.Ltmp8, $4  }
0x1cb: {  	s13 =	sshrl.u32 s13, $0x3  }
0x1cc: {  	s13 =	smul.u32 $0x4F58800, s13  }
0x1cd: {  	s10 =	sadd.s32 $0x30D400, s10  }
0x1ce: {  	v2 =	vmov s12;
	s12 =	sadd.s32 $0x1, s12;
	s13 =	ssub.s32 s10, s13  }
0x1cf: {  	v3 =	vadd.s32 s13, v3  }
0x1d0: {  	s11 =	sadd.s32 $0x20, s11;
	v4 =	vadd.s32 v0, v3  }
0x1d1: {  	s9 =	sadd.s32 $0x1, s9;
	v3 =	vadd.s32 v1, v3;
	[tilespmem:s11+$0xFFFFFFF0] =	vst v4  }
0x1d2: {  	s9 =	smulhi.u32 $0x4EC4EC4F, s9;
	[tilespmem:s11+$0x0] =	vst v3  }
0x1d3: {  	v2 =	vld.idx.msk [tilespmem:v2+s2+$0x0], $0xffff  }
0x1d4: {  	s9 =	sshrl.u32 s9, $0x3  }
0x1d5: {  	s9 =	smul.u32 $0x4F58800, s9  }
0x1d6: {  	s10 =	sadd.s32 $0x30D400, s10  }
0x1d7: {  	s9 =	ssub.s32 s10, s9  }
0x1d8: {  	v2 =	vadd.s32 s9, v2  }
0x1d9: {  	s13 =	sadd.s32 $0x20, s11;
	v3 =	vadd.s32 v0, v2  }
0x1da: {  	v2 =	vadd.s32 v1, v2;
	[tilespmem:s13+$0xFFFFFFF0] =	vst v3  }
0x1db: {  	[tilespmem:s13+$0x0] =	vst v2  }
0x1dc: {  	[tilespmem:s1], [sflag:$0x1] =	stream.indirect.gather [hbm4b:s3+s30], $0x1, s31, s30, $0xb8;
	[tilespmem:$0x13400] =	vst v63  }
0x1dd: {  	_ =	swait.ge [sflag:s6], $0x4000  }
0x1de: {  	[sflag:s6] =	ssyncset.done $0x0  }
0x1df: {  	s14 =	simm.s32 $0x1200;
	s10 =	rddreg [dreg:$0xa];
	[sflag:s6] =	ssyncadd.s32 $0xFFFFC000  }
0x1e0: {  	[hbm4b:s10+s2] =	stream.linear.scatter [tilespmem:s5], [sflag:$0x4], $0x4000, $0x38;
	[tilespmem:$0x13400] =	vst v63  }
0x1e1: {  	v2 =	vmov s14;
	_ =	swait.ge [sflag:s7], $0x4000  }
0x1e2: {  	s12 =	sld [smem:$0x7F9];
	_ =	sdelay $0x1  }
0x1e3: {  	[sflag:s7] =	ssyncset.done $0x0  }
0x1e4: {  	[sflag:s7] =	ssyncadd.s32 $0xFFFFC000;
	s11 =	smulhi.u32 $0x4EC4EC4F, s12  }
0x1e5: {  	s14 =	simm.s32 $0x1201;
	v2 =	vld.idx.msk [tilespmem:v2+s2+$0x0], $0xffff  }
0x1e6: {  	v3 =	vmov s14;
	s14 =	sld [smem:$0x7DF];
	s9 =	sshrl.u32 s11, $0x3  }
0x1e7: {  	s13 =	smul.u32 $0x4F58800, s9;
	_ =	sdelay $0x1  }
0x1e8: {  	s10 =	ssub.s32 s14, s13  }
0x1e9: {  	v2 =	vadd.s32 s10, v2  }
0x1ea: {  	s11 =	simm.s32 $0x7410;
	v4 =	vadd.s32 v0, v2  }
0x1eb: {  	s9 =	sadd.s32 $0x1, s12;
	v2 =	vadd.s32 v1, v2;
	[tilespmem:s11+$0xFFFFFFF0] =	vst v4  }
0x1ec: {  	s12 =	smulhi.u32 $0x4EC4EC4F, s9;
	[tilespmem:s11+$0x0] =	vst v2  }
0x1ed: {  	v3 =	vld.idx.msk [tilespmem:v3+s2+$0x0], $0xffff  }
0x1ee: {  	s13 =	sshrl.u32 s12, $0x3  }
0x1ef: {  	s13 =	smul.u32 $0x4F58800, s13  }
0x1f0: {  	s12 =	simm.s32 $0x1202;
	s10 =	sadd.s32 $0x30D400, s14  }
0x1f1: {  	v2 =	vmov s12;
	s12 =	simm.s32 $0x1203;
	s13 =	ssub.s32 s10, s13  }
.LBB2_20:
0x1f2: {  	p0 =	sne.s32 s12, $0x13FF;
	v3 =	vadd.s32 s13, v3  }
0x1f3: {  	s11 =	sadd.s32 $0x20, s11;
	v4 =	vadd.s32 v0, v3;
	v3 =	vadd.s32 v1, v3  }
0x1f4: {  	[tilespmem:s11+$0xFFFFFFF0] =	vst v4  }
0x1f5: {  	s9 =	sadd.s32 $0x1, s9;
	[tilespmem:s11+$0x0] =	vst v3  }
0x1f6: {  	s13 =	smulhi.u32 $0x4EC4EC4F, s9;
	v3 =	vld.idx.msk [tilespmem:v2+s2+$0x0], $0xffff  }
.Ltmp9:
0x1f7: {  	(pc) =	sbr.rel @p0 .LBB2_20-.Ltmp9, $4  }
0x1f8: {  	s13 =	sshrl.u32 s13, $0x3  }
0x1f9: {  	s13 =	smul.u32 $0x4F58800, s13  }
0x1fa: {  	s10 =	sadd.s32 $0x30D400, s10  }
0x1fb: {  	v2 =	vmov s12;
	s12 =	sadd.s32 $0x1, s12;
	s13 =	ssub.s32 s10, s13  }
0x1fc: {  	v3 =	vadd.s32 s13, v3  }
0x1fd: {  	s11 =	sadd.s32 $0x20, s11;
	v4 =	vadd.s32 v0, v3  }
0x1fe: {  	s9 =	sadd.s32 $0x1, s9;
	v3 =	vadd.s32 v1, v3;
	[tilespmem:s11+$0xFFFFFFF0] =	vst v4  }
0x1ff: {  	s9 =	smulhi.u32 $0x4EC4EC4F, s9;
	[tilespmem:s11+$0x0] =	vst v3  }
0x200: {  	v2 =	vld.idx.msk [tilespmem:v2+s2+$0x0], $0xffff  }
0x201: {  	s9 =	sshrl.u32 s9, $0x3  }
0x202: {  	s9 =	smul.u32 $0x4F58800, s9  }
0x203: {  	s10 =	sadd.s32 $0x30D400, s10  }
0x204: {  	s9 =	ssub.s32 s10, s9  }
0x205: {  	v2 =	vadd.s32 s9, v2  }
0x206: {  	s13 =	sadd.s32 $0x20, s11;
	v3 =	vadd.s32 v0, v2  }
0x207: {  	v2 =	vadd.s32 v1, v2;
	[tilespmem:s13+$0xFFFFFFF0] =	vst v3  }
0x208: {  	[tilespmem:s13+$0x0] =	vst v2  }
0x209: {  	[tilespmem:s5], [sflag:$0x2] =	stream.indirect.gather [hbm4b:s3+s30], $0x1, s0, s30, $0xb8;
	[tilespmem:$0x13400] =	vst v63  }
0x20a: {  	_ =	swait.ge [sflag:s20], $0x4000  }
0x20b: {  	[sflag:s20] =	ssyncset.done $0x0  }
0x20c: {  	s14 =	simm.s32 $0x1400;
	s10 =	rddreg [dreg:$0xb];
	[sflag:s20] =	ssyncadd.s32 $0xFFFFC000  }
0x20d: {  	[hbm4b:s10+s2] =	stream.linear.scatter [tilespmem:s1], [sflag:$0x3], $0x4000, $0x38;
	[tilespmem:$0x13400] =	vst v63  }
0x20e: {  	v2 =	vmov s14;
	_ =	swait.ge [sflag:s4], $0x4000  }
0x20f: {  	s12 =	sld [smem:$0x7FA];
	_ =	sdelay $0x1  }
0x210: {  	[sflag:s4] =	ssyncset.done $0x0  }
0x211: {  	[sflag:s4] =	ssyncadd.s32 $0xFFFFC000;
	s11 =	smulhi.u32 $0x4EC4EC4F, s12  }
0x212: {  	s14 =	simm.s32 $0x1401;
	v2 =	vld.idx.msk [tilespmem:v2+s2+$0x0], $0xffff  }
0x213: {  	v3 =	vmov s14;
	s14 =	sld [smem:$0x7E0];
	s9 =	sshrl.u32 s11, $0x3  }
0x214: {  	s13 =	smul.u32 $0x4F58800, s9;
	_ =	sdelay $0x1  }
0x215: {  	s10 =	ssub.s32 s14, s13  }
0x216: {  	v2 =	vadd.s32 s10, v2  }
0x217: {  	s11 =	simm.s32 $0x3410;
	v4 =	vadd.s32 v0, v2  }
0x218: {  	s9 =	sadd.s32 $0x1, s12;
	v2 =	vadd.s32 v1, v2;
	[tilespmem:s11+$0xFFFFFFF0] =	vst v4  }
0x219: {  	s12 =	smulhi.u32 $0x4EC4EC4F, s9;
	[tilespmem:s11+$0x0] =	vst v2  }
0x21a: {  	v3 =	vld.idx.msk [tilespmem:v3+s2+$0x0], $0xffff  }
0x21b: {  	s13 =	sshrl.u32 s12, $0x3  }
0x21c: {  	s13 =	smul.u32 $0x4F58800, s13  }
0x21d: {  	s12 =	simm.s32 $0x1402;
	s10 =	sadd.s32 $0x30D400, s14  }
0x21e: {  	v2 =	vmov s12;
	s12 =	simm.s32 $0x1403;
	s13 =	ssub.s32 s10, s13  }
.LBB2_22:
0x21f: {  	p0 =	sne.s32 s12, $0x15FF;
	v3 =	vadd.s32 s13, v3  }
0x220: {  	s11 =	sadd.s32 $0x20, s11;
	v4 =	vadd.s32 v0, v3;
	v3 =	vadd.s32 v1, v3  }
0x221: {  	[tilespmem:s11+$0xFFFFFFF0] =	vst v4  }
0x222: {  	s9 =	sadd.s32 $0x1, s9;
	[tilespmem:s11+$0x0] =	vst v3  }
0x223: {  	s13 =	smulhi.u32 $0x4EC4EC4F, s9;
	v3 =	vld.idx.msk [tilespmem:v2+s2+$0x0], $0xffff  }
.Ltmp10:
0x224: {  	(pc) =	sbr.rel @p0 .LBB2_22-.Ltmp10, $4  }
0x225: {  	s13 =	sshrl.u32 s13, $0x3  }
0x226: {  	s13 =	smul.u32 $0x4F58800, s13  }
0x227: {  	s10 =	sadd.s32 $0x30D400, s10  }
0x228: {  	v2 =	vmov s12;
	s12 =	sadd.s32 $0x1, s12;
	s13 =	ssub.s32 s10, s13  }
0x229: {  	v3 =	vadd.s32 s13, v3  }
0x22a: {  	s11 =	sadd.s32 $0x20, s11;
	v4 =	vadd.s32 v0, v3  }
0x22b: {  	s9 =	sadd.s32 $0x1, s9;
	v3 =	vadd.s32 v1, v3;
	[tilespmem:s11+$0xFFFFFFF0] =	vst v4  }
0x22c: {  	s9 =	smulhi.u32 $0x4EC4EC4F, s9;
	[tilespmem:s11+$0x0] =	vst v3  }
0x22d: {  	v2 =	vld.idx.msk [tilespmem:v2+s2+$0x0], $0xffff  }
0x22e: {  	s9 =	sshrl.u32 s9, $0x3  }
0x22f: {  	s9 =	smul.u32 $0x4F58800, s9  }
0x230: {  	s10 =	sadd.s32 $0x30D400, s10  }
0x231: {  	s9 =	ssub.s32 s10, s9  }
0x232: {  	v2 =	vadd.s32 s9, v2  }
0x233: {  	s13 =	sadd.s32 $0x20, s11;
	v3 =	vadd.s32 v0, v2  }
0x234: {  	v2 =	vadd.s32 v1, v2;
	[tilespmem:s13+$0xFFFFFFF0] =	vst v3  }
0x235: {  	[tilespmem:s13+$0x0] =	vst v2  }
0x236: {  	[tilespmem:s1], [sflag:$0x1] =	stream.indirect.gather [hbm4b:s3+s30], $0x1, s31, s30, $0xb8;
	[tilespmem:$0x13400] =	vst v63  }
0x237: {  	_ =	swait.ge [sflag:s6], $0x4000  }
0x238: {  	[sflag:s6] =	ssyncset.done $0x0  }
0x239: {  	s14 =	simm.s32 $0x1600;
	s10 =	rddreg [dreg:$0xc];
	[sflag:s6] =	ssyncadd.s32 $0xFFFFC000  }
0x23a: {  	[hbm4b:s10+s2] =	stream.linear.scatter [tilespmem:s5], [sflag:$0x4], $0x4000, $0x38;
	[tilespmem:$0x13400] =	vst v63  }
0x23b: {  	v2 =	vmov s14;
	_ =	swait.ge [sflag:s7], $0x4000  }
0x23c: {  	s12 =	sld [smem:$0x7FB];
	_ =	sdelay $0x1  }
0x23d: {  	[sflag:s7] =	ssyncset.done $0x0  }
0x23e: {  	[sflag:s7] =	ssyncadd.s32 $0xFFFFC000;
	s11 =	smulhi.u32 $0x4EC4EC4F, s12  }
0x23f: {  	s14 =	simm.s32 $0x1601;
	v2 =	vld.idx.msk [tilespmem:v2+s2+$0x0], $0xffff  }
0x240: {  	v3 =	vmov s14;
	s14 =	sld [smem:$0x7E1];
	s9 =	sshrl.u32 s11, $0x3  }
0x241: {  	s13 =	smul.u32 $0x4F58800, s9;
	_ =	sdelay $0x1  }
0x242: {  	s10 =	ssub.s32 s14, s13  }
0x243: {  	v2 =	vadd.s32 s10, v2  }
0x244: {  	s11 =	simm.s32 $0x7410;
	v4 =	vadd.s32 v0, v2  }
0x245: {  	s9 =	sadd.s32 $0x1, s12;
	v2 =	vadd.s32 v1, v2;
	[tilespmem:s11+$0xFFFFFFF0] =	vst v4  }
0x246: {  	s12 =	smulhi.u32 $0x4EC4EC4F, s9;
	[tilespmem:s11+$0x0] =	vst v2  }
0x247: {  	v3 =	vld.idx.msk [tilespmem:v3+s2+$0x0], $0xffff  }
0x248: {  	s13 =	sshrl.u32 s12, $0x3  }
0x249: {  	s13 =	smul.u32 $0x4F58800, s13  }
0x24a: {  	s12 =	simm.s32 $0x1602;
	s10 =	sadd.s32 $0x30D400, s14  }
0x24b: {  	v2 =	vmov s12;
	s12 =	simm.s32 $0x1603;
	s13 =	ssub.s32 s10, s13  }
.LBB2_24:
0x24c: {  	p0 =	sne.s32 s12, $0x17FF;
	v3 =	vadd.s32 s13, v3  }
0x24d: {  	s11 =	sadd.s32 $0x20, s11;
	v4 =	vadd.s32 v0, v3;
	v3 =	vadd.s32 v1, v3  }
0x24e: {  	[tilespmem:s11+$0xFFFFFFF0] =	vst v4  }
0x24f: {  	s9 =	sadd.s32 $0x1, s9;
	[tilespmem:s11+$0x0] =	vst v3  }
0x250: {  	s13 =	smulhi.u32 $0x4EC4EC4F, s9;
	v3 =	vld.idx.msk [tilespmem:v2+s2+$0x0], $0xffff  }
.Ltmp11:
0x251: {  	(pc) =	sbr.rel @p0 .LBB2_24-.Ltmp11, $4  }
0x252: {  	s13 =	sshrl.u32 s13, $0x3  }
0x253: {  	s13 =	smul.u32 $0x4F58800, s13  }
0x254: {  	s10 =	sadd.s32 $0x30D400, s10  }
0x255: {  	v2 =	vmov s12;
	s12 =	sadd.s32 $0x1, s12;
	s13 =	ssub.s32 s10, s13  }
0x256: {  	v3 =	vadd.s32 s13, v3  }
0x257: {  	s11 =	sadd.s32 $0x20, s11;
	v4 =	vadd.s32 v0, v3  }
0x258: {  	s9 =	sadd.s32 $0x1, s9;
	v3 =	vadd.s32 v1, v3;
	[tilespmem:s11+$0xFFFFFFF0] =	vst v4  }
0x259: {  	s9 =	smulhi.u32 $0x4EC4EC4F, s9;
	[tilespmem:s11+$0x0] =	vst v3  }
0x25a: {  	v2 =	vld.idx.msk [tilespmem:v2+s2+$0x0], $0xffff  }
0x25b: {  	s9 =	sshrl.u32 s9, $0x3  }
0x25c: {  	s9 =	smul.u32 $0x4F58800, s9  }
0x25d: {  	s10 =	sadd.s32 $0x30D400, s10  }
0x25e: {  	s9 =	ssub.s32 s10, s9  }
0x25f: {  	v2 =	vadd.s32 s9, v2  }
0x260: {  	s13 =	sadd.s32 $0x20, s11;
	v3 =	vadd.s32 v0, v2  }
0x261: {  	v2 =	vadd.s32 v1, v2;
	[tilespmem:s13+$0xFFFFFFF0] =	vst v3  }
0x262: {  	[tilespmem:s13+$0x0] =	vst v2  }
0x263: {  	[tilespmem:s5], [sflag:$0x2] =	stream.indirect.gather [hbm4b:s3+s30], $0x1, s0, s30, $0xb8;
	[tilespmem:$0x13400] =	vst v63  }
0x264: {  	_ =	swait.ge [sflag:s20], $0x4000  }
0x265: {  	[sflag:s20] =	ssyncset.done $0x0  }
0x266: {  	s14 =	simm.s32 $0x1800;
	s10 =	rddreg [dreg:$0xd];
	[sflag:s20] =	ssyncadd.s32 $0xFFFFC000  }
0x267: {  	[hbm4b:s10+s2] =	stream.linear.scatter [tilespmem:s1], [sflag:$0x3], $0x4000, $0x38;
	[tilespmem:$0x13400] =	vst v63  }
0x268: {  	v2 =	vmov s14;
	_ =	swait.ge [sflag:s4], $0x4000  }
0x269: {  	s12 =	sld [smem:$0x7FC];
	_ =	sdelay $0x1  }
0x26a: {  	[sflag:s4] =	ssyncset.done $0x0  }
0x26b: {  	[sflag:s4] =	ssyncadd.s32 $0xFFFFC000;
	s11 =	smulhi.u32 $0x4EC4EC4F, s12  }
0x26c: {  	s14 =	simm.s32 $0x1801;
	v2 =	vld.idx.msk [tilespmem:v2+s2+$0x0], $0xffff  }
0x26d: {  	v3 =	vmov s14;
	s14 =	sld [smem:$0x7E2];
	s9 =	sshrl.u32 s11, $0x3  }
0x26e: {  	s13 =	smul.u32 $0x4F58800, s9;
	_ =	sdelay $0x1  }
0x26f: {  	s10 =	ssub.s32 s14, s13  }
0x270: {  	v2 =	vadd.s32 s10, v2  }
0x271: {  	s11 =	simm.s32 $0x3410;
	v4 =	vadd.s32 v0, v2  }
0x272: {  	s9 =	sadd.s32 $0x1, s12;
	v2 =	vadd.s32 v1, v2;
	[tilespmem:s11+$0xFFFFFFF0] =	vst v4  }
0x273: {  	s12 =	smulhi.u32 $0x4EC4EC4F, s9;
	[tilespmem:s11+$0x0] =	vst v2  }
0x274: {  	v3 =	vld.idx.msk [tilespmem:v3+s2+$0x0], $0xffff  }
0x275: {  	s13 =	sshrl.u32 s12, $0x3  }
0x276: {  	s13 =	smul.u32 $0x4F58800, s13  }
0x277: {  	s12 =	simm.s32 $0x1802;
	s10 =	sadd.s32 $0x30D400, s14  }
0x278: {  	v2 =	vmov s12;
	s12 =	simm.s32 $0x1803;
	s13 =	ssub.s32 s10, s13  }
.LBB2_26:
0x279: {  	p0 =	sne.s32 s12, $0x19FF;
	v3 =	vadd.s32 s13, v3  }
0x27a: {  	s11 =	sadd.s32 $0x20, s11;
	v4 =	vadd.s32 v0, v3;
	v3 =	vadd.s32 v1, v3  }
0x27b: {  	[tilespmem:s11+$0xFFFFFFF0] =	vst v4  }
0x27c: {  	s9 =	sadd.s32 $0x1, s9;
	[tilespmem:s11+$0x0] =	vst v3  }
0x27d: {  	s13 =	smulhi.u32 $0x4EC4EC4F, s9;
	v3 =	vld.idx.msk [tilespmem:v2+s2+$0x0], $0xffff  }
.Ltmp12:
0x27e: {  	(pc) =	sbr.rel @p0 .LBB2_26-.Ltmp12, $4  }
0x27f: {  	s13 =	sshrl.u32 s13, $0x3  }
0x280: {  	s13 =	smul.u32 $0x4F58800, s13  }
0x281: {  	s10 =	sadd.s32 $0x30D400, s10  }
0x282: {  	v2 =	vmov s12;
	s12 =	sadd.s32 $0x1, s12;
	s13 =	ssub.s32 s10, s13  }
0x283: {  	v3 =	vadd.s32 s13, v3  }
0x284: {  	s11 =	sadd.s32 $0x20, s11;
	v4 =	vadd.s32 v0, v3  }
0x285: {  	s9 =	sadd.s32 $0x1, s9;
	v3 =	vadd.s32 v1, v3;
	[tilespmem:s11+$0xFFFFFFF0] =	vst v4  }
0x286: {  	s9 =	smulhi.u32 $0x4EC4EC4F, s9;
	[tilespmem:s11+$0x0] =	vst v3  }
0x287: {  	v2 =	vld.idx.msk [tilespmem:v2+s2+$0x0], $0xffff  }
0x288: {  	s9 =	sshrl.u32 s9, $0x3  }
0x289: {  	s9 =	smul.u32 $0x4F58800, s9  }
0x28a: {  	s10 =	sadd.s32 $0x30D400, s10  }
0x28b: {  	s9 =	ssub.s32 s10, s9  }
0x28c: {  	v2 =	vadd.s32 s9, v2  }
0x28d: {  	s13 =	sadd.s32 $0x20, s11;
	v3 =	vadd.s32 v0, v2  }
0x28e: {  	v2 =	vadd.s32 v1, v2;
	[tilespmem:s13+$0xFFFFFFF0] =	vst v3  }
0x28f: {  	[tilespmem:s13+$0x0] =	vst v2  }
0x290: {  	[tilespmem:s1], [sflag:$0x1] =	stream.indirect.gather [hbm4b:s3+s30], $0x1, s31, s30, $0xb8;
	[tilespmem:$0x13400] =	vst v63  }
0x291: {  	_ =	swait.ge [sflag:s6], $0x4000  }
0x292: {  	[sflag:s6] =	ssyncset.done $0x0  }
0x293: {  	s14 =	simm.s32 $0x1A00;
	s10 =	rddreg [dreg:$0xe];
	[sflag:s6] =	ssyncadd.s32 $0xFFFFC000  }
0x294: {  	[hbm4b:s10+s2] =	stream.linear.scatter [tilespmem:s5], [sflag:$0x4], $0x4000, $0x38;
	[tilespmem:$0x13400] =	vst v63  }
0x295: {  	v2 =	vmov s14;
	_ =	swait.ge [sflag:s7], $0x4000  }
0x296: {  	s12 =	sld [smem:$0x7FD];
	_ =	sdelay $0x1  }
0x297: {  	[sflag:s7] =	ssyncset.done $0x0  }
0x298: {  	[sflag:s7] =	ssyncadd.s32 $0xFFFFC000;
	s11 =	smulhi.u32 $0x4EC4EC4F, s12  }
0x299: {  	s14 =	simm.s32 $0x1A01;
	v2 =	vld.idx.msk [tilespmem:v2+s2+$0x0], $0xffff  }
0x29a: {  	v3 =	vmov s14;
	s14 =	sld [smem:$0x7E3];
	s9 =	sshrl.u32 s11, $0x3  }
0x29b: {  	s13 =	smul.u32 $0x4F58800, s9;
	_ =	sdelay $0x1  }
0x29c: {  	s10 =	ssub.s32 s14, s13  }
0x29d: {  	v2 =	vadd.s32 s10, v2  }
0x29e: {  	s11 =	simm.s32 $0x7410;
	v4 =	vadd.s32 v0, v2  }
0x29f: {  	s9 =	sadd.s32 $0x1, s12;
	v2 =	vadd.s32 v1, v2;
	[tilespmem:s11+$0xFFFFFFF0] =	vst v4  }
0x2a0: {  	s12 =	smulhi.u32 $0x4EC4EC4F, s9;
	[tilespmem:s11+$0x0] =	vst v2  }
0x2a1: {  	v3 =	vld.idx.msk [tilespmem:v3+s2+$0x0], $0xffff  }
0x2a2: {  	s13 =	sshrl.u32 s12, $0x3  }
0x2a3: {  	s13 =	smul.u32 $0x4F58800, s13  }
0x2a4: {  	s12 =	simm.s32 $0x1A02;
	s10 =	sadd.s32 $0x30D400, s14  }
0x2a5: {  	v2 =	vmov s12;
	s12 =	simm.s32 $0x1A03;
	s13 =	ssub.s32 s10, s13  }
.LBB2_28:
0x2a6: {  	p0 =	sne.s32 s12, $0x1BFF;
	v3 =	vadd.s32 s13, v3  }
0x2a7: {  	s11 =	sadd.s32 $0x20, s11;
	v4 =	vadd.s32 v0, v3;
	v3 =	vadd.s32 v1, v3  }
0x2a8: {  	[tilespmem:s11+$0xFFFFFFF0] =	vst v4  }
0x2a9: {  	s9 =	sadd.s32 $0x1, s9;
	[tilespmem:s11+$0x0] =	vst v3  }
0x2aa: {  	s13 =	smulhi.u32 $0x4EC4EC4F, s9;
	v3 =	vld.idx.msk [tilespmem:v2+s2+$0x0], $0xffff  }
.Ltmp13:
0x2ab: {  	(pc) =	sbr.rel @p0 .LBB2_28-.Ltmp13, $4  }
0x2ac: {  	s13 =	sshrl.u32 s13, $0x3  }
0x2ad: {  	s13 =	smul.u32 $0x4F58800, s13  }
0x2ae: {  	s10 =	sadd.s32 $0x30D400, s10  }
0x2af: {  	v2 =	vmov s12;
	s12 =	sadd.s32 $0x1, s12;
	s13 =	ssub.s32 s10, s13  }
0x2b0: {  	v3 =	vadd.s32 s13, v3  }
0x2b1: {  	s11 =	sadd.s32 $0x20, s11;
	v4 =	vadd.s32 v0, v3  }
0x2b2: {  	s9 =	sadd.s32 $0x1, s9;
	v3 =	vadd.s32 v1, v3;
	[tilespmem:s11+$0xFFFFFFF0] =	vst v4  }
0x2b3: {  	s9 =	smulhi.u32 $0x4EC4EC4F, s9;
	[tilespmem:s11+$0x0] =	vst v3  }
0x2b4: {  	v2 =	vld.idx.msk [tilespmem:v2+s2+$0x0], $0xffff  }
0x2b5: {  	s9 =	sshrl.u32 s9, $0x3  }
0x2b6: {  	s9 =	smul.u32 $0x4F58800, s9  }
0x2b7: {  	s10 =	sadd.s32 $0x30D400, s10  }
0x2b8: {  	s9 =	ssub.s32 s10, s9  }
0x2b9: {  	v2 =	vadd.s32 s9, v2  }
0x2ba: {  	s14 =	sadd.s32 $0x20, s11;
	v3 =	vadd.s32 v0, v2  }
0x2bb: {  	v2 =	vadd.s32 v1, v2;
	[tilespmem:s14+$0xFFFFFFF0] =	vst v3  }
0x2bc: {  	[tilespmem:s14+$0x0] =	vst v2  }
0x2bd: {  	[tilespmem:s5], [sflag:$0x2] =	stream.indirect.gather [hbm4b:s3+s30], $0x1, s0, s30, $0xb8;
	[tilespmem:$0x13400] =	vst v63  }
0x2be: {  	_ =	swait.ge [sflag:s20], $0x4000  }
0x2bf: {  	s10 =	simm.s32 $0x1C00;
	[sflag:s20] =	ssyncset.done $0x0  }
0x2c0: {  	v2 =	vmov s10;
	s11 =	rddreg [dreg:$0xf];
	[sflag:s20] =	ssyncadd.s32 $0xFFFFC000  }
0x2c1: {  	[hbm4b:s11+s2] =	stream.linear.scatter [tilespmem:s1], [sflag:$0x3], $0x4000, $0x38;
	[tilespmem:$0x13400] =	vst v63  }
0x2c2: {  	_ =	swait.ge [sflag:s4], $0x4000  }
0x2c3: {  	[sflag:s4] =	ssyncset.done $0x0  }
0x2c4: {  	s12 =	smulhi.u32 $0x4EC4EC4F, s15;
	[sflag:s4] =	ssyncadd.s32 $0xFFFFC000  }
0x2c5: {  	v2 =	vld.idx.msk [tilespmem:v2+s2+$0x0], $0xffff  }
0x2c6: {  	s9 =	sshrl.u32 s12, $0x3;
	s14 =	sld [smem:$0x7E4]  }
0x2c7: {  	s13 =	smul.u32 $0x4F58800, s9  }
0x2c8: {  	s12 =	simm.s32 $0x1C01  }
0x2c9: {  	v3 =	vmov s12;
	s10 =	ssub.s32 s14, s13  }
0x2ca: {  	v2 =	vadd.s32 s10, v2  }
0x2cb: {  	s11 =	simm.s32 $0x3410;
	v4 =	vadd.s32 v0, v2  }
0x2cc: {  	s9 =	sadd.s32 $0x1, s15;
	v2 =	vadd.s32 v1, v2;
	[tilespmem:s11+$0xFFFFFFF0] =	vst v4  }
0x2cd: {  	s12 =	smulhi.u32 $0x4EC4EC4F, s9;
	[tilespmem:s11+$0x0] =	vst v2  }
0x2ce: {  	v3 =	vld.idx.msk [tilespmem:v3+s2+$0x0], $0xffff  }
0x2cf: {  	s13 =	sshrl.u32 s12, $0x3  }
0x2d0: {  	s13 =	smul.u32 $0x4F58800, s13  }
0x2d1: {  	s12 =	simm.s32 $0x1C02;
	s10 =	sadd.s32 $0x30D400, s14  }
0x2d2: {  	s13 =	ssub.s32 s10, s13;
	v2 =	vmov s12;
	s12 =	simm.s32 $0x1C03  }
.LBB2_30:
0x2d3: {  	p0 =	sne.s32 s12, $0x1DFF;
	v3 =	vadd.s32 s13, v3  }
0x2d4: {  	s11 =	sadd.s32 $0x20, s11;
	v4 =	vadd.s32 v0, v3;
	v3 =	vadd.s32 v1, v3  }
0x2d5: {  	[tilespmem:s11+$0xFFFFFFF0] =	vst v4  }
0x2d6: {  	s9 =	sadd.s32 $0x1, s9;
	[tilespmem:s11+$0x0] =	vst v3  }
0x2d7: {  	s13 =	smulhi.u32 $0x4EC4EC4F, s9;
	v3 =	vld.idx.msk [tilespmem:v2+s2+$0x0], $0xffff  }
.Ltmp14:
0x2d8: {  	(pc) =	sbr.rel @p0 .LBB2_30-.Ltmp14, $4  }
0x2d9: {  	s13 =	sshrl.u32 s13, $0x3  }
0x2da: {  	s13 =	smul.u32 $0x4F58800, s13  }
0x2db: {  	s10 =	sadd.s32 $0x30D400, s10  }
0x2dc: {  	v2 =	vmov s12;
	s12 =	sadd.s32 $0x1, s12;
	s13 =	ssub.s32 s10, s13  }
0x2dd: {  	v3 =	vadd.s32 s13, v3  }
0x2de: {  	s11 =	sadd.s32 $0x20, s11;
	v4 =	vadd.s32 v0, v3  }
0x2df: {  	s9 =	sadd.s32 $0x1, s9;
	v3 =	vadd.s32 v1, v3;
	[tilespmem:s11+$0xFFFFFFF0] =	vst v4  }
0x2e0: {  	s9 =	smulhi.u32 $0x4EC4EC4F, s9;
	[tilespmem:s11+$0x0] =	vst v3  }
0x2e1: {  	v2 =	vld.idx.msk [tilespmem:v2+s2+$0x0], $0xffff  }
0x2e2: {  	s9 =	sshrl.u32 s9, $0x3  }
0x2e3: {  	s9 =	smul.u32 $0x4F58800, s9  }
0x2e4: {  	s10 =	sadd.s32 $0x30D400, s10  }
0x2e5: {  	s9 =	ssub.s32 s10, s9  }
0x2e6: {  	v2 =	vadd.s32 s9, v2  }
0x2e7: {  	s14 =	sadd.s32 $0x20, s11;
	v3 =	vadd.s32 v0, v2  }
0x2e8: {  	v2 =	vadd.s32 v1, v2;
	[tilespmem:s14+$0xFFFFFFF0] =	vst v3  }
0x2e9: {  	[tilespmem:s14+$0x0] =	vst v2  }
0x2ea: {  	[tilespmem:s1], [sflag:$0x1] =	stream.indirect.gather [hbm4b:s3+s30], $0x1, s31, s30, $0xb8;
	[tilespmem:$0x13400] =	vst v63  }
0x2eb: {  	_ =	swait.ge [sflag:s6], $0x4000  }
0x2ec: {  	s10 =	simm.s32 $0x1E00;
	[sflag:s6] =	ssyncset.done $0x0  }
0x2ed: {  	v2 =	vmov s10;
	s11 =	rddreg [dreg:$0x10];
	[sflag:s6] =	ssyncadd.s32 $0xFFFFC000  }
0x2ee: {  	[hbm4b:s11+s2] =	stream.linear.scatter [tilespmem:s5], [sflag:$0x4], $0x4000, $0x38;
	[tilespmem:$0x13400] =	vst v63  }
0x2ef: {  	_ =	swait.ge [sflag:s7], $0x4000  }
0x2f0: {  	[sflag:s7] =	ssyncset.done $0x0  }
0x2f1: {  	s12 =	smulhi.u32 $0x4EC4EC4F, s16;
	[sflag:s7] =	ssyncadd.s32 $0xFFFFC000  }
0x2f2: {  	v2 =	vld.idx.msk [tilespmem:v2+s2+$0x0], $0xffff  }
0x2f3: {  	s9 =	sshrl.u32 s12, $0x3;
	s14 =	sld [smem:$0x7E5]  }
0x2f4: {  	s13 =	smul.u32 $0x4F58800, s9  }
0x2f5: {  	s12 =	simm.s32 $0x1E01  }
0x2f6: {  	v3 =	vmov s12;
	s10 =	ssub.s32 s14, s13  }
0x2f7: {  	v2 =	vadd.s32 s10, v2  }
0x2f8: {  	s11 =	simm.s32 $0x7410;
	v4 =	vadd.s32 v0, v2  }
0x2f9: {  	s9 =	sadd.s32 $0x1, s16;
	v2 =	vadd.s32 v1, v2;
	[tilespmem:s11+$0xFFFFFFF0] =	vst v4  }
0x2fa: {  	s12 =	smulhi.u32 $0x4EC4EC4F, s9;
	[tilespmem:s11+$0x0] =	vst v2  }
0x2fb: {  	v3 =	vld.idx.msk [tilespmem:v3+s2+$0x0], $0xffff  }
0x2fc: {  	s13 =	sshrl.u32 s12, $0x3  }
0x2fd: {  	s13 =	smul.u32 $0x4F58800, s13  }
0x2fe: {  	s12 =	simm.s32 $0x1E02;
	s10 =	sadd.s32 $0x30D400, s14  }
0x2ff: {  	s13 =	ssub.s32 s10, s13;
	v2 =	vmov s12;
	s12 =	simm.s32 $0x1E03  }
.LBB2_32:
0x300: {  	p0 =	sne.s32 s12, $0x1FFF;
	v3 =	vadd.s32 s13, v3  }
0x301: {  	s11 =	sadd.s32 $0x20, s11;
	v4 =	vadd.s32 v0, v3;
	v3 =	vadd.s32 v1, v3  }
0x302: {  	[tilespmem:s11+$0xFFFFFFF0] =	vst v4  }
0x303: {  	s9 =	sadd.s32 $0x1, s9;
	[tilespmem:s11+$0x0] =	vst v3  }
0x304: {  	s13 =	smulhi.u32 $0x4EC4EC4F, s9;
	v3 =	vld.idx.msk [tilespmem:v2+s2+$0x0], $0xffff  }
.Ltmp15:
0x305: {  	(pc) =	sbr.rel @p0 .LBB2_32-.Ltmp15, $4  }
0x306: {  	s13 =	sshrl.u32 s13, $0x3  }
0x307: {  	s13 =	smul.u32 $0x4F58800, s13  }
0x308: {  	s10 =	sadd.s32 $0x30D400, s10  }
0x309: {  	v2 =	vmov s12;
	s12 =	sadd.s32 $0x1, s12;
	s13 =	ssub.s32 s10, s13  }
0x30a: {  	v3 =	vadd.s32 s13, v3  }
0x30b: {  	s11 =	sadd.s32 $0x20, s11;
	v4 =	vadd.s32 v0, v3  }
0x30c: {  	s9 =	sadd.s32 $0x1, s9;
	v3 =	vadd.s32 v1, v3;
	[tilespmem:s11+$0xFFFFFFF0] =	vst v4  }
0x30d: {  	s9 =	smulhi.u32 $0x4EC4EC4F, s9;
	[tilespmem:s11+$0x0] =	vst v3  }
0x30e: {  	v2 =	vld.idx.msk [tilespmem:v2+s2+$0x0], $0xffff  }
0x30f: {  	s9 =	sshrl.u32 s9, $0x3  }
0x310: {  	s9 =	smul.u32 $0x4F58800, s9  }
0x311: {  	s10 =	sadd.s32 $0x30D400, s10  }
0x312: {  	s9 =	ssub.s32 s10, s9  }
0x313: {  	v2 =	vadd.s32 s9, v2  }
0x314: {  	s14 =	sadd.s32 $0x20, s11;
	v3 =	vadd.s32 v0, v2  }
0x315: {  	v2 =	vadd.s32 v1, v2;
	[tilespmem:s14+$0xFFFFFFF0] =	vst v3  }
0x316: {  	[tilespmem:s14+$0x0] =	vst v2  }
0x317: {  	[tilespmem:s5], [sflag:$0x2] =	stream.indirect.gather [hbm4b:s3+s30], $0x1, s0, s30, $0xb8;
	[tilespmem:$0x13400] =	vst v63  }
0x318: {  	_ =	swait.ge [sflag:s20], $0x4000  }
0x319: {  	s10 =	simm.s32 $0x2000;
	[sflag:s20] =	ssyncset.done $0x0  }
0x31a: {  	v2 =	vmov s10;
	s11 =	rddreg [dreg:$0x11];
	[sflag:s20] =	ssyncadd.s32 $0xFFFFC000  }
0x31b: {  	[hbm4b:s11+s2] =	stream.linear.scatter [tilespmem:s1], [sflag:$0x3], $0x4000, $0x38;
	[tilespmem:$0x13400] =	vst v63  }
0x31c: {  	_ =	swait.ge [sflag:s4], $0x4000  }
0x31d: {  	[sflag:s4] =	ssyncset.done $0x0  }
0x31e: {  	s12 =	smulhi.u32 $0x4EC4EC4F, s17;
	[sflag:s4] =	ssyncadd.s32 $0xFFFFC000  }
0x31f: {  	v2 =	vld.idx.msk [tilespmem:v2+s2+$0x0], $0xffff  }
0x320: {  	s9 =	sshrl.u32 s12, $0x3;
	s14 =	sld [smem:$0x7E6]  }
0x321: {  	s13 =	smul.u32 $0x4F58800, s9  }
0x322: {  	s12 =	simm.s32 $0x2001  }
0x323: {  	v3 =	vmov s12;
	s10 =	ssub.s32 s14, s13  }
0x324: {  	v2 =	vadd.s32 s10, v2  }
0x325: {  	s11 =	simm.s32 $0x3410;
	v4 =	vadd.s32 v0, v2  }
0x326: {  	s9 =	sadd.s32 $0x1, s17;
	v2 =	vadd.s32 v1, v2;
	[tilespmem:s11+$0xFFFFFFF0] =	vst v4  }
0x327: {  	s12 =	smulhi.u32 $0x4EC4EC4F, s9;
	[tilespmem:s11+$0x0] =	vst v2  }
0x328: {  	v3 =	vld.idx.msk [tilespmem:v3+s2+$0x0], $0xffff  }
0x329: {  	s13 =	sshrl.u32 s12, $0x3  }
0x32a: {  	s13 =	smul.u32 $0x4F58800, s13  }
0x32b: {  	s12 =	simm.s32 $0x2002;
	s10 =	sadd.s32 $0x30D400, s14  }
0x32c: {  	s13 =	ssub.s32 s10, s13;
	v2 =	vmov s12;
	s12 =	simm.s32 $0x2003  }
.LBB2_34:
0x32d: {  	p0 =	sne.s32 s12, $0x21FF;
	v3 =	vadd.s32 s13, v3  }
0x32e: {  	s11 =	sadd.s32 $0x20, s11;
	v4 =	vadd.s32 v0, v3;
	v3 =	vadd.s32 v1, v3  }
0x32f: {  	[tilespmem:s11+$0xFFFFFFF0] =	vst v4  }
0x330: {  	s9 =	sadd.s32 $0x1, s9;
	[tilespmem:s11+$0x0] =	vst v3  }
0x331: {  	s13 =	smulhi.u32 $0x4EC4EC4F, s9;
	v3 =	vld.idx.msk [tilespmem:v2+s2+$0x0], $0xffff  }
.Ltmp16:
0x332: {  	(pc) =	sbr.rel @p0 .LBB2_34-.Ltmp16, $4  }
0x333: {  	s13 =	sshrl.u32 s13, $0x3  }
0x334: {  	s13 =	smul.u32 $0x4F58800, s13  }
0x335: {  	s10 =	sadd.s32 $0x30D400, s10  }
0x336: {  	v2 =	vmov s12;
	s12 =	sadd.s32 $0x1, s12;
	s13 =	ssub.s32 s10, s13  }
0x337: {  	v3 =	vadd.s32 s13, v3  }
0x338: {  	s11 =	sadd.s32 $0x20, s11;
	v4 =	vadd.s32 v0, v3  }
0x339: {  	s9 =	sadd.s32 $0x1, s9;
	v3 =	vadd.s32 v1, v3;
	[tilespmem:s11+$0xFFFFFFF0] =	vst v4  }
0x33a: {  	s9 =	smulhi.u32 $0x4EC4EC4F, s9;
	[tilespmem:s11+$0x0] =	vst v3  }
0x33b: {  	v2 =	vld.idx.msk [tilespmem:v2+s2+$0x0], $0xffff  }
0x33c: {  	s9 =	sshrl.u32 s9, $0x3  }
0x33d: {  	s9 =	smul.u32 $0x4F58800, s9  }
0x33e: {  	s10 =	sadd.s32 $0x30D400, s10  }
0x33f: {  	s9 =	ssub.s32 s10, s9  }
0x340: {  	v2 =	vadd.s32 s9, v2  }
0x341: {  	s14 =	sadd.s32 $0x20, s11;
	v3 =	vadd.s32 v0, v2  }
0x342: {  	v2 =	vadd.s32 v1, v2;
	[tilespmem:s14+$0xFFFFFFF0] =	vst v3  }
0x343: {  	[tilespmem:s14+$0x0] =	vst v2  }
0x344: {  	[tilespmem:s1], [sflag:$0x1] =	stream.indirect.gather [hbm4b:s3+s30], $0x1, s31, s30, $0xb8;
	[tilespmem:$0x13400] =	vst v63  }
0x345: {  	_ =	swait.ge [sflag:s6], $0x4000  }
0x346: {  	s10 =	simm.s32 $0x2200;
	[sflag:s6] =	ssyncset.done $0x0  }
0x347: {  	v2 =	vmov s10;
	s11 =	rddreg [dreg:$0x12];
	[sflag:s6] =	ssyncadd.s32 $0xFFFFC000  }
0x348: {  	[hbm4b:s11+s2] =	stream.linear.scatter [tilespmem:s5], [sflag:$0x4], $0x4000, $0x38;
	[tilespmem:$0x13400] =	vst v63  }
0x349: {  	_ =	swait.ge [sflag:s7], $0x4000  }
0x34a: {  	[sflag:s7] =	ssyncset.done $0x0  }
0x34b: {  	s12 =	smulhi.u32 $0x4EC4EC4F, s18;
	[sflag:s7] =	ssyncadd.s32 $0xFFFFC000  }
0x34c: {  	v2 =	vld.idx.msk [tilespmem:v2+s2+$0x0], $0xffff  }
0x34d: {  	s9 =	sshrl.u32 s12, $0x3;
	s14 =	sld [smem:$0x7E7]  }
0x34e: {  	s13 =	smul.u32 $0x4F58800, s9  }
0x34f: {  	s12 =	simm.s32 $0x2201  }
0x350: {  	v3 =	vmov s12;
	s10 =	ssub.s32 s14, s13  }
0x351: {  	v2 =	vadd.s32 s10, v2  }
0x352: {  	s11 =	simm.s32 $0x7410;
	v4 =	vadd.s32 v0, v2  }
0x353: {  	s9 =	sadd.s32 $0x1, s18;
	v2 =	vadd.s32 v1, v2;
	[tilespmem:s11+$0xFFFFFFF0] =	vst v4  }
0x354: {  	s12 =	smulhi.u32 $0x4EC4EC4F, s9;
	[tilespmem:s11+$0x0] =	vst v2  }
0x355: {  	v3 =	vld.idx.msk [tilespmem:v3+s2+$0x0], $0xffff  }
0x356: {  	s13 =	sshrl.u32 s12, $0x3  }
0x357: {  	s13 =	smul.u32 $0x4F58800, s13  }
0x358: {  	s12 =	simm.s32 $0x2202;
	s10 =	sadd.s32 $0x30D400, s14  }
0x359: {  	s13 =	ssub.s32 s10, s13;
	v2 =	vmov s12;
	s12 =	simm.s32 $0x2203  }
.LBB2_36:
0x35a: {  	p0 =	sne.s32 s12, $0x23FF;
	v3 =	vadd.s32 s13, v3  }
0x35b: {  	s11 =	sadd.s32 $0x20, s11;
	v4 =	vadd.s32 v0, v3;
	v3 =	vadd.s32 v1, v3  }
0x35c: {  	[tilespmem:s11+$0xFFFFFFF0] =	vst v4  }
0x35d: {  	s9 =	sadd.s32 $0x1, s9;
	[tilespmem:s11+$0x0] =	vst v3  }
0x35e: {  	s13 =	smulhi.u32 $0x4EC4EC4F, s9;
	v3 =	vld.idx.msk [tilespmem:v2+s2+$0x0], $0xffff  }
.Ltmp17:
0x35f: {  	(pc) =	sbr.rel @p0 .LBB2_36-.Ltmp17, $4  }
0x360: {  	s13 =	sshrl.u32 s13, $0x3  }
0x361: {  	s13 =	smul.u32 $0x4F58800, s13  }
0x362: {  	s10 =	sadd.s32 $0x30D400, s10  }
0x363: {  	v2 =	vmov s12;
	s12 =	sadd.s32 $0x1, s12;
	s13 =	ssub.s32 s10, s13  }
0x364: {  	v3 =	vadd.s32 s13, v3  }
0x365: {  	s11 =	sadd.s32 $0x20, s11;
	v4 =	vadd.s32 v0, v3  }
0x366: {  	s9 =	sadd.s32 $0x1, s9;
	v3 =	vadd.s32 v1, v3;
	[tilespmem:s11+$0xFFFFFFF0] =	vst v4  }
0x367: {  	s9 =	smulhi.u32 $0x4EC4EC4F, s9;
	[tilespmem:s11+$0x0] =	vst v3  }
0x368: {  	v2 =	vld.idx.msk [tilespmem:v2+s2+$0x0], $0xffff  }
0x369: {  	s9 =	sshrl.u32 s9, $0x3  }
0x36a: {  	s9 =	smul.u32 $0x4F58800, s9  }
0x36b: {  	s10 =	sadd.s32 $0x30D400, s10  }
0x36c: {  	s9 =	ssub.s32 s10, s9  }
0x36d: {  	v2 =	vadd.s32 s9, v2  }
0x36e: {  	s14 =	sadd.s32 $0x20, s11;
	v3 =	vadd.s32 v0, v2  }
0x36f: {  	v2 =	vadd.s32 v1, v2;
	[tilespmem:s14+$0xFFFFFFF0] =	vst v3  }
0x370: {  	[tilespmem:s14+$0x0] =	vst v2  }
0x371: {  	[tilespmem:s5], [sflag:$0x2] =	stream.indirect.gather [hbm4b:s3+s30], $0x1, s0, s30, $0xb8;
	[tilespmem:$0x13400] =	vst v63  }
0x372: {  	_ =	swait.ge [sflag:s20], $0x4000  }
0x373: {  	s10 =	simm.s32 $0x2400;
	[sflag:s20] =	ssyncset.done $0x0  }
0x374: {  	v2 =	vmov s10;
	s11 =	rddreg [dreg:$0x14];
	[sflag:s20] =	ssyncadd.s32 $0xFFFFC000  }
0x375: {  	[hbm4b:s11+s2] =	stream.linear.scatter [tilespmem:s1], [sflag:$0x3], $0x4000, $0x38;
	[tilespmem:$0x13400] =	vst v63  }
0x376: {  	_ =	swait.ge [sflag:s4], $0x4000  }
0x377: {  	[sflag:s4] =	ssyncset.done $0x0  }
0x378: {  	s12 =	smulhi.u32 $0x4EC4EC4F, s19;
	[sflag:s4] =	ssyncadd.s32 $0xFFFFC000  }
0x379: {  	v2 =	vld.idx.msk [tilespmem:v2+s2+$0x0], $0xffff  }
0x37a: {  	s9 =	sshrl.u32 s12, $0x3;
	s14 =	sld [smem:$0x7E8]  }
0x37b: {  	s13 =	smul.u32 $0x4F58800, s9  }
0x37c: {  	s12 =	simm.s32 $0x2401  }
0x37d: {  	v3 =	vmov s12;
	s10 =	ssub.s32 s14, s13  }
0x37e: {  	v2 =	vadd.s32 s10, v2  }
0x37f: {  	s11 =	simm.s32 $0x3410;
	v4 =	vadd.s32 v0, v2  }
0x380: {  	s9 =	sadd.s32 $0x1, s19;
	v2 =	vadd.s32 v1, v2;
	[tilespmem:s11+$0xFFFFFFF0] =	vst v4  }
0x381: {  	s12 =	smulhi.u32 $0x4EC4EC4F, s9;
	[tilespmem:s11+$0x0] =	vst v2  }
0x382: {  	v3 =	vld.idx.msk [tilespmem:v3+s2+$0x0], $0xffff  }
0x383: {  	s13 =	sshrl.u32 s12, $0x3  }
0x384: {  	s13 =	smul.u32 $0x4F58800, s13  }
0x385: {  	s12 =	simm.s32 $0x2402;
	s10 =	sadd.s32 $0x30D400, s14  }
0x386: {  	s13 =	ssub.s32 s10, s13;
	v2 =	vmov s12;
	s12 =	simm.s32 $0x2403  }
.LBB2_38:
0x387: {  	p0 =	sne.s32 s12, $0x25FF;
	v3 =	vadd.s32 s13, v3  }
0x388: {  	s11 =	sadd.s32 $0x20, s11;
	v4 =	vadd.s32 v0, v3;
	v3 =	vadd.s32 v1, v3  }
0x389: {  	[tilespmem:s11+$0xFFFFFFF0] =	vst v4  }
0x38a: {  	s9 =	sadd.s32 $0x1, s9;
	[tilespmem:s11+$0x0] =	vst v3  }
0x38b: {  	s13 =	smulhi.u32 $0x4EC4EC4F, s9;
	v3 =	vld.idx.msk [tilespmem:v2+s2+$0x0], $0xffff  }
.Ltmp18:
0x38c: {  	(pc) =	sbr.rel @p0 .LBB2_38-.Ltmp18, $4  }
0x38d: {  	s13 =	sshrl.u32 s13, $0x3  }
0x38e: {  	s13 =	smul.u32 $0x4F58800, s13  }
0x38f: {  	s10 =	sadd.s32 $0x30D400, s10  }
0x390: {  	v2 =	vmov s12;
	s12 =	sadd.s32 $0x1, s12;
	s13 =	ssub.s32 s10, s13  }
0x391: {  	v3 =	vadd.s32 s13, v3  }
0x392: {  	s11 =	sadd.s32 $0x20, s11;
	v4 =	vadd.s32 v0, v3  }
0x393: {  	s9 =	sadd.s32 $0x1, s9;
	v3 =	vadd.s32 v1, v3;
	[tilespmem:s11+$0xFFFFFFF0] =	vst v4  }
0x394: {  	s9 =	smulhi.u32 $0x4EC4EC4F, s9;
	[tilespmem:s11+$0x0] =	vst v3  }
0x395: {  	v2 =	vld.idx.msk [tilespmem:v2+s2+$0x0], $0xffff  }
0x396: {  	s9 =	sshrl.u32 s9, $0x3  }
0x397: {  	s9 =	smul.u32 $0x4F58800, s9  }
0x398: {  	s10 =	sadd.s32 $0x30D400, s10  }
0x399: {  	s9 =	ssub.s32 s10, s9  }
0x39a: {  	v2 =	vadd.s32 s9, v2  }
0x39b: {  	s14 =	sadd.s32 $0x20, s11;
	v3 =	vadd.s32 v0, v2  }
0x39c: {  	v2 =	vadd.s32 v1, v2;
	[tilespmem:s14+$0xFFFFFFF0] =	vst v3  }
0x39d: {  	[tilespmem:s14+$0x0] =	vst v2  }
0x39e: {  	[tilespmem:s1], [sflag:$0x1] =	stream.indirect.gather [hbm4b:s3+s30], $0x1, s31, s30, $0xb8;
	[tilespmem:$0x13400] =	vst v63  }
0x39f: {  	_ =	swait.ge [sflag:s6], $0x4000  }
0x3a0: {  	s10 =	simm.s32 $0x2600;
	[sflag:s6] =	ssyncset.done $0x0  }
0x3a1: {  	v2 =	vmov s10;
	s11 =	rddreg [dreg:$0x15];
	[sflag:s6] =	ssyncadd.s32 $0xFFFFC000  }
0x3a2: {  	[hbm4b:s11+s2] =	stream.linear.scatter [tilespmem:s5], [sflag:$0x4], $0x4000, $0x38;
	[tilespmem:$0x13400] =	vst v63  }
0x3a3: {  	_ =	swait.ge [sflag:s7], $0x4000  }
0x3a4: {  	[sflag:s7] =	ssyncset.done $0x0  }
0x3a5: {  	s12 =	smulhi.u32 $0x4EC4EC4F, s21;
	[sflag:s7] =	ssyncadd.s32 $0xFFFFC000  }
0x3a6: {  	v2 =	vld.idx.msk [tilespmem:v2+s2+$0x0], $0xffff  }
0x3a7: {  	s9 =	sshrl.u32 s12, $0x3;
	s14 =	sld [smem:$0x7E9]  }
0x3a8: {  	s13 =	smul.u32 $0x4F58800, s9  }
0x3a9: {  	s12 =	simm.s32 $0x2601  }
0x3aa: {  	v3 =	vmov s12;
	s10 =	ssub.s32 s14, s13  }
0x3ab: {  	v2 =	vadd.s32 s10, v2  }
0x3ac: {  	s11 =	simm.s32 $0x7410;
	v4 =	vadd.s32 v0, v2  }
0x3ad: {  	s9 =	sadd.s32 $0x1, s21;
	v2 =	vadd.s32 v1, v2;
	[tilespmem:s11+$0xFFFFFFF0] =	vst v4  }
0x3ae: {  	s12 =	smulhi.u32 $0x4EC4EC4F, s9;
	[tilespmem:s11+$0x0] =	vst v2  }
0x3af: {  	v3 =	vld.idx.msk [tilespmem:v3+s2+$0x0], $0xffff  }
0x3b0: {  	s13 =	sshrl.u32 s12, $0x3  }
0x3b1: {  	s13 =	smul.u32 $0x4F58800, s13  }
0x3b2: {  	s12 =	simm.s32 $0x2602;
	s10 =	sadd.s32 $0x30D400, s14  }
0x3b3: {  	s13 =	ssub.s32 s10, s13;
	v2 =	vmov s12;
	s12 =	simm.s32 $0x2603  }
.LBB2_40:
0x3b4: {  	p0 =	sne.s32 s12, $0x27FF;
	v3 =	vadd.s32 s13, v3  }
0x3b5: {  	s11 =	sadd.s32 $0x20, s11;
	v4 =	vadd.s32 v0, v3;
	v3 =	vadd.s32 v1, v3  }
0x3b6: {  	[tilespmem:s11+$0xFFFFFFF0] =	vst v4  }
0x3b7: {  	s9 =	sadd.s32 $0x1, s9;
	[tilespmem:s11+$0x0] =	vst v3  }
0x3b8: {  	s13 =	smulhi.u32 $0x4EC4EC4F, s9;
	v3 =	vld.idx.msk [tilespmem:v2+s2+$0x0], $0xffff  }
.Ltmp19:
0x3b9: {  	(pc) =	sbr.rel @p0 .LBB2_40-.Ltmp19, $4  }
0x3ba: {  	s13 =	sshrl.u32 s13, $0x3  }
0x3bb: {  	s13 =	smul.u32 $0x4F58800, s13  }
0x3bc: {  	s10 =	sadd.s32 $0x30D400, s10  }
0x3bd: {  	v2 =	vmov s12;
	s12 =	sadd.s32 $0x1, s12;
	s13 =	ssub.s32 s10, s13  }
0x3be: {  	v3 =	vadd.s32 s13, v3  }
0x3bf: {  	s11 =	sadd.s32 $0x20, s11;
	v4 =	vadd.s32 v0, v3  }
0x3c0: {  	s9 =	sadd.s32 $0x1, s9;
	v3 =	vadd.s32 v1, v3;
	[tilespmem:s11+$0xFFFFFFF0] =	vst v4  }
0x3c1: {  	s9 =	smulhi.u32 $0x4EC4EC4F, s9;
	[tilespmem:s11+$0x0] =	vst v3  }
0x3c2: {  	v2 =	vld.idx.msk [tilespmem:v2+s2+$0x0], $0xffff  }
0x3c3: {  	s9 =	sshrl.u32 s9, $0x3  }
0x3c4: {  	s9 =	smul.u32 $0x4F58800, s9  }
0x3c5: {  	s10 =	sadd.s32 $0x30D400, s10  }
0x3c6: {  	s9 =	ssub.s32 s10, s9  }
0x3c7: {  	v2 =	vadd.s32 s9, v2  }
0x3c8: {  	s14 =	sadd.s32 $0x20, s11;
	v3 =	vadd.s32 v0, v2  }
0x3c9: {  	v2 =	vadd.s32 v1, v2;
	[tilespmem:s14+$0xFFFFFFF0] =	vst v3  }
0x3ca: {  	[tilespmem:s14+$0x0] =	vst v2  }
0x3cb: {  	[tilespmem:s5], [sflag:$0x2] =	stream.indirect.gather [hbm4b:s3+s30], $0x1, s0, s30, $0xb8;
	[tilespmem:$0x13400] =	vst v63  }
0x3cc: {  	_ =	swait.ge [sflag:s20], $0x4000  }
0x3cd: {  	s10 =	simm.s32 $0x2800;
	[sflag:s20] =	ssyncset.done $0x0  }
0x3ce: {  	v2 =	vmov s10;
	s11 =	rddreg [dreg:$0x16];
	[sflag:s20] =	ssyncadd.s32 $0xFFFFC000  }
0x3cf: {  	[hbm4b:s11+s2] =	stream.linear.scatter [tilespmem:s1], [sflag:$0x3], $0x4000, $0x38;
	[tilespmem:$0x13400] =	vst v63  }
0x3d0: {  	_ =	swait.ge [sflag:s4], $0x4000  }
0x3d1: {  	[sflag:s4] =	ssyncset.done $0x0  }
0x3d2: {  	s12 =	smulhi.u32 $0x4EC4EC4F, s23;
	[sflag:s4] =	ssyncadd.s32 $0xFFFFC000  }
0x3d3: {  	v2 =	vld.idx.msk [tilespmem:v2+s2+$0x0], $0xffff  }
0x3d4: {  	s9 =	sshrl.u32 s12, $0x3;
	s14 =	sld [smem:$0x7EA]  }
0x3d5: {  	s13 =	smul.u32 $0x4F58800, s9  }
0x3d6: {  	s12 =	simm.s32 $0x2801  }
0x3d7: {  	v3 =	vmov s12;
	s10 =	ssub.s32 s14, s13  }
0x3d8: {  	v2 =	vadd.s32 s10, v2  }
0x3d9: {  	s11 =	simm.s32 $0x3410;
	v4 =	vadd.s32 v0, v2  }
0x3da: {  	s9 =	sadd.s32 $0x1, s23;
	v2 =	vadd.s32 v1, v2;
	[tilespmem:s11+$0xFFFFFFF0] =	vst v4  }
0x3db: {  	s12 =	smulhi.u32 $0x4EC4EC4F, s9;
	[tilespmem:s11+$0x0] =	vst v2  }
0x3dc: {  	v3 =	vld.idx.msk [tilespmem:v3+s2+$0x0], $0xffff  }
0x3dd: {  	s13 =	sshrl.u32 s12, $0x3  }
0x3de: {  	s13 =	smul.u32 $0x4F58800, s13  }
0x3df: {  	s12 =	simm.s32 $0x2802;
	s10 =	sadd.s32 $0x30D400, s14  }
0x3e0: {  	s13 =	ssub.s32 s10, s13;
	v2 =	vmov s12;
	s12 =	simm.s32 $0x2803  }
.LBB2_42:
0x3e1: {  	p0 =	sne.s32 s12, $0x29FF;
	v3 =	vadd.s32 s13, v3  }
0x3e2: {  	s11 =	sadd.s32 $0x20, s11;
	v4 =	vadd.s32 v0, v3;
	v3 =	vadd.s32 v1, v3  }
0x3e3: {  	[tilespmem:s11+$0xFFFFFFF0] =	vst v4  }
0x3e4: {  	s9 =	sadd.s32 $0x1, s9;
	[tilespmem:s11+$0x0] =	vst v3  }
0x3e5: {  	s13 =	smulhi.u32 $0x4EC4EC4F, s9;
	v3 =	vld.idx.msk [tilespmem:v2+s2+$0x0], $0xffff  }
.Ltmp20:
0x3e6: {  	(pc) =	sbr.rel @p0 .LBB2_42-.Ltmp20, $4  }
0x3e7: {  	s13 =	sshrl.u32 s13, $0x3  }
0x3e8: {  	s13 =	smul.u32 $0x4F58800, s13  }
0x3e9: {  	s10 =	sadd.s32 $0x30D400, s10  }
0x3ea: {  	v2 =	vmov s12;
	s12 =	sadd.s32 $0x1, s12;
	s13 =	ssub.s32 s10, s13  }
0x3eb: {  	v3 =	vadd.s32 s13, v3  }
0x3ec: {  	s11 =	sadd.s32 $0x20, s11;
	v4 =	vadd.s32 v0, v3  }
0x3ed: {  	s9 =	sadd.s32 $0x1, s9;
	v3 =	vadd.s32 v1, v3;
	[tilespmem:s11+$0xFFFFFFF0] =	vst v4  }
0x3ee: {  	s9 =	smulhi.u32 $0x4EC4EC4F, s9;
	[tilespmem:s11+$0x0] =	vst v3  }
0x3ef: {  	v2 =	vld.idx.msk [tilespmem:v2+s2+$0x0], $0xffff  }
0x3f0: {  	s9 =	sshrl.u32 s9, $0x3  }
0x3f1: {  	s9 =	smul.u32 $0x4F58800, s9  }
0x3f2: {  	s10 =	sadd.s32 $0x30D400, s10  }
0x3f3: {  	s9 =	ssub.s32 s10, s9  }
0x3f4: {  	v2 =	vadd.s32 s9, v2  }
0x3f5: {  	s14 =	sadd.s32 $0x20, s11;
	v3 =	vadd.s32 v0, v2  }
0x3f6: {  	v2 =	vadd.s32 v1, v2;
	[tilespmem:s14+$0xFFFFFFF0] =	vst v3  }
0x3f7: {  	[tilespmem:s14+$0x0] =	vst v2  }
0x3f8: {  	[tilespmem:s1], [sflag:$0x1] =	stream.indirect.gather [hbm4b:s3+s30], $0x1, s31, s30, $0xb8;
	[tilespmem:$0x13400] =	vst v63  }
0x3f9: {  	_ =	swait.ge [sflag:s6], $0x4000  }
0x3fa: {  	s10 =	simm.s32 $0x2A00;
	[sflag:s6] =	ssyncset.done $0x0  }
0x3fb: {  	v2 =	vmov s10;
	s11 =	rddreg [dreg:$0x17];
	[sflag:s6] =	ssyncadd.s32 $0xFFFFC000  }
0x3fc: {  	[hbm4b:s11+s2] =	stream.linear.scatter [tilespmem:s5], [sflag:$0x4], $0x4000, $0x38;
	[tilespmem:$0x13400] =	vst v63  }
0x3fd: {  	_ =	swait.ge [sflag:s7], $0x4000  }
0x3fe: {  	[sflag:s7] =	ssyncset.done $0x0  }
0x3ff: {  	s12 =	smulhi.u32 $0x4EC4EC4F, s24;
	[sflag:s7] =	ssyncadd.s32 $0xFFFFC000  }
0x400: {  	v2 =	vld.idx.msk [tilespmem:v2+s2+$0x0], $0xffff  }
0x401: {  	s9 =	sshrl.u32 s12, $0x3;
	s14 =	sld [smem:$0x7EB]  }
0x402: {  	s13 =	smul.u32 $0x4F58800, s9  }
0x403: {  	s12 =	simm.s32 $0x2A01  }
0x404: {  	v3 =	vmov s12;
	s10 =	ssub.s32 s14, s13  }
0x405: {  	v2 =	vadd.s32 s10, v2  }
0x406: {  	s11 =	simm.s32 $0x7410;
	v4 =	vadd.s32 v0, v2  }
0x407: {  	s9 =	sadd.s32 $0x1, s24;
	v2 =	vadd.s32 v1, v2;
	[tilespmem:s11+$0xFFFFFFF0] =	vst v4  }
0x408: {  	s12 =	smulhi.u32 $0x4EC4EC4F, s9;
	[tilespmem:s11+$0x0] =	vst v2  }
0x409: {  	v3 =	vld.idx.msk [tilespmem:v3+s2+$0x0], $0xffff  }
0x40a: {  	s13 =	sshrl.u32 s12, $0x3  }
0x40b: {  	s13 =	smul.u32 $0x4F58800, s13  }
0x40c: {  	s12 =	simm.s32 $0x2A02;
	s10 =	sadd.s32 $0x30D400, s14  }
0x40d: {  	s13 =	ssub.s32 s10, s13;
	v2 =	vmov s12;
	s12 =	simm.s32 $0x2A03  }
.LBB2_44:
0x40e: {  	p0 =	sne.s32 s12, $0x2BFF;
	v3 =	vadd.s32 s13, v3  }
0x40f: {  	s11 =	sadd.s32 $0x20, s11;
	v4 =	vadd.s32 v0, v3;
	v3 =	vadd.s32 v1, v3  }
0x410: {  	[tilespmem:s11+$0xFFFFFFF0] =	vst v4  }
0x411: {  	s9 =	sadd.s32 $0x1, s9;
	[tilespmem:s11+$0x0] =	vst v3  }
0x412: {  	s13 =	smulhi.u32 $0x4EC4EC4F, s9;
	v3 =	vld.idx.msk [tilespmem:v2+s2+$0x0], $0xffff  }
.Ltmp21:
0x413: {  	(pc) =	sbr.rel @p0 .LBB2_44-.Ltmp21, $4  }
0x414: {  	s13 =	sshrl.u32 s13, $0x3  }
0x415: {  	s13 =	smul.u32 $0x4F58800, s13  }
0x416: {  	s10 =	sadd.s32 $0x30D400, s10  }
0x417: {  	v2 =	vmov s12;
	s12 =	sadd.s32 $0x1, s12;
	s13 =	ssub.s32 s10, s13  }
0x418: {  	v3 =	vadd.s32 s13, v3  }
0x419: {  	s11 =	sadd.s32 $0x20, s11;
	v4 =	vadd.s32 v0, v3  }
0x41a: {  	s9 =	sadd.s32 $0x1, s9;
	v3 =	vadd.s32 v1, v3;
	[tilespmem:s11+$0xFFFFFFF0] =	vst v4  }
0x41b: {  	s9 =	smulhi.u32 $0x4EC4EC4F, s9;
	[tilespmem:s11+$0x0] =	vst v3  }
0x41c: {  	v2 =	vld.idx.msk [tilespmem:v2+s2+$0x0], $0xffff  }
0x41d: {  	s9 =	sshrl.u32 s9, $0x3  }
0x41e: {  	s9 =	smul.u32 $0x4F58800, s9  }
0x41f: {  	s10 =	sadd.s32 $0x30D400, s10  }
0x420: {  	s9 =	ssub.s32 s10, s9  }
0x421: {  	v2 =	vadd.s32 s9, v2  }
0x422: {  	s14 =	sadd.s32 $0x20, s11;
	v3 =	vadd.s32 v0, v2  }
0x423: {  	v2 =	vadd.s32 v1, v2;
	[tilespmem:s14+$0xFFFFFFF0] =	vst v3  }
0x424: {  	[tilespmem:s14+$0x0] =	vst v2  }
0x425: {  	[tilespmem:s5], [sflag:$0x2] =	stream.indirect.gather [hbm4b:s3+s30], $0x1, s0, s30, $0xb8;
	[tilespmem:$0x13400] =	vst v63  }
0x426: {  	_ =	swait.ge [sflag:s20], $0x4000  }
0x427: {  	s10 =	simm.s32 $0x2C00;
	[sflag:s20] =	ssyncset.done $0x0  }
0x428: {  	v2 =	vmov s10;
	s11 =	rddreg [dreg:$0x18];
	[sflag:s20] =	ssyncadd.s32 $0xFFFFC000  }
0x429: {  	[hbm4b:s11+s2] =	stream.linear.scatter [tilespmem:s1], [sflag:$0x3], $0x4000, $0x38;
	[tilespmem:$0x13400] =	vst v63  }
0x42a: {  	_ =	swait.ge [sflag:s4], $0x4000  }
0x42b: {  	[sflag:s4] =	ssyncset.done $0x0  }
0x42c: {  	s12 =	smulhi.u32 $0x4EC4EC4F, s25;
	[sflag:s4] =	ssyncadd.s32 $0xFFFFC000  }
0x42d: {  	v2 =	vld.idx.msk [tilespmem:v2+s2+$0x0], $0xffff  }
0x42e: {  	s9 =	sshrl.u32 s12, $0x3;
	s14 =	sld [smem:$0x7EC]  }
0x42f: {  	s13 =	smul.u32 $0x4F58800, s9  }
0x430: {  	s12 =	simm.s32 $0x2C01  }
0x431: {  	v3 =	vmov s12;
	s10 =	ssub.s32 s14, s13  }
0x432: {  	v2 =	vadd.s32 s10, v2  }
0x433: {  	s11 =	simm.s32 $0x3410;
	v4 =	vadd.s32 v0, v2  }
0x434: {  	s9 =	sadd.s32 $0x1, s25;
	v2 =	vadd.s32 v1, v2;
	[tilespmem:s11+$0xFFFFFFF0] =	vst v4  }
0x435: {  	s12 =	smulhi.u32 $0x4EC4EC4F, s9;
	[tilespmem:s11+$0x0] =	vst v2  }
0x436: {  	v3 =	vld.idx.msk [tilespmem:v3+s2+$0x0], $0xffff  }
0x437: {  	s13 =	sshrl.u32 s12, $0x3  }
0x438: {  	s13 =	smul.u32 $0x4F58800, s13  }
0x439: {  	s12 =	simm.s32 $0x2C02;
	s10 =	sadd.s32 $0x30D400, s14  }
0x43a: {  	s13 =	ssub.s32 s10, s13;
	v2 =	vmov s12;
	s12 =	simm.s32 $0x2C03  }
.LBB2_46:
0x43b: {  	p0 =	sne.s32 s12, $0x2DFF;
	v3 =	vadd.s32 s13, v3  }
0x43c: {  	s11 =	sadd.s32 $0x20, s11;
	v4 =	vadd.s32 v0, v3;
	v3 =	vadd.s32 v1, v3  }
0x43d: {  	[tilespmem:s11+$0xFFFFFFF0] =	vst v4  }
0x43e: {  	s9 =	sadd.s32 $0x1, s9;
	[tilespmem:s11+$0x0] =	vst v3  }
0x43f: {  	s13 =	smulhi.u32 $0x4EC4EC4F, s9;
	v3 =	vld.idx.msk [tilespmem:v2+s2+$0x0], $0xffff  }
.Ltmp22:
0x440: {  	(pc) =	sbr.rel @p0 .LBB2_46-.Ltmp22, $4  }
0x441: {  	s13 =	sshrl.u32 s13, $0x3  }
0x442: {  	s13 =	smul.u32 $0x4F58800, s13  }
0x443: {  	s10 =	sadd.s32 $0x30D400, s10  }
0x444: {  	v2 =	vmov s12;
	s12 =	sadd.s32 $0x1, s12;
	s13 =	ssub.s32 s10, s13  }
0x445: {  	v3 =	vadd.s32 s13, v3  }
0x446: {  	s11 =	sadd.s32 $0x20, s11;
	v4 =	vadd.s32 v0, v3  }
0x447: {  	s9 =	sadd.s32 $0x1, s9;
	v3 =	vadd.s32 v1, v3;
	[tilespmem:s11+$0xFFFFFFF0] =	vst v4  }
0x448: {  	s9 =	smulhi.u32 $0x4EC4EC4F, s9;
	[tilespmem:s11+$0x0] =	vst v3  }
0x449: {  	v2 =	vld.idx.msk [tilespmem:v2+s2+$0x0], $0xffff  }
0x44a: {  	s9 =	sshrl.u32 s9, $0x3  }
0x44b: {  	s9 =	smul.u32 $0x4F58800, s9  }
0x44c: {  	s10 =	sadd.s32 $0x30D400, s10  }
0x44d: {  	s9 =	ssub.s32 s10, s9  }
0x44e: {  	v2 =	vadd.s32 s9, v2  }
0x44f: {  	s14 =	sadd.s32 $0x20, s11;
	v3 =	vadd.s32 v0, v2  }
0x450: {  	v2 =	vadd.s32 v1, v2;
	[tilespmem:s14+$0xFFFFFFF0] =	vst v3  }
0x451: {  	[tilespmem:s14+$0x0] =	vst v2  }
0x452: {  	[tilespmem:s1], [sflag:$0x1] =	stream.indirect.gather [hbm4b:s3+s30], $0x1, s31, s30, $0xb8;
	[tilespmem:$0x13400] =	vst v63  }
0x453: {  	_ =	swait.ge [sflag:s6], $0x4000  }
0x454: {  	s10 =	simm.s32 $0x2E00;
	[sflag:s6] =	ssyncset.done $0x0  }
0x455: {  	v2 =	vmov s10;
	s11 =	rddreg [dreg:$0x19];
	[sflag:s6] =	ssyncadd.s32 $0xFFFFC000  }
0x456: {  	[hbm4b:s11+s2] =	stream.linear.scatter [tilespmem:s5], [sflag:$0x4], $0x4000, $0x38;
	[tilespmem:$0x13400] =	vst v63  }
0x457: {  	_ =	swait.ge [sflag:s7], $0x4000  }
0x458: {  	[sflag:s7] =	ssyncset.done $0x0  }
0x459: {  	s12 =	smulhi.u32 $0x4EC4EC4F, s26;
	[sflag:s7] =	ssyncadd.s32 $0xFFFFC000  }
0x45a: {  	v2 =	vld.idx.msk [tilespmem:v2+s2+$0x0], $0xffff  }
0x45b: {  	s9 =	sshrl.u32 s12, $0x3;
	s14 =	sld [smem:$0x7ED]  }
0x45c: {  	s13 =	smul.u32 $0x4F58800, s9  }
0x45d: {  	s12 =	simm.s32 $0x2E01  }
0x45e: {  	v3 =	vmov s12;
	s10 =	ssub.s32 s14, s13  }
0x45f: {  	v2 =	vadd.s32 s10, v2  }
0x460: {  	s11 =	simm.s32 $0x7410;
	v4 =	vadd.s32 v0, v2  }
0x461: {  	s9 =	sadd.s32 $0x1, s26;
	v2 =	vadd.s32 v1, v2;
	[tilespmem:s11+$0xFFFFFFF0] =	vst v4  }
0x462: {  	s12 =	smulhi.u32 $0x4EC4EC4F, s9;
	[tilespmem:s11+$0x0] =	vst v2  }
0x463: {  	v3 =	vld.idx.msk [tilespmem:v3+s2+$0x0], $0xffff  }
0x464: {  	s13 =	sshrl.u32 s12, $0x3  }
0x465: {  	s13 =	smul.u32 $0x4F58800, s13  }
0x466: {  	s12 =	simm.s32 $0x2E02;
	s10 =	sadd.s32 $0x30D400, s14  }
0x467: {  	s13 =	ssub.s32 s10, s13;
	v2 =	vmov s12;
	s12 =	simm.s32 $0x2E03  }
.LBB2_48:
0x468: {  	p0 =	sne.s32 s12, $0x2FFF;
	v3 =	vadd.s32 s13, v3  }
0x469: {  	s11 =	sadd.s32 $0x20, s11;
	v4 =	vadd.s32 v0, v3;
	v3 =	vadd.s32 v1, v3  }
0x46a: {  	[tilespmem:s11+$0xFFFFFFF0] =	vst v4  }
0x46b: {  	s9 =	sadd.s32 $0x1, s9;
	[tilespmem:s11+$0x0] =	vst v3  }
0x46c: {  	s13 =	smulhi.u32 $0x4EC4EC4F, s9;
	v3 =	vld.idx.msk [tilespmem:v2+s2+$0x0], $0xffff  }
.Ltmp23:
0x46d: {  	(pc) =	sbr.rel @p0 .LBB2_48-.Ltmp23, $4  }
0x46e: {  	s13 =	sshrl.u32 s13, $0x3  }
0x46f: {  	s13 =	smul.u32 $0x4F58800, s13  }
0x470: {  	s10 =	sadd.s32 $0x30D400, s10  }
0x471: {  	v2 =	vmov s12;
	s12 =	sadd.s32 $0x1, s12;
	s13 =	ssub.s32 s10, s13  }
0x472: {  	v3 =	vadd.s32 s13, v3  }
0x473: {  	s11 =	sadd.s32 $0x20, s11;
	v4 =	vadd.s32 v0, v3  }
0x474: {  	s9 =	sadd.s32 $0x1, s9;
	v3 =	vadd.s32 v1, v3;
	[tilespmem:s11+$0xFFFFFFF0] =	vst v4  }
0x475: {  	s9 =	smulhi.u32 $0x4EC4EC4F, s9;
	[tilespmem:s11+$0x0] =	vst v3  }
0x476: {  	v2 =	vld.idx.msk [tilespmem:v2+s2+$0x0], $0xffff  }
0x477: {  	s9 =	sshrl.u32 s9, $0x3  }
0x478: {  	s9 =	smul.u32 $0x4F58800, s9  }
0x479: {  	s10 =	sadd.s32 $0x30D400, s10  }
0x47a: {  	s9 =	ssub.s32 s10, s9  }
0x47b: {  	v2 =	vadd.s32 s9, v2  }
0x47c: {  	s14 =	sadd.s32 $0x20, s11;
	v3 =	vadd.s32 v0, v2  }
0x47d: {  	v2 =	vadd.s32 v1, v2;
	[tilespmem:s14+$0xFFFFFFF0] =	vst v3  }
0x47e: {  	[tilespmem:s14+$0x0] =	vst v2  }
0x47f: {  	[tilespmem:s5], [sflag:$0x2] =	stream.indirect.gather [hbm4b:s3+s30], $0x1, s0, s30, $0xb8;
	[tilespmem:$0x13400] =	vst v63  }
0x480: {  	_ =	swait.ge [sflag:s20], $0x4000  }
0x481: {  	s10 =	simm.s32 $0x3000;
	[sflag:s20] =	ssyncset.done $0x0  }
0x482: {  	v2 =	vmov s10;
	s11 =	rddreg [dreg:$0x1a];
	[sflag:s20] =	ssyncadd.s32 $0xFFFFC000  }
0x483: {  	[hbm4b:s11+s2] =	stream.linear.scatter [tilespmem:s1], [sflag:$0x3], $0x4000, $0x38;
	[tilespmem:$0x13400] =	vst v63  }
0x484: {  	_ =	swait.ge [sflag:s4], $0x4000  }
0x485: {  	[sflag:s4] =	ssyncset.done $0x0  }
0x486: {  	s12 =	smulhi.u32 $0x4EC4EC4F, s28;
	[sflag:s4] =	ssyncadd.s32 $0xFFFFC000  }
0x487: {  	v2 =	vld.idx.msk [tilespmem:v2+s2+$0x0], $0xffff  }
0x488: {  	s9 =	sshrl.u32 s12, $0x3;
	s14 =	sld [smem:$0x7EE]  }
0x489: {  	s13 =	smul.u32 $0x4F58800, s9  }
0x48a: {  	s12 =	simm.s32 $0x3001  }
0x48b: {  	v3 =	vmov s12;
	s10 =	ssub.s32 s14, s13  }
0x48c: {  	v2 =	vadd.s32 s10, v2  }
0x48d: {  	s11 =	simm.s32 $0x3410;
	v4 =	vadd.s32 v0, v2  }
0x48e: {  	s9 =	sadd.s32 $0x1, s28;
	v2 =	vadd.s32 v1, v2;
	[tilespmem:s11+$0xFFFFFFF0] =	vst v4  }
0x48f: {  	s12 =	smulhi.u32 $0x4EC4EC4F, s9;
	[tilespmem:s11+$0x0] =	vst v2  }
0x490: {  	v3 =	vld.idx.msk [tilespmem:v3+s2+$0x0], $0xffff  }
0x491: {  	s13 =	sshrl.u32 s12, $0x3  }
0x492: {  	s13 =	smul.u32 $0x4F58800, s13  }
0x493: {  	s12 =	simm.s32 $0x3002;
	s10 =	sadd.s32 $0x30D400, s14  }
0x494: {  	s13 =	ssub.s32 s10, s13;
	v2 =	vmov s12;
	s12 =	simm.s32 $0x3003  }
.LBB2_50:
0x495: {  	p0 =	sne.s32 s12, $0x31FF;
	v3 =	vadd.s32 s13, v3  }
0x496: {  	s11 =	sadd.s32 $0x20, s11;
	v4 =	vadd.s32 v0, v3;
	v3 =	vadd.s32 v1, v3  }
0x497: {  	[tilespmem:s11+$0xFFFFFFF0] =	vst v4  }
0x498: {  	s9 =	sadd.s32 $0x1, s9;
	[tilespmem:s11+$0x0] =	vst v3  }
0x499: {  	s13 =	smulhi.u32 $0x4EC4EC4F, s9;
	v3 =	vld.idx.msk [tilespmem:v2+s2+$0x0], $0xffff  }
.Ltmp24:
0x49a: {  	(pc) =	sbr.rel @p0 .LBB2_50-.Ltmp24, $4  }
0x49b: {  	s13 =	sshrl.u32 s13, $0x3  }
0x49c: {  	s13 =	smul.u32 $0x4F58800, s13  }
0x49d: {  	s10 =	sadd.s32 $0x30D400, s10  }
0x49e: {  	v2 =	vmov s12;
	s12 =	sadd.s32 $0x1, s12;
	s13 =	ssub.s32 s10, s13  }
0x49f: {  	v3 =	vadd.s32 s13, v3  }
0x4a0: {  	s11 =	sadd.s32 $0x20, s11;
	v4 =	vadd.s32 v0, v3  }
0x4a1: {  	s9 =	sadd.s32 $0x1, s9;
	v3 =	vadd.s32 v1, v3;
	[tilespmem:s11+$0xFFFFFFF0] =	vst v4  }
0x4a2: {  	s9 =	smulhi.u32 $0x4EC4EC4F, s9;
	[tilespmem:s11+$0x0] =	vst v3  }
0x4a3: {  	v2 =	vld.idx.msk [tilespmem:v2+s2+$0x0], $0xffff  }
0x4a4: {  	s9 =	sshrl.u32 s9, $0x3  }
0x4a5: {  	s9 =	smul.u32 $0x4F58800, s9  }
0x4a6: {  	s10 =	sadd.s32 $0x30D400, s10  }
0x4a7: {  	s9 =	ssub.s32 s10, s9  }
0x4a8: {  	v2 =	vadd.s32 s9, v2  }
0x4a9: {  	s14 =	sadd.s32 $0x20, s11;
	v3 =	vadd.s32 v0, v2  }
0x4aa: {  	v2 =	vadd.s32 v1, v2;
	[tilespmem:s14+$0xFFFFFFF0] =	vst v3  }
0x4ab: {  	[tilespmem:s14+$0x0] =	vst v2  }
0x4ac: {  	[tilespmem:s1], [sflag:$0x1] =	stream.indirect.gather [hbm4b:s3+s30], $0x1, s31, s30, $0xb8;
	[tilespmem:$0x13400] =	vst v63  }
0x4ad: {  	_ =	swait.ge [sflag:s6], $0x4000  }
0x4ae: {  	s10 =	simm.s32 $0x3200;
	[sflag:s6] =	ssyncset.done $0x0  }
0x4af: {  	v2 =	vmov s10;
	s11 =	rddreg [dreg:$0x1b];
	[sflag:s6] =	ssyncadd.s32 $0xFFFFC000  }
0x4b0: {  	[hbm4b:s11+s2] =	stream.linear.scatter [tilespmem:s5], [sflag:$0x4], $0x4000, $0x38;
	[tilespmem:$0x13400] =	vst v63  }
0x4b1: {  	_ =	swait.ge [sflag:s7], $0x4000  }
0x4b2: {  	[sflag:s7] =	ssyncset.done $0x0  }
0x4b3: {  	s12 =	smulhi.u32 $0x4EC4EC4F, s29;
	[sflag:s7] =	ssyncadd.s32 $0xFFFFC000  }
0x4b4: {  	v2 =	vld.idx.msk [tilespmem:v2+s2+$0x0], $0xffff  }
0x4b5: {  	s9 =	sshrl.u32 s12, $0x3;
	s14 =	sld [smem:$0x7EF]  }
0x4b6: {  	s13 =	smul.u32 $0x4F58800, s9  }
0x4b7: {  	s12 =	simm.s32 $0x3201  }
0x4b8: {  	v3 =	vmov s12;
	s10 =	ssub.s32 s14, s13  }
0x4b9: {  	v2 =	vadd.s32 s10, v2  }
0x4ba: {  	s11 =	simm.s32 $0x7410;
	v4 =	vadd.s32 v0, v2  }
0x4bb: {  	s9 =	sadd.s32 $0x1, s29;
	v2 =	vadd.s32 v1, v2;
	[tilespmem:s11+$0xFFFFFFF0] =	vst v4  }
0x4bc: {  	s12 =	smulhi.u32 $0x4EC4EC4F, s9;
	[tilespmem:s11+$0x0] =	vst v2  }
0x4bd: {  	v3 =	vld.idx.msk [tilespmem:v3+s2+$0x0], $0xffff  }
0x4be: {  	s13 =	sshrl.u32 s12, $0x3  }
0x4bf: {  	s13 =	smul.u32 $0x4F58800, s13  }
0x4c0: {  	s12 =	simm.s32 $0x3202;
	s10 =	sadd.s32 $0x30D400, s14  }
0x4c1: {  	s13 =	ssub.s32 s10, s13;
	v2 =	vmov s12;
	s12 =	simm.s32 $0x3203  }
.LBB2_52:
0x4c2: {  	p0 =	sne.s32 s12, $0x33FF;
	v3 =	vadd.s32 s13, v3  }
0x4c3: {  	s11 =	sadd.s32 $0x20, s11;
	v4 =	vadd.s32 v0, v3;
	v3 =	vadd.s32 v1, v3  }
0x4c4: {  	[tilespmem:s11+$0xFFFFFFF0] =	vst v4  }
0x4c5: {  	s9 =	sadd.s32 $0x1, s9;
	[tilespmem:s11+$0x0] =	vst v3  }
0x4c6: {  	s13 =	smulhi.u32 $0x4EC4EC4F, s9;
	v3 =	vld.idx.msk [tilespmem:v2+s2+$0x0], $0xffff  }
.Ltmp25:
0x4c7: {  	(pc) =	sbr.rel @p0 .LBB2_52-.Ltmp25, $4  }
0x4c8: {  	s13 =	sshrl.u32 s13, $0x3  }
0x4c9: {  	s13 =	smul.u32 $0x4F58800, s13  }
0x4ca: {  	s10 =	sadd.s32 $0x30D400, s10  }
0x4cb: {  	v2 =	vmov s12;
	s12 =	sadd.s32 $0x1, s12;
	s13 =	ssub.s32 s10, s13  }
0x4cc: {  	v3 =	vadd.s32 s13, v3  }
0x4cd: {  	s11 =	sadd.s32 $0x20, s11;
	v4 =	vadd.s32 v0, v3  }
0x4ce: {  	s9 =	sadd.s32 $0x1, s9;
	v3 =	vadd.s32 v1, v3;
	[tilespmem:s11+$0xFFFFFFF0] =	vst v4  }
0x4cf: {  	s9 =	smulhi.u32 $0x4EC4EC4F, s9;
	[tilespmem:s11+$0x0] =	vst v3  }
0x4d0: {  	v2 =	vld.idx.msk [tilespmem:v2+s2+$0x0], $0xffff  }
0x4d1: {  	s9 =	sshrl.u32 s9, $0x3  }
0x4d2: {  	s9 =	smul.u32 $0x4F58800, s9  }
0x4d3: {  	s10 =	sadd.s32 $0x30D400, s10  }
0x4d4: {  	s9 =	ssub.s32 s10, s9  }
0x4d5: {  	v2 =	vadd.s32 s9, v2  }
0x4d6: {  	s11 =	sadd.s32 $0x20, s11;
	v3 =	vadd.s32 v0, v2  }
0x4d7: {  	v2 =	vadd.s32 v1, v2;
	[tilespmem:s11+$0xFFFFFFF0] =	vst v3  }
0x4d8: {  	[tilespmem:s11+$0x0] =	vst v2  }
0x4d9: {  	[tilespmem:s5], [sflag:$0x2] =	stream.indirect.gather [hbm4b:s3+s30], $0x1, s0, s30, $0xb8;
	[tilespmem:$0x13400] =	vst v63  }
0x4da: {  	_ =	swait.ge [sflag:s20], $0x4000  }
0x4db: {  	[sflag:s20] =	ssyncset.done $0x0  }
0x4dc: {  	s12 =	rddreg [dreg:$0x1c];
	[sflag:s20] =	ssyncadd.s32 $0xFFFFC000  }
0x4dd: {  	[hbm4b:s12+s2] =	stream.linear.scatter [tilespmem:s1], [sflag:$0x3], $0x4000, $0x38;
	[tilespmem:$0x13400] =	vst v63  }
0x4de: {  	_ =	swait.ge [sflag:s6], $0x4000  }
0x4df: {  	[sflag:s6] =	ssyncset.done $0x0  }
0x4e0: {  	s13 =	rddreg [dreg:$0x1d];
	[sflag:s6] =	ssyncadd.s32 $0xFFFFC000  }
0x4e1: {  	[hbm4b:s13+s2] =	stream.linear.scatter [tilespmem:s5], [sflag:$0x4], $0x4000, $0x38;
	[tilespmem:$0x13400] =	vst v63  }
0x4e2: {  	_ =	swait.ge [sflag:s4], $0x4000  }
0x4e3: {  	[sflag:s4] =	ssyncset.done $0x0  }
0x4e4: {  	[sflag:s4] =	ssyncadd.s32 $0xFFFFC000  }
0x4e5: {  	_ =	swait.ge [sflag:s7], $0x4000  }
0x4e6: {  	s8 =	sadd.s32 $0x1, s8;
	s14 =	rddreg [dreg:$0x1e]  }
0x4e7: {  	p0 =	sne.s32 s8, s14  }
.Ltmp26:
0x4e8: {  	_ = 	snop;
	(pc) =	sbr.rel @p0 .LBB2_1-.Ltmp26, $3  }
0x4e9: {  	_ =	sdelay $0x1  }
0x4ea: {  	[sflag:s7] =	ssyncset.done $0x0  }
0x4eb: {  	[sflag:s7] =	ssyncadd.s32 $0xFFFFC000  }
0x4ec: {  	_ =	sfence.sel $0x180000  }
0x4ed: {  	[bflag:$0x0] =	sbarrier.arrive $0xFFFF  }
0x4ee: {  	_ =	strace $0x90000047  }
0x4ef: {  	s0 =	stileid.u32;
	[bflag:$0x2] =	sbarrier.arrive $0xFFFF  }
0x4f0: {  	p0 =	sne.s32 s0, $0x0;
	s0 =	rddreg [dreg:$0x2]  }
0x4f1: {  	s0 =	sadd.s32 @!p0 $0x100000, s0  }
0x4f2: {  	[sflag:s0] =	ssyncadd.tile.s32 @!p0 $0x1;
	_ =	shalt  }
.Lfunc_end2:
_tile_overlayer_lowered:
.L_overlay_start_2:
0x4f3: {  	(tag) =	ssettag $0x2  }
0x4f4: {  	s0 =	rddreg [dreg:$0x0];
	s2 =	stileid.u32  }
0x4f5: {  	s1 =	rddreg [dreg:$0x1];
	p0 =	sne.s32 s2, $0x0  }
0x4f6: {  	s3 =	rddreg [dreg:$0x2];
	[bflag:$0x3] =	sbarrier.arrive $0xFFFF;
	s2 =	simm.s32 @!p0 $0x1C05  }
0x4f7: {  	[timem:s3], [sflag:s2] =	dma.local @!p0 [hbm:s0], s1  }
0x4f8: {  	s0 =	simm.s32 @!p0 $0x5  }
0x4f9: {  	_ =	swait.ge @!p0 [sflag:s0], s1  }
0x4fa: {  	s1 =	ssub.s32 @!p0 $0x0, s1;
	[sflag:s0] =	ssyncset.done @!p0 $0x0  }
0x4fb: {  	[sflag:s0] =	ssyncadd.s32 @!p0 s1  }
0x4fc: {  	[bflag:$0x3] =	sbarrier.arrive $0xFFFF  }
0x4fd: {  	_ =	shalt  }

// kernel: sparse-core-data-format-call.cloned.1.call-start
scs
called_computation_lowered:
.L_overlay_start_0:
0x0: {  	s2 =	sld [smem:$0x3FD9]  }
0x1: {  	s3 =	sld [smem:$0x3FFE];
	_ =	sdelay $0x1  }
0x2: {  	s1 =	srdreg.scid  }
0x3: {  	s0 =	sand.u32 $0x1, s1  }
0x4: {  	s18 =	sshll.u32 s0, $0xA;
	s2 =	sadd.s32 s3, s2  }
0x5: {  	s2 =	sadd.s32 s2, s18  }
0x6: {  	[smem:$0x3FC6] =	sst s2  }
0x7: {  	_ = 	snop  }
0x8: {  	s2 =	sld [smem:$0x3FD0];
	(tm) =	ssettm $0x1  }
0x9: {  	s19 =	sld [smem:$0x3FFB];
	_ =	sdelay $0x3  }
0xa: {  	_ =	strace s19  }
0xb: {  	s3 =	sld [smem:$0x3FFC];
	_ =	sdelay $0x3  }
0xc: {  	_ =	strace s3  }
0xd: {  	s3 =	sld [smem:$0x3FFD];
	_ =	sdelay $0x3  }
0xe: {  	_ =	strace s3  }
0xf: {  	_ =	strace $0x8FFFFFFF  }
0x10: {  	s20 =	sld [smem:$0x3FDB];
	_ =	sdelay $0x1  }
0x11: {  	s4 =	simm.s32 $_scs_section_size  }
0x12: {  	s5 =	simm.s32 $_size__tile_overlayer_lowered;
	s6 =	simm.s32 $_tile_overlayer_lowered  }
0x13: {  	s23 =	simm.s32 $0x1BFF;
	s22 =	sshll.u32 s6, $0x1;
	s3 =	sadd.s32 s4, s20  }
0x14: {  	s7 =	simm.s32 $0x0;
	s21 =	sshll.u32 s5, $0x1;
	s5 =	sadd.s32 s22, s3  }
0x15: {  	[timem:s7], [sflag:s23] =	dma.local [hbm:s5], s21  }
0x16: {  	_ =	swait.ge [sflag:s23], s21  }
0x17: {  	s4 =	ssub.s32 $0x0, s21;
	[sflag:s23] =	ssyncset.done $0x0  }
0x18: {  	[sflag:s23] =	ssyncadd.s32 s4;
	_ =	sdelay $0x1  }
0x19: {  	s24 =	simm.s32 $0x1B8B  }
0x1a: {  	_ =	swait.ge [sflag:s24], $0x1  }
0x1b: {  	[sflag:s24] =	ssyncset.done $0x0  }
0x1c: {  	s26 =	simm.s32 $0x1B8E;
	s25 =	sld [smem:$0x3FFE];
	[sflag:s24] =	ssyncadd.s32 $0xFFFFFFFF  }
0x1d: {  	s27 =	simm.s32 $execute0_lowered;
	[smem:$0x3FD2] =	sst s26  }
0x1e: {  	s5 =	sshll.u32 s27, $0x1;
	_ =	strace $0x80000049;
	[dreg:$0x1] =	wrdreg $0xFFFFFFFF  }
0x1f: {  	s28 =	simm.s32 $_size_execute0_lowered;
	s3 =	sadd.s32 s3, s5;
	[dreg:$0x0] =	wrdreg $0x0  }
0x20: {  	s5 =	sshll.u32 s28, $0x1;
	[dreg:$0x2] =	wrdreg s3  }
0x21: {  	[dreg:$0x3] =	wrdreg s5  }
0x22: {  	[dreg:$0x4] =	wrdreg $0xC0  }
0x23: {  	_ =	task [dreg:s7], $0x5FFFF  }
0x24: {  	[dreg:$0x1] =	wrdreg $0xFFFFFFFF  }
0x25: {  	[dreg:$0x0] =	wrdreg $0x60  }
0x26: {  	[dreg:$0x2] =	wrdreg s25  }
0x27: {  	[dreg:$0x3] =	wrdreg s2  }
0x28: {  	[dreg:$0x4] =	wrdreg $0x9  }
0x29: {  	_ =	task.clear_ibuf [dreg:s7], $0x5FFFF;
	_ =	strace $0x90000049  }
0x2a: {  	s29 =	simm.s32 $0x9;
	_ =	strace $0x8000004B  }
0x2b: {  	_ =	swait.ge [sflag:s29], $0x1  }
0x2c: {  	[sflag:s29] =	ssyncadd.s32 $0xFFFFFFFF  }
0x2d: {  	_ =	strace $0x9000004B  }
0x2e: {  	_ =	sfence  }
0x2f: {  	s30 =	sld [smem:$0x0];
	_ =	sdelay $0x2  }
0x30: {  	s31 =	sshll.u32 s1, $0xD;
	s1 =	sshrl.u32 s1, $0x2  }
0x31: {  	s3 =	sand.u32 $0x4000, s31;
	s1 =	sadd.s32 s1, s30  }
0x32: {  	s0 =	sor.u32 s3, s0;
	s1 =	sshll.u32 s1, $0x11  }
0x33: {  	s0 =	sor.u32 s1, s0  }
0x34: {  	s0 =	sadd.s32 $0x8F2B, s0  }
0x35: {  	[sflag:s0] =	ssyncadd.remote.s32 $0x1  }
0x36: {  	_ =	sfence.sel $0xFFFF  }
0x37: {  	[dreg:$0x0] =	wrdreg $0xFFFFFFFF;
	(pc) =	sbr.abs _section_cstart, $3  }
0x38: {  	[dreg:$0x1] =	wrdreg $0xFFFFFFFF  }
0x39: {  	_ =	task.clear_ibuf [dreg:s7], $0x2FFFF;
	_ =	strace $0x9FFFFFFF  }
0x3a: {  	(tm) =	ssettm $0x7FFFFFFF  }
0x3b: {  	_ =	shalt  }
tec
execute0_lowered:
.L_overlay_start_1:
0x0: {  	(tag) =	ssettag $0x1  }
0x1: {  	s0 =	srdreg.scid  }
0x2: {  	s1 =	sshll.u32 s0, $0x4  }
0x3: {  	s0 =	stileid.u32;
	s1 =	sand.u32 $0x10, s1  }
0x4: {  	s1 =	sor.u32 s0, s1  }
0x5: {  	s6 =	rddreg [dreg:$0x0];
	s4 =	simm.s32 $0x1;
	s2 =	sshll.u32 s1, $0x7  }
0x6: {  	s7 =	simm.s32 $0x2;
	s12 =	simm.s32 $0x0;
	s1 =	ssub.s32 $0x4000, s2  }
0x7: {  	s8 =	simm.s32 $0x20000;
	s13 =	simm.s32 $0x0;
	s3 =	sand.u32 $0xF80, s1  }
0x8: {  	s9 =	simm.s32 $0x0;
	s5 =	sshrl.u32 s1, $0xC;
	p0 =	sne.s32 s3, $0x0  }
.Ltmp0:
0x9: {  	s1 =	rddreg [dreg:$0x2];
	s4 =	simm.s32 @!p0 $0x0;
	(pc) =	sbr.rel .LBB1_1-.Ltmp0, $4  }
0xa: {  	s11 =	simm.s32 $0x0;
	s3 =	rddreg [dreg:$0x1];
	s5 =	sadd.s32 s4, s5  }
0xb: {  	_ =	strace $0x8000004A;
	s4 =	simm.s32 $0x1;
	s5 =	smul.u32 $0x1A, s5  }
0xc: {  	s6 =	sadd.s32 $0x800, s6;
	s10 =	smov.u32 s2;
	[sflag:s4] =	ssyncpa.u1 $0x0  }
0xd: {  	p0 =	por $0x0, $0x0;
	[sflag:s7] =	ssyncpa.u1 $0x0;
	s7 =	sor.u32 $0x1, s5  }
.LBB1_4:
0xe: {  	s16 =	sshll.u32 s13, $0x3;
	s17 =	sand.u32 $0x78, s13  }
0xf: {  	s30 =	sand.u32 $0xF800, s13;
	s12 =	sshll.u32 s12, $0x10;
	s16 =	sand.u32 $0x3C00, s16  }
0x10: {  	s31 =	sand.u32 $0x7, s13;
	s16 =	sor.u32 s17, s16;
	s17 =	sadd.s32 s3, s30  }
0x11: {  	s13 =	sshll.u32 s31, $0x12;
	s16 =	sshrl.u32 s16, $0x3;
	s12 =	sadd.s32 s12, s17  }
0x12: {  	[tilespmem:s15+$0x0 ss:$0x81] =	vst.msk $0xffff, v0;
	s13 =	sor.u32 $0x400, s13;
	s12 =	sadd.s32 s16, s12  }
0x13: {  	[hbm4b:s12+s13] =	stream.strided.scatter [tilespmem:s14], [sflag:$0x2], $0x1000, s8, s13, $0x20;
	[tilespmem:$0x4040] =	vst v63  }
.LBB1_5:
0x14: {  	s14 =	sadd.s32 $0x1, s9  }
0x15: {  	s12 =	sadd.s32 $0x1000, s10;
	s16 =	smov.u32 s10;
	p2 =	sgt.s32 s14, $0x19  }
0x16: {  	s16 =	smov.u32 @p2 s12  }
0x17: {  	s14 =	simm.s32 @p2 $0x0;
	p2 =	sgt.s32 s16, $0x3FFF  }
0x18: {  	s16 =	smov.u32 @p2 s2;
	p2 =	sne.s32 s11, s7  }
.Ltmp1:
0x19: {  	p1 =	slt.u32 s11, $0x2;
	(pc) =	sbr.rel @!p2 .LBB1_6-.Ltmp1, $4  }
0x1a: {  	s15 =	simm.s32 @!p1 $0x2  }
0x1b: {  	s13 =	smov.u32 s10;
	p0 =	por !p0, !p0;
	_ =	swait.ge @!p1 [sflag:s15], $0x1000  }
0x1c: {  	s12 =	smov.u32 s9;
	[sflag:s15] =	ssyncset.done @!p1 $0x0;
	s9 =	smov.u32 s14  }
0x1d: {  	s11 =	sadd.s32 $0x1, s11;
	[sflag:s15] =	ssyncadd.s32 @!p1 $0xFFFFF000;
	s10 =	smov.u32 s16  }
.LBB1_1:
0x1e: {  	p1 =	sge.u32 s11, s5  }
0x1f: {  	s31 =	sadd.s32 $0xFFFFFFFF, s11;
	s14 =	sxor.u32 @!p1 $0xFFFFFFFF, s11  }
0x20: {  	s15 =	sshll.u32 @!p1 s10, $0x9;
	s16 =	sshll.u32 @!p1 s9, $0x4;
	s17 =	simm.s32 @!p1 $0x1000  }
0x21: {  	s14 =	sshll.u32 @!p1 s14, $0xC;
	s16 =	sand.u32 @!p1 $0x1F0, s16;
	s15 =	sadd.s32 @!p1 s6, s15  }
0x22: {  	s14 =	sand.u32 @!p1 $0x1000, s14;
	s15 =	sadd.s32 @!p1 s16, s15;
	s16 =	simm.s32 @!p1 $0x20  }
0x23: {  	[tilespmem:s14], [sflag:$0x1] =	stream.strided.gather @!p1 [hbm4b:s15+s16], $0x1000, s17, s16, $0x38;
	[tilespmem:$0x4040] =	vst v63  }
0x24: {  	p1 =	sge.u32 s31, s5  }
.Ltmp2:
0x25: {  	_ = 	snop;
	(pc) =	sbr.rel @p1 .LBB1_5-.Ltmp2, $1  }
0x26: {  	_ =	sdelay $0x3  }
0x27: {  	s14 =	simm.s32 $0x1  }
0x28: {  	_ =	swait.ge [sflag:s4], $0x1000;
	s14 =	simm.s32 @!p0 $0x0  }
0x29: {  	[sflag:s4] =	ssyncset.done $0x0;
	s15 =	sshll.u32 s14, $0xC  }
0x2a: {  	[sflag:s4] =	ssyncadd.s32 $0xFFFFF000;
	s18 =	sor.u32 $0x10, s15  }
0x2b: {  	s14 =	smul.u32 $0x4080, s14;
	v1 =	vld [tilespmem:s18+$0x0]  }
0x2c: {  	s30 =	sand.u32 $0x1, s11;
	v0 =	vld [tilespmem:s18+$0xFFFFFFF0]  }
0x2d: {  	s15 =	smul.u32 $0x4080, s30;
	s14 =	sshrl.u32 s14, $0x2  }
0x2e: {  	s16 =	sor.u32 $0x2000, s14  }
0x2f: {  	s31 =	sshrl.u32 s15, $0x2;
	s15 =	sadd.s32 $0x0, s16  }
0x30: {  	s17 =	simm.s32 $0x4;
	s18 =	sadd.s32 $0x20, s18;
	s14 =	sor.u32 $0x2000, s31;
	[tilespmem:s15+$0x810 ss:$0x81] =	vst.msk $0xffff, v1  }
.LBB1_3:
0x31: {  	v1 =	vld [tilespmem:s18+$0x0];
	p1 =	sne.s32 s17, $0x1FC;
	[tilespmem:s15+$0x0 ss:$0x81] =	vst.msk $0xffff, v0;
	s15 =	smov.u32 s17;
	s17 =	sadd.s32 $0x4, s17  }
.Ltmp3:
0x32: {  	v0 =	vld [tilespmem:s18+$0xFFFFFFF0];
	(pc) =	sbr.rel @p1 .LBB1_3-.Ltmp3, $4  }
0x33: {  	_ = 	snop  }
0x34: {  	s15 =	sshra.s32 s15, $0x2  }
0x35: {  	s15 =	sadd.s32 s15, s16  }
0x36: {  	s18 =	sadd.s32 $0x20, s18;
	[tilespmem:s15+$0x810 ss:$0x81] =	vst.msk $0xffff, v1  }
.Ltmp4:
0x37: {  	_ = 	snop;
	(pc) =	sbr.rel .LBB1_4-.Ltmp4, $1  }
0x38: {  	_ =	sdelay $0x3  }
.LBB1_6:
0x39: {  	_ =	sfence.sel $0x180000  }
0x3a: {  	s2 =	simm.s32 $0x1;
	[bflag:$0x0] =	sbarrier.arrive $0xFFFF  }
0x3b: {  	s31 =	simm.s32 $0x2;
	[sflag:s2] =	ssyncpa.u1 $0x1  }
0x3c: {  	[sflag:s31] =	ssyncpa.u1 $0x1  }
0x3d: {  	p0 =	sne.s32 s0, $0x0;
	_ =	strace $0x9000004A  }
0x3e: {  	s0 =	sadd.s32 @!p0 $0x100000, s1;
	[bflag:$0x2] =	sbarrier.arrive $0xFFFF  }
0x3f: {  	[sflag:s0] =	ssyncadd.tile.s32 @!p0 $0x1;
	_ =	shalt  }
.Lfunc_end1:
_tile_overlayer_lowered:
.L_overlay_start_2:
0x40: {  	(tag) =	ssettag $0x2  }
0x41: {  	s0 =	rddreg [dreg:$0x0];
	s2 =	stileid.u32  }
0x42: {  	s1 =	rddreg [dreg:$0x1];
	p0 =	sne.s32 s2, $0x0  }
0x43: {  	s3 =	rddreg [dreg:$0x2];
	[bflag:$0x3] =	sbarrier.arrive $0xFFFF;
	s2 =	simm.s32 @!p0 $0x1C01  }
0x44: {  	[timem:s3], [sflag:s2] =	dma.local @!p0 [hbm:s0], s1  }
0x45: {  	s0 =	simm.s32 @!p0 $0x1  }
0x46: {  	_ =	swait.ge @!p0 [sflag:s0], s1  }
0x47: {  	s1 =	ssub.s32 @!p0 $0x0, s1;
	[sflag:s0] =	ssyncset.done @!p0 $0x0  }
0x48: {  	[sflag:s0] =	ssyncadd.s32 @!p0 s1  }
0x49: {  	[bflag:$0x3] =	sbarrier.arrive $0xFFFF  }
0x4a: {  	_ =	shalt  }

</sc_bundles>
